<compile_context>
chip_gen: v7x
topology: tpu7x:2x2x1
jax: 0.10.2.dev20260603
libtpu: 0.0.44.dev20260713+nightly
codegen_flags: <defaults>
</compile_context>

<pallas_src>
import functools

import jax
import jax.numpy as jnp
from jax import lax
from jax.experimental import pallas as pl
from jax.experimental.pallas import tpu as pltpu
from jax.experimental.pallas import tpu_sc as plsc

LANES = 16
NBUF = 4
DEPTH = 2


def _build_sc_kernel(B, L, V, D):
    info = plsc.get_sparse_core_info()
    NC, NS = info.num_cores, info.num_subcores
    NW = NC * NS
    assert B % NW == 0
    rows_per_w = B // NW
    toks_per_w = rows_per_w * L
    assert rows_per_w % NBUF == 0
    n_steps = rows_per_w // NBUF
    assert D % LANES == 0
    KD = D // LANES
    NG = (L + LANES - 1) // LANES
    g_starts = [g * LANES for g in range(NG - 1)] + [L - LANES]
    LPAD = L + 8

    mesh = plsc.VectorSubcoreMesh(core_axis_name="c", subcore_axis_name="s")

    @functools.partial(
        pl.kernel,
        mesh=mesh,
        compiler_params=pltpu.CompilerParams(use_tc_tiling_on_sc=False),
        out_type=jax.ShapeDtypeStruct((B, L, D), jnp.float32),
        scratch_types=[
            pltpu.VMEM((rows_per_w + LANES,), jnp.int32),
            pltpu.VMEM((L, D), jnp.float32),
            pltpu.VMEM((toks_per_w,), jnp.int32),
            [pltpu.VMEM((LPAD, D), jnp.float32) for _ in range(NBUF)],
            [pltpu.SemaphoreType.DMA for _ in range(NBUF)],
            [pltpu.SemaphoreType.DMA for _ in range(NBUF)],
        ],
    )
    def k(x_hbm, lens_hbm, emb_hbm, pe_hbm, out_hbm,
          lens_v, pem_v, idx_all, rows, sem_g, sem_s):
        wid = lax.axis_index("s") * NC + lax.axis_index("c")
        base_row = wid * rows_per_w
        base_tok = wid * toks_per_w

        pltpu.sync_copy(lens_hbm.at[pl.ds(base_row, rows_per_w)],
                        lens_v.at[pl.ds(0, rows_per_w)])
        pltpu.sync_copy(pe_hbm, pem_v)
        pltpu.sync_copy(x_hbm.at[pl.ds(base_tok, toks_per_w)], idx_all)

        zero = jnp.int32(0)
        zeros16 = jnp.zeros((LANES,), jnp.int32)

        def pe_scale(i, carry):
            for kk in range(KD):
                s = pl.ds(kk * LANES, LANES)
                pem_v[i, s] = pem_v[i, s] * jnp.float32(0.125)
            return carry

        lax.fori_loop(0, L, pe_scale, zero)

        def gather_start(r, b):
            for gs in g_starts:
                idx16 = idx_all[pl.ds(r * L + gs, LANES)]
                pltpu.async_copy(emb_hbm.at[idx16],
                                 rows[b].at[pl.ds(gs, LANES)],
                                 sem_g[b])

        def gather_wait(r, b):
            pltpu.make_async_copy(emb_hbm.at[pl.ds(0, NG * LANES)],
                                  rows[b].at[pl.ds(0, NG * LANES)],
                                  sem_g[b]).wait()

        def store_start(r, b):
            pltpu.async_copy(rows[b].at[pl.ds(0, L)],
                             out_hbm.at[base_row + r], sem_s[b])

        def store_wait(r, b):
            pltpu.make_async_copy(rows[b].at[pl.ds(0, L)],
                                  out_hbm.at[base_row + r], sem_s[b]).wait()

        def compute(r, b):
            rb = r & jnp.int32(~15)
            lens16 = lens_v[pl.ds(rb, LANES)]
            ln = lens16.at[zeros16 + (r - rb)].get(mode="promise_in_bounds")

            @plsc.parallel_loop(0, L, unroll=2)
            def token(t):
                mf = jnp.where(zeros16 + t < ln, jnp.float32(8.0),
                               jnp.float32(0.0))
                for kk in range(KD):
                    s = pl.ds(kk * LANES, LANES)
                    rows[b][t, s] = (rows[b][t, s] + pem_v[t, s]) * mf

        for b in range(DEPTH):
            gather_start(jnp.int32(b), b)

        def step(s, carry):
            for cc in range(NBUF):
                b = cc
                r = NBUF * s + cc
                gather_wait(r, b)
                b2 = (cc + DEPTH) % NBUF
                @pl.when(r + DEPTH < rows_per_w)
                def _():
                    @pl.when(r >= NBUF - DEPTH)
                    def _():
                        store_wait(r + DEPTH - NBUF, b2)
                    gather_start(r + DEPTH, b2)
                compute(r, b)
                store_start(r, b)
            return carry

        lax.fori_loop(0, n_steps, step, zero)

        for i in range(NBUF):
            store_wait(rows_per_w - NBUF + i, i)

    return k


def kernel(x, input_lengths, embedding_weight, pos_enc):
    B, L = x.shape
    V, D = embedding_weight.shape
    k = _build_sc_kernel(B, L, V, D)
    return k(x.reshape(-1), input_lengths, embedding_weight, pos_enc)

# --- scband reference (transcript-rebuilt; emitter-appended) ---
"""Pipeline reference for scband-embedding-layer-18674517803214 (READ-ONLY COPY).

The authoritative reference and input builder live on the scoring server;
editing this copy changes nothing except your own understanding.
"""

import jax, jax.numpy as jnp
import numpy as np


def _make_pe(max_len, embed_size):
    pos = np.arange(max_len)[:, None].astype(np.float32)
    i = np.arange(0, embed_size, 2).astype(np.float32)
    denom = np.power(10000.0, i / float(embed_size))
    ang = pos / denom
    pe = np.zeros((max_len, embed_size), dtype=np.float32)
    pe[:, 0::2] = np.sin(ang)
    pe[:, 1::2] = np.cos(ang)
    return jnp.asarray(pe)


def setup_inputs(seed: int = 0):
    key = jax.random.key(seed)
    k1, k2, k3 = jax.random.split(key, 3)
    B, L, V, D = 4096, 200, 1000000, 64
    x = jax.random.randint(k1, (B, L), 0, V, dtype=jnp.int32)
    input_lengths = jax.random.randint(k2, (B,), 0, L, dtype=jnp.int32)
    emb = jax.random.normal(k3, (V, D), dtype=jnp.float32) * 0.02
    emb = emb.at[0].set(0.0)  # padding_idx=0
    pos_enc = _make_pe(L, D)
    return {"x": x, "input_lengths": input_lengths, "embedding_weight": emb, "pos_enc": pos_enc}


def reference(x, input_lengths, embedding_weight, pos_enc):
    # EmbeddingLayer.forward with pre_norm=False, dropout in eval mode (identity).
    D = embedding_weight.shape[1]
    L = x.shape[1]
    emb = jnp.take(embedding_weight, x, axis=0)  # gather: [B, L, D]
    out = emb * jnp.sqrt(jnp.float32(D)) + pos_enc[None, :L, :]
    mask = (jnp.arange(L, dtype=jnp.int32)[None, :] < input_lengths[:, None])[..., None]
    out = out * mask.astype(out.dtype)
    return out

if __name__ == "__main__":
    import jax
    _d = setup_inputs()
    print(jax.jit(kernel)(*tuple(_d.values())))

</pallas_src>

<mosaic_0001>
#map = affine_map<(d0, d1) -> (0)>
#map1 = affine_map<(d0, d1) -> (0, 0)>
#map2 = affine_map<(d0, d1) -> (0, 0, 0)>
module attributes {stable_mosaic.version = 14 : i64} {
  func.func @k(%arg0: i32, %arg1: i32, %arg2: memref<819200xi32, #tpu.memory_space<hbm>>, %arg3: memref<4096xi32, #tpu.memory_space<hbm>>, %arg4: memref<1000000x64xf32, #tpu.memory_space<hbm>>, %arg5: memref<200x64xf32, #tpu.memory_space<hbm>>, %arg6: memref<4096x200x64xf32, #tpu.memory_space<hbm>>, %arg7: memref<144xi32, #tpu.memory_space<vmem>>, %arg8: memref<200x64xf32, #tpu.memory_space<vmem>>, %arg9: memref<25600xi32, #tpu.memory_space<vmem>>, %arg10: memref<208x64xf32, #tpu.memory_space<vmem>>, %arg11: memref<208x64xf32, #tpu.memory_space<vmem>>, %arg12: memref<208x64xf32, #tpu.memory_space<vmem>>, %arg13: memref<208x64xf32, #tpu.memory_space<vmem>>, %arg14: memref<!tpu.dma_semaphore, #tpu.memory_space<semaphore_mem>>, %arg15: memref<!tpu.dma_semaphore, #tpu.memory_space<semaphore_mem>>, %arg16: memref<!tpu.dma_semaphore, #tpu.memory_space<semaphore_mem>>, %arg17: memref<!tpu.dma_semaphore, #tpu.memory_space<semaphore_mem>>, %arg18: memref<!tpu.dma_semaphore, #tpu.memory_space<semaphore_mem>>, %arg19: memref<!tpu.dma_semaphore, #tpu.memory_space<semaphore_mem>>, %arg20: memref<!tpu.dma_semaphore, #tpu.memory_space<semaphore_mem>>, %arg21: memref<!tpu.dma_semaphore, #tpu.memory_space<semaphore_mem>>) attributes {dimension_semantics = [#tpu.dimension_semantics<core_parallel>, #tpu.dimension_semantics<subcore_parallel>], iteration_bounds = array<i64: 2, 16>, scalar_prefetch = 0 : i64, scratch_operands = 15 : i64, tpu.core_type = #tpu.core_type<sc_vector_subcore>, window_params = [{transform_indices = #map}, {transform_indices = #map}, {transform_indices = #map1}, {transform_indices = #map1}, {transform_indices = #map2}]} {
    %mul3A = arith.constant 2 : i32
    %mul3A_0 = arith.muli %arg1, %mul3A : i32
    %add3A = arith.addi %mul3A_0, %arg0 : i32
    %mul3A_1 = arith.constant 128 : i32
    %mul3A_2 = arith.muli %add3A, %mul3A_1 : i32
    %mul3A_3 = arith.constant 25600 : i32
    %mul3A_4 = arith.muli %add3A, %mul3A_3 : i32
    "tpu.region"() ({
      %run_scoped3A = tpu.sem_alloc : memref<!tpu.dma_semaphore, #tpu.memory_space<semaphore_mem>>
      %dma_start3A_442 = arith.constant 0 : i32
      %dma_start3A_443 = tpu.memref_slice %arg7[%dma_start3A_442] : memref<144xi32, #tpu.memory_space<vmem>> -> memref<128xi32, #tpu.memory_space<vmem>>
      %dma_start3A_444 = tpu.memref_slice %arg3[%mul3A_2] : memref<4096xi32, #tpu.memory_space<hbm>> -> memref<128xi32, #tpu.memory_space<hbm>>
      %dma_start3A_445 = arith.constant 0 : i32
      %dma_start3A_446 = tpu.memref_slice %arg7[%dma_start3A_445] : memref<144xi32, #tpu.memory_space<vmem>> -> memref<128xi32, #tpu.memory_space<vmem>>
      %dma_start3A_447 = tpu.memref_slice %arg3[%mul3A_2] : memref<4096xi32, #tpu.memory_space<hbm>> -> memref<128xi32, #tpu.memory_space<hbm>>
      tpu.enqueue_dma source(%dma_start3A_447 : memref<128xi32, #tpu.memory_space<hbm>>) target(%dma_start3A_446 : memref<128xi32, #tpu.memory_space<vmem>>) target_semaphore(%run_scoped3A : memref<!tpu.dma_semaphore, #tpu.memory_space<semaphore_mem>>)
      %dma_wait3A_448 = arith.constant 0 : i32
      %dma_wait3A_449 = tpu.memref_slice %arg7[%dma_wait3A_448] : memref<144xi32, #tpu.memory_space<vmem>> -> memref<128xi32, #tpu.memory_space<vmem>>
      %dma_wait3A_450 = tpu.memref_slice %arg3[%mul3A_2] : memref<4096xi32, #tpu.memory_space<hbm>> -> memref<128xi32, #tpu.memory_space<hbm>>
      %dma_wait3A_451 = arith.constant 0 : i32
      %dma_wait3A_452 = tpu.memref_slice %arg7[%dma_wait3A_451] : memref<144xi32, #tpu.memory_space<vmem>> -> memref<128xi32, #tpu.memory_space<vmem>>
      %dma_wait3A_453 = tpu.memref_slice %arg3[%mul3A_2] : memref<4096xi32, #tpu.memory_space<hbm>> -> memref<128xi32, #tpu.memory_space<hbm>>
      tpu.wait_dma2 semaphore(%run_scoped3A : memref<!tpu.dma_semaphore, #tpu.memory_space<semaphore_mem>>) src(%dma_wait3A_453 : memref<128xi32, #tpu.memory_space<hbm>>) dst(%dma_wait3A_452 : memref<128xi32, #tpu.memory_space<vmem>>)
      tpu.yield
    }) : () -> ()
    "tpu.region"() ({
      %run_scoped3A = tpu.sem_alloc : memref<!tpu.dma_semaphore, #tpu.memory_space<semaphore_mem>>
      tpu.enqueue_dma source(%arg5 : memref<200x64xf32, #tpu.memory_space<hbm>>) target(%arg8 : memref<200x64xf32, #tpu.memory_space<vmem>>) target_semaphore(%run_scoped3A : memref<!tpu.dma_semaphore, #tpu.memory_space<semaphore_mem>>)
      tpu.wait_dma2 semaphore(%run_scoped3A : memref<!tpu.dma_semaphore, #tpu.memory_space<semaphore_mem>>) src(%arg5 : memref<200x64xf32, #tpu.memory_space<hbm>>) dst(%arg8 : memref<200x64xf32, #tpu.memory_space<vmem>>)
      tpu.yield
    }) : () -> ()
    "tpu.region"() ({
      %run_scoped3A = tpu.sem_alloc : memref<!tpu.dma_semaphore, #tpu.memory_space<semaphore_mem>>
      %dma_start3A_442 = tpu.memref_slice %arg2[%mul3A_4] : memref<819200xi32, #tpu.memory_space<hbm>> -> memref<25600xi32, #tpu.memory_space<hbm>>
      %dma_start3A_443 = tpu.memref_slice %arg2[%mul3A_4] : memref<819200xi32, #tpu.memory_space<hbm>> -> memref<25600xi32, #tpu.memory_space<hbm>>
      tpu.enqueue_dma source(%dma_start3A_443 : memref<25600xi32, #tpu.memory_space<hbm>>) target(%arg9 : memref<25600xi32, #tpu.memory_space<vmem>>) target_semaphore(%run_scoped3A : memref<!tpu.dma_semaphore, #tpu.memory_space<semaphore_mem>>)
      %dma_wait3A_444 = tpu.memref_slice %arg2[%mul3A_4] : memref<819200xi32, #tpu.memory_space<hbm>> -> memref<25600xi32, #tpu.memory_space<hbm>>
      %dma_wait3A_445 = tpu.memref_slice %arg2[%mul3A_4] : memref<819200xi32, #tpu.memory_space<hbm>> -> memref<25600xi32, #tpu.memory_space<hbm>>
      tpu.wait_dma2 semaphore(%run_scoped3A : memref<!tpu.dma_semaphore, #tpu.memory_space<semaphore_mem>>) src(%dma_wait3A_445 : memref<25600xi32, #tpu.memory_space<hbm>>) dst(%arg9 : memref<25600xi32, #tpu.memory_space<vmem>>)
      tpu.yield
    }) : () -> ()
    %broadcast_in_dim3A = arith.constant 0 : i32
    %broadcast_in_dim3A_5 = vector.broadcast %broadcast_in_dim3A : i32 to vector<16xi32>
    %scan3A = arith.constant 0 : i32
    %scan3A_6 = arith.constant 0 : i32
    %scan3A_7 = arith.constant 200 : i32
    %scan3A_8 = arith.addi %scan3A_6, %scan3A_7 : i32
    %scan3A_9 = arith.constant 1 : i32
    scf.for %scan3A_442 = %scan3A_6 to %scan3A_8 step %scan3A_9  : i32 {
      %get3A_443 = arith.index_cast %scan3A_442 : i32 to index
      %get3A_444 = arith.constant 0 : index
      %get3A_445 = tpu.vector_load %arg8[%get3A_443, %get3A_444] {strides = array<i32>} : memref<200x64xf32, #tpu.memory_space<vmem>>, vector<1x16xf32>,
      %get3A_446 = vector.shape_cast %get3A_445 : vector<1x16xf32> to vector<16xf32>
      %mul3A_447 = arith.constant 1.250000e-01 : f32
      %mul3A_448 = vector.broadcast %mul3A_447 : f32 to vector<16xf32>
      %mul3A_449 = arith.mulf %get3A_446, %mul3A_448 : vector<16xf32>
      %swap3A = arith.index_cast %scan3A_442 : i32 to index
      %swap3A_450 = arith.constant 0 : index
      %swap3A_451 = tpu.vector_load %arg8[%swap3A, %swap3A_450] {strides = array<i32>} : memref<200x64xf32, #tpu.memory_space<vmem>>, vector<1x16xf32>,
      %swap3A_452 = vector.shape_cast %swap3A_451 : vector<1x16xf32> to vector<16xf32>
      %swap3A_453 = vector.shape_cast %mul3A_449 : vector<16xf32> to vector<1x16xf32>
      tpu.vector_store %arg8[%swap3A, %swap3A_450], %swap3A_453 {strides = array<i32>} : memref<200x64xf32, #tpu.memory_space<vmem>>, vector<1x16xf32>,
      %get3A_454 = arith.index_cast %scan3A_442 : i32 to index
      %get3A_455 = arith.constant 16 : index
      %get3A_456 = tpu.vector_load %arg8[%get3A_454, %get3A_455] {strides = array<i32>} : memref<200x64xf32, #tpu.memory_space<vmem>>, vector<1x16xf32>,
      %get3A_457 = vector.shape_cast %get3A_456 : vector<1x16xf32> to vector<16xf32>
      %mul3A_458 = arith.constant 1.250000e-01 : f32
      %mul3A_459 = vector.broadcast %mul3A_458 : f32 to vector<16xf32>
      %mul3A_460 = arith.mulf %get3A_457, %mul3A_459 : vector<16xf32>
      %swap3A_461 = arith.index_cast %scan3A_442 : i32 to index
      %swap3A_462 = arith.constant 16 : index
      %swap3A_463 = tpu.vector_load %arg8[%swap3A_461, %swap3A_462] {strides = array<i32>} : memref<200x64xf32, #tpu.memory_space<vmem>>, vector<1x16xf32>,
      %swap3A_464 = vector.shape_cast %swap3A_463 : vector<1x16xf32> to vector<16xf32>
      %swap3A_465 = vector.shape_cast %mul3A_460 : vector<16xf32> to vector<1x16xf32>
      tpu.vector_store %arg8[%swap3A_461, %swap3A_462], %swap3A_465 {strides = array<i32>} : memref<200x64xf32, #tpu.memory_space<vmem>>, vector<1x16xf32>,
      %get3A_466 = arith.index_cast %scan3A_442 : i32 to index
      %get3A_467 = arith.constant 32 : index
      %get3A_468 = tpu.vector_load %arg8[%get3A_466, %get3A_467] {strides = array<i32>} : memref<200x64xf32, #tpu.memory_space<vmem>>, vector<1x16xf32>,
      %get3A_469 = vector.shape_cast %get3A_468 : vector<1x16xf32> to vector<16xf32>
      %mul3A_470 = arith.constant 1.250000e-01 : f32
      %mul3A_471 = vector.broadcast %mul3A_470 : f32 to vector<16xf32>
      %mul3A_472 = arith.mulf %get3A_469, %mul3A_471 : vector<16xf32>
      %swap3A_473 = arith.index_cast %scan3A_442 : i32 to index
      %swap3A_474 = arith.constant 32 : index
      %swap3A_475 = tpu.vector_load %arg8[%swap3A_473, %swap3A_474] {strides = array<i32>} : memref<200x64xf32, #tpu.memory_space<vmem>>, vector<1x16xf32>,
      %swap3A_476 = vector.shape_cast %swap3A_475 : vector<1x16xf32> to vector<16xf32>
      %swap3A_477 = vector.shape_cast %mul3A_472 : vector<16xf32> to vector<1x16xf32>
      tpu.vector_store %arg8[%swap3A_473, %swap3A_474], %swap3A_477 {strides = array<i32>} : memref<200x64xf32, #tpu.memory_space<vmem>>, vector<1x16xf32>,
      %get3A_478 = arith.index_cast %scan3A_442 : i32 to index
      %get3A_479 = arith.constant 48 : index
      %get3A_480 = tpu.vector_load %arg8[%get3A_478, %get3A_479] {strides = array<i32>} : memref<200x64xf32, #tpu.memory_space<vmem>>, vector<1x16xf32>,
      %get3A_481 = vector.shape_cast %get3A_480 : vector<1x16xf32> to vector<16xf32>
      %mul3A_482 = arith.constant 1.250000e-01 : f32
      %mul3A_483 = vector.broadcast %mul3A_482 : f32 to vector<16xf32>
      %mul3A_484 = arith.mulf %get3A_481, %mul3A_483 : vector<16xf32>
      %swap3A_485 = arith.index_cast %scan3A_442 : i32 to index
      %swap3A_486 = arith.constant 48 : index
      %swap3A_487 = tpu.vector_load %arg8[%swap3A_485, %swap3A_486] {strides = array<i32>} : memref<200x64xf32, #tpu.memory_space<vmem>>, vector<1x16xf32>,
      %swap3A_488 = vector.shape_cast %swap3A_487 : vector<1x16xf32> to vector<16xf32>
      %swap3A_489 = vector.shape_cast %mul3A_484 : vector<16xf32> to vector<1x16xf32>
      tpu.vector_store %arg8[%swap3A_485, %swap3A_486], %swap3A_489 {strides = array<i32>} : memref<200x64xf32, #tpu.memory_space<vmem>>, vector<1x16xf32>,
    }
    %scan3A_10 = arith.constant 200 : i32
    %mul3A_11 = arith.constant 0 : i32
    %mul3A_12 = arith.constant 200 : i32
    %mul3A_13 = arith.muli %mul3A_11, %mul3A_12 : i32
    %add3A_14 = arith.constant 0 : i32
    %add3A_15 = arith.addi %mul3A_13, %add3A_14 : i32
    %get3A = arith.index_cast %add3A_15 : i32 to index
    %get3A_16 = tpu.vector_load %arg9[%get3A] {strides = array<i32>} : memref<25600xi32, #tpu.memory_space<vmem>>, vector<16xi32>,
    %get3A_17 = vector.shape_cast %get3A_16 : vector<16xi32> to vector<16xi32>
    %dma_start3A = arith.constant 0 : i32
    %dma_start3A_18 = arith.constant 0 : i32
    %dma_start3A_19 = tpu.memref_slice %arg10[%dma_start3A, %dma_start3A_18] : memref<208x64xf32, #tpu.memory_space<vmem>> -> memref<16x64xf32, #tpu.memory_space<vmem>>
    %dma_start3A_20 = arith.constant 0 : i32
    %dma_start3A_21 = arith.constant 0 : i32
    %dma_start3A_22 = tpu.memref_slice %arg4[%dma_start3A_20, %dma_start3A_21] : memref<1000000x64xf32, #tpu.memory_space<hbm>> -> memref<1000000x64xf32, #tpu.memory_space<hbm>>
    tpu.enqueue_indirect_dma source(%dma_start3A_22 : memref<1000000x64xf32, #tpu.memory_space<hbm>>) target(%dma_start3A_19 : memref<16x64xf32, #tpu.memory_space<vmem>>) offsets(%get3A_17 : vector<16xi32>) semaphore(%arg14 : memref<!tpu.dma_semaphore, #tpu.memory_space<semaphore_mem>>)
    %mul3A_23 = arith.constant 0 : i32
    %mul3A_24 = arith.constant 200 : i32
    %mul3A_25 = arith.muli %mul3A_23, %mul3A_24 : i32
    %add3A_26 = arith.constant 16 : i32
    %add3A_27 = arith.addi %mul3A_25, %add3A_26 : i32
    %get3A_28 = arith.index_cast %add3A_27 : i32 to index
    %get3A_29 = tpu.vector_load %arg9[%get3A_28] {strides = array<i32>} : memref<25600xi32, #tpu.memory_space<vmem>>, vector<16xi32>,
    %get3A_30 = vector.shape_cast %get3A_29 : vector<16xi32> to vector<16xi32>
    %dma_start3A_31 = arith.constant 16 : i32
    %dma_start3A_32 = arith.constant 0 : i32
    %dma_start3A_33 = tpu.memref_slice %arg10[%dma_start3A_31, %dma_start3A_32] : memref<208x64xf32, #tpu.memory_space<vmem>> -> memref<16x64xf32, #tpu.memory_space<vmem>>
    %dma_start3A_34 = arith.constant 0 : i32
    %dma_start3A_35 = arith.constant 0 : i32
    %dma_start3A_36 = tpu.memref_slice %arg4[%dma_start3A_34, %dma_start3A_35] : memref<1000000x64xf32, #tpu.memory_space<hbm>> -> memref<1000000x64xf32, #tpu.memory_space<hbm>>
    tpu.enqueue_indirect_dma source(%dma_start3A_36 : memref<1000000x64xf32, #tpu.memory_space<hbm>>) target(%dma_start3A_33 : memref<16x64xf32, #tpu.memory_space<vmem>>) offsets(%get3A_30 : vector<16xi32>) semaphore(%arg14 : memref<!tpu.dma_semaphore, #tpu.memory_space<semaphore_mem>>)
    %mul3A_37 = arith.constant 0 : i32
    %mul3A_38 = arith.constant 200 : i32
    %mul3A_39 = arith.muli %mul3A_37, %mul3A_38 : i32
    %add3A_40 = arith.constant 32 : i32
    %add3A_41 = arith.addi %mul3A_39, %add3A_40 : i32
    %get3A_42 = arith.index_cast %add3A_41 : i32 to index
    %get3A_43 = tpu.vector_load %arg9[%get3A_42] {strides = array<i32>} : memref<25600xi32, #tpu.memory_space<vmem>>, vector<16xi32>,
    %get3A_44 = vector.shape_cast %get3A_43 : vector<16xi32> to vector<16xi32>
    %dma_start3A_45 = arith.constant 32 : i32
    %dma_start3A_46 = arith.constant 0 : i32
    %dma_start3A_47 = tpu.memref_slice %arg10[%dma_start3A_45, %dma_start3A_46] : memref<208x64xf32, #tpu.memory_space<vmem>> -> memref<16x64xf32, #tpu.memory_space<vmem>>
    %dma_start3A_48 = arith.constant 0 : i32
    %dma_start3A_49 = arith.constant 0 : i32
    %dma_start3A_50 = tpu.memref_slice %arg4[%dma_start3A_48, %dma_start3A_49] : memref<1000000x64xf32, #tpu.memory_space<hbm>> -> memref<1000000x64xf32, #tpu.memory_space<hbm>>
    tpu.enqueue_indirect_dma source(%dma_start3A_50 : memref<1000000x64xf32, #tpu.memory_space<hbm>>) target(%dma_start3A_47 : memref<16x64xf32, #tpu.memory_space<vmem>>) offsets(%get3A_44 : vector<16xi32>) semaphore(%arg14 : memref<!tpu.dma_semaphore, #tpu.memory_space<semaphore_mem>>)
    %mul3A_51 = arith.constant 0 : i32
    %mul3A_52 = arith.constant 200 : i32
    %mul3A_53 = arith.muli %mul3A_51, %mul3A_52 : i32
    %add3A_54 = arith.constant 48 : i32
    %add3A_55 = arith.addi %mul3A_53, %add3A_54 : i32
    %get3A_56 = arith.index_cast %add3A_55 : i32 to index
    %get3A_57 = tpu.vector_load %arg9[%get3A_56] {strides = array<i32>} : memref<25600xi32, #tpu.memory_space<vmem>>, vector<16xi32>,
    %get3A_58 = vector.shape_cast %get3A_57 : vector<16xi32> to vector<16xi32>
    %dma_start3A_59 = arith.constant 48 : i32
    %dma_start3A_60 = arith.constant 0 : i32
    %dma_start3A_61 = tpu.memref_slice %arg10[%dma_start3A_59, %dma_start3A_60] : memref<208x64xf32, #tpu.memory_space<vmem>> -> memref<16x64xf32, #tpu.memory_space<vmem>>
    %dma_start3A_62 = arith.constant 0 : i32
    %dma_start3A_63 = arith.constant 0 : i32
    %dma_start3A_64 = tpu.memref_slice %arg4[%dma_start3A_62, %dma_start3A_63] : memref<1000000x64xf32, #tpu.memory_space<hbm>> -> memref<1000000x64xf32, #tpu.memory_space<hbm>>
    tpu.enqueue_indirect_dma source(%dma_start3A_64 : memref<1000000x64xf32, #tpu.memory_space<hbm>>) target(%dma_start3A_61 : memref<16x64xf32, #tpu.memory_space<vmem>>) offsets(%get3A_58 : vector<16xi32>) semaphore(%arg14 : memref<!tpu.dma_semaphore, #tpu.memory_space<semaphore_mem>>)
    %mul3A_65 = arith.constant 0 : i32
    %mul3A_66 = arith.constant 200 : i32
    %mul3A_67 = arith.muli %mul3A_65, %mul3A_66 : i32
    %add3A_68 = arith.constant 64 : i32
    %add3A_69 = arith.addi %mul3A_67, %add3A_68 : i32
    %get3A_70 = arith.index_cast %add3A_69 : i32 to index
    %get3A_71 = tpu.vector_load %arg9[%get3A_70] {strides = array<i32>} : memref<25600xi32, #tpu.memory_space<vmem>>, vector<16xi32>,
    %get3A_72 = vector.shape_cast %get3A_71 : vector<16xi32> to vector<16xi32>
    %dma_start3A_73 = arith.constant 64 : i32
    %dma_start3A_74 = arith.constant 0 : i32
    %dma_start3A_75 = tpu.memref_slice %arg10[%dma_start3A_73, %dma_start3A_74] : memref<208x64xf32, #tpu.memory_space<vmem>> -> memref<16x64xf32, #tpu.memory_space<vmem>>
    %dma_start3A_76 = arith.constant 0 : i32
    %dma_start3A_77 = arith.constant 0 : i32
    %dma_start3A_78 = tpu.memref_slice %arg4[%dma_start3A_76, %dma_start3A_77] : memref<1000000x64xf32, #tpu.memory_space<hbm>> -> memref<1000000x64xf32, #tpu.memory_space<hbm>>
    tpu.enqueue_indirect_dma source(%dma_start3A_78 : memref<1000000x64xf32, #tpu.memory_space<hbm>>) target(%dma_start3A_75 : memref<16x64xf32, #tpu.memory_space<vmem>>) offsets(%get3A_72 : vector<16xi32>) semaphore(%arg14 : memref<!tpu.dma_semaphore, #tpu.memory_space<semaphore_mem>>)
    %mul3A_79 = arith.constant 0 : i32
    %mul3A_80 = arith.constant 200 : i32
    %mul3A_81 = arith.muli %mul3A_79, %mul3A_80 : i32
    %add3A_82 = arith.constant 80 : i32
    %add3A_83 = arith.addi %mul3A_81, %add3A_82 : i32
    %get3A_84 = arith.index_cast %add3A_83 : i32 to index
    %get3A_85 = tpu.vector_load %arg9[%get3A_84] {strides = array<i32>} : memref<25600xi32, #tpu.memory_space<vmem>>, vector<16xi32>,
    %get3A_86 = vector.shape_cast %get3A_85 : vector<16xi32> to vector<16xi32>
    %dma_start3A_87 = arith.constant 80 : i32
    %dma_start3A_88 = arith.constant 0 : i32
    %dma_start3A_89 = tpu.memref_slice %arg10[%dma_start3A_87, %dma_start3A_88] : memref<208x64xf32, #tpu.memory_space<vmem>> -> memref<16x64xf32, #tpu.memory_space<vmem>>
    %dma_start3A_90 = arith.constant 0 : i32
    %dma_start3A_91 = arith.constant 0 : i32
    %dma_start3A_92 = tpu.memref_slice %arg4[%dma_start3A_90, %dma_start3A_91] : memref<1000000x64xf32, #tpu.memory_space<hbm>> -> memref<1000000x64xf32, #tpu.memory_space<hbm>>
    tpu.enqueue_indirect_dma source(%dma_start3A_92 : memref<1000000x64xf32, #tpu.memory_space<hbm>>) target(%dma_start3A_89 : memref<16x64xf32, #tpu.memory_space<vmem>>) offsets(%get3A_86 : vector<16xi32>) semaphore(%arg14 : memref<!tpu.dma_semaphore, #tpu.memory_space<semaphore_mem>>)
    %mul3A_93 = arith.constant 0 : i32
    %mul3A_94 = arith.constant 200 : i32
    %mul3A_95 = arith.muli %mul3A_93, %mul3A_94 : i32
    %add3A_96 = arith.constant 96 : i32
    %add3A_97 = arith.addi %mul3A_95, %add3A_96 : i32
    %get3A_98 = arith.index_cast %add3A_97 : i32 to index
    %get3A_99 = tpu.vector_load %arg9[%get3A_98] {strides = array<i32>} : memref<25600xi32, #tpu.memory_space<vmem>>, vector<16xi32>,
    %get3A_100 = vector.shape_cast %get3A_99 : vector<16xi32> to vector<16xi32>
    %dma_start3A_101 = arith.constant 96 : i32
    %dma_start3A_102 = arith.constant 0 : i32
    %dma_start3A_103 = tpu.memref_slice %arg10[%dma_start3A_101, %dma_start3A_102] : memref<208x64xf32, #tpu.memory_space<vmem>> -> memref<16x64xf32, #tpu.memory_space<vmem>>
    %dma_start3A_104 = arith.constant 0 : i32
    %dma_start3A_105 = arith.constant 0 : i32
    %dma_start3A_106 = tpu.memref_slice %arg4[%dma_start3A_104, %dma_start3A_105] : memref<1000000x64xf32, #tpu.memory_space<hbm>> -> memref<1000000x64xf32, #tpu.memory_space<hbm>>
    tpu.enqueue_indirect_dma source(%dma_start3A_106 : memref<1000000x64xf32, #tpu.memory_space<hbm>>) target(%dma_start3A_103 : memref<16x64xf32, #tpu.memory_space<vmem>>) offsets(%get3A_100 : vector<16xi32>) semaphore(%arg14 : memref<!tpu.dma_semaphore, #tpu.memory_space<semaphore_mem>>)
    %mul3A_107 = arith.constant 0 : i32
    %mul3A_108 = arith.constant 200 : i32
    %mul3A_109 = arith.muli %mul3A_107, %mul3A_108 : i32
    %add3A_110 = arith.constant 112 : i32
    %add3A_111 = arith.addi %mul3A_109, %add3A_110 : i32
    %get3A_112 = arith.index_cast %add3A_111 : i32 to index
    %get3A_113 = tpu.vector_load %arg9[%get3A_112] {strides = array<i32>} : memref<25600xi32, #tpu.memory_space<vmem>>, vector<16xi32>,
    %get3A_114 = vector.shape_cast %get3A_113 : vector<16xi32> to vector<16xi32>
    %dma_start3A_115 = arith.constant 112 : i32
    %dma_start3A_116 = arith.constant 0 : i32
    %dma_start3A_117 = tpu.memref_slice %arg10[%dma_start3A_115, %dma_start3A_116] : memref<208x64xf32, #tpu.memory_space<vmem>> -> memref<16x64xf32, #tpu.memory_space<vmem>>
    %dma_start3A_118 = arith.constant 0 : i32
    %dma_start3A_119 = arith.constant 0 : i32
    %dma_start3A_120 = tpu.memref_slice %arg4[%dma_start3A_118, %dma_start3A_119] : memref<1000000x64xf32, #tpu.memory_space<hbm>> -> memref<1000000x64xf32, #tpu.memory_space<hbm>>
    tpu.enqueue_indirect_dma source(%dma_start3A_120 : memref<1000000x64xf32, #tpu.memory_space<hbm>>) target(%dma_start3A_117 : memref<16x64xf32, #tpu.memory_space<vmem>>) offsets(%get3A_114 : vector<16xi32>) semaphore(%arg14 : memref<!tpu.dma_semaphore, #tpu.memory_space<semaphore_mem>>)
    %mul3A_121 = arith.constant 0 : i32
    %mul3A_122 = arith.constant 200 : i32
    %mul3A_123 = arith.muli %mul3A_121, %mul3A_122 : i32
    %add3A_124 = arith.constant 128 : i32
    %add3A_125 = arith.addi %mul3A_123, %add3A_124 : i32
    %get3A_126 = arith.index_cast %add3A_125 : i32 to index
    %get3A_127 = tpu.vector_load %arg9[%get3A_126] {strides = array<i32>} : memref<25600xi32, #tpu.memory_space<vmem>>, vector<16xi32>,
    %get3A_128 = vector.shape_cast %get3A_127 : vector<16xi32> to vector<16xi32>
    %dma_start3A_129 = arith.constant 128 : i32
    %dma_start3A_130 = arith.constant 0 : i32
    %dma_start3A_131 = tpu.memref_slice %arg10[%dma_start3A_129, %dma_start3A_130] : memref<208x64xf32, #tpu.memory_space<vmem>> -> memref<16x64xf32, #tpu.memory_space<vmem>>
    %dma_start3A_132 = arith.constant 0 : i32
    %dma_start3A_133 = arith.constant 0 : i32
    %dma_start3A_134 = tpu.memref_slice %arg4[%dma_start3A_132, %dma_start3A_133] : memref<1000000x64xf32, #tpu.memory_space<hbm>> -> memref<1000000x64xf32, #tpu.memory_space<hbm>>
    tpu.enqueue_indirect_dma source(%dma_start3A_134 : memref<1000000x64xf32, #tpu.memory_space<hbm>>) target(%dma_start3A_131 : memref<16x64xf32, #tpu.memory_space<vmem>>) offsets(%get3A_128 : vector<16xi32>) semaphore(%arg14 : memref<!tpu.dma_semaphore, #tpu.memory_space<semaphore_mem>>)
    %mul3A_135 = arith.constant 0 : i32
    %mul3A_136 = arith.constant 200 : i32
    %mul3A_137 = arith.muli %mul3A_135, %mul3A_136 : i32
    %add3A_138 = arith.constant 144 : i32
    %add3A_139 = arith.addi %mul3A_137, %add3A_138 : i32
    %get3A_140 = arith.index_cast %add3A_139 : i32 to index
    %get3A_141 = tpu.vector_load %arg9[%get3A_140] {strides = array<i32>} : memref<25600xi32, #tpu.memory_space<vmem>>, vector<16xi32>,
    %get3A_142 = vector.shape_cast %get3A_141 : vector<16xi32> to vector<16xi32>
    %dma_start3A_143 = arith.constant 144 : i32
    %dma_start3A_144 = arith.constant 0 : i32
    %dma_start3A_145 = tpu.memref_slice %arg10[%dma_start3A_143, %dma_start3A_144] : memref<208x64xf32, #tpu.memory_space<vmem>> -> memref<16x64xf32, #tpu.memory_space<vmem>>
    %dma_start3A_146 = arith.constant 0 : i32
    %dma_start3A_147 = arith.constant 0 : i32
    %dma_start3A_148 = tpu.memref_slice %arg4[%dma_start3A_146, %dma_start3A_147] : memref<1000000x64xf32, #tpu.memory_space<hbm>> -> memref<1000000x64xf32, #tpu.memory_space<hbm>>
    tpu.enqueue_indirect_dma source(%dma_start3A_148 : memref<1000000x64xf32, #tpu.memory_space<hbm>>) target(%dma_start3A_145 : memref<16x64xf32, #tpu.memory_space<vmem>>) offsets(%get3A_142 : vector<16xi32>) semaphore(%arg14 : memref<!tpu.dma_semaphore, #tpu.memory_space<semaphore_mem>>)
    %mul3A_149 = arith.constant 0 : i32
    %mul3A_150 = arith.constant 200 : i32
    %mul3A_151 = arith.muli %mul3A_149, %mul3A_150 : i32
    %add3A_152 = arith.constant 160 : i32
    %add3A_153 = arith.addi %mul3A_151, %add3A_152 : i32
    %get3A_154 = arith.index_cast %add3A_153 : i32 to index
    %get3A_155 = tpu.vector_load %arg9[%get3A_154] {strides = array<i32>} : memref<25600xi32, #tpu.memory_space<vmem>>, vector<16xi32>,
    %get3A_156 = vector.shape_cast %get3A_155 : vector<16xi32> to vector<16xi32>
    %dma_start3A_157 = arith.constant 160 : i32
    %dma_start3A_158 = arith.constant 0 : i32
    %dma_start3A_159 = tpu.memref_slice %arg10[%dma_start3A_157, %dma_start3A_158] : memref<208x64xf32, #tpu.memory_space<vmem>> -> memref<16x64xf32, #tpu.memory_space<vmem>>
    %dma_start3A_160 = arith.constant 0 : i32
    %dma_start3A_161 = arith.constant 0 : i32
    %dma_start3A_162 = tpu.memref_slice %arg4[%dma_start3A_160, %dma_start3A_161] : memref<1000000x64xf32, #tpu.memory_space<hbm>> -> memref<1000000x64xf32, #tpu.memory_space<hbm>>
    tpu.enqueue_indirect_dma source(%dma_start3A_162 : memref<1000000x64xf32, #tpu.memory_space<hbm>>) target(%dma_start3A_159 : memref<16x64xf32, #tpu.memory_space<vmem>>) offsets(%get3A_156 : vector<16xi32>) semaphore(%arg14 : memref<!tpu.dma_semaphore, #tpu.memory_space<semaphore_mem>>)
    %mul3A_163 = arith.constant 0 : i32
    %mul3A_164 = arith.constant 200 : i32
    %mul3A_165 = arith.muli %mul3A_163, %mul3A_164 : i32
    %add3A_166 = arith.constant 176 : i32
    %add3A_167 = arith.addi %mul3A_165, %add3A_166 : i32
    %get3A_168 = arith.index_cast %add3A_167 : i32 to index
    %get3A_169 = tpu.vector_load %arg9[%get3A_168] {strides = array<i32>} : memref<25600xi32, #tpu.memory_space<vmem>>, vector<16xi32>,
    %get3A_170 = vector.shape_cast %get3A_169 : vector<16xi32> to vector<16xi32>
    %dma_start3A_171 = arith.constant 176 : i32
    %dma_start3A_172 = arith.constant 0 : i32
    %dma_start3A_173 = tpu.memref_slice %arg10[%dma_start3A_171, %dma_start3A_172] : memref<208x64xf32, #tpu.memory_space<vmem>> -> memref<16x64xf32, #tpu.memory_space<vmem>>
    %dma_start3A_174 = arith.constant 0 : i32
    %dma_start3A_175 = arith.constant 0 : i32
    %dma_start3A_176 = tpu.memref_slice %arg4[%dma_start3A_174, %dma_start3A_175] : memref<1000000x64xf32, #tpu.memory_space<hbm>> -> memref<1000000x64xf32, #tpu.memory_space<hbm>>
    tpu.enqueue_indirect_dma source(%dma_start3A_176 : memref<1000000x64xf32, #tpu.memory_space<hbm>>) target(%dma_start3A_173 : memref<16x64xf32, #tpu.memory_space<vmem>>) offsets(%get3A_170 : vector<16xi32>) semaphore(%arg14 : memref<!tpu.dma_semaphore, #tpu.memory_space<semaphore_mem>>)
    %mul3A_177 = arith.constant 0 : i32
    %mul3A_178 = arith.constant 200 : i32
    %mul3A_179 = arith.muli %mul3A_177, %mul3A_178 : i32
    %add3A_180 = arith.constant 184 : i32
    %add3A_181 = arith.addi %mul3A_179, %add3A_180 : i32
    %get3A_182 = arith.index_cast %add3A_181 : i32 to index
    %get3A_183 = tpu.vector_load %arg9[%get3A_182] {strides = array<i32>} : memref<25600xi32, #tpu.memory_space<vmem>>, vector<16xi32>,
    %get3A_184 = vector.shape_cast %get3A_183 : vector<16xi32> to vector<16xi32>
    %dma_start3A_185 = arith.constant 184 : i32
    %dma_start3A_186 = arith.constant 0 : i32
    %dma_start3A_187 = tpu.memref_slice %arg10[%dma_start3A_185, %dma_start3A_186] : memref<208x64xf32, #tpu.memory_space<vmem>> -> memref<16x64xf32, #tpu.memory_space<vmem>>
    %dma_start3A_188 = arith.constant 0 : i32
    %dma_start3A_189 = arith.constant 0 : i32
    %dma_start3A_190 = tpu.memref_slice %arg4[%dma_start3A_188, %dma_start3A_189] : memref<1000000x64xf32, #tpu.memory_space<hbm>> -> memref<1000000x64xf32, #tpu.memory_space<hbm>>
    tpu.enqueue_indirect_dma source(%dma_start3A_190 : memref<1000000x64xf32, #tpu.memory_space<hbm>>) target(%dma_start3A_187 : memref<16x64xf32, #tpu.memory_space<vmem>>) offsets(%get3A_184 : vector<16xi32>) semaphore(%arg14 : memref<!tpu.dma_semaphore, #tpu.memory_space<semaphore_mem>>)
    %mul3A_191 = arith.constant 1 : i32
    %mul3A_192 = arith.constant 200 : i32
    %mul3A_193 = arith.muli %mul3A_191, %mul3A_192 : i32
    %add3A_194 = arith.constant 0 : i32
    %add3A_195 = arith.addi %mul3A_193, %add3A_194 : i32
    %get3A_196 = arith.index_cast %add3A_195 : i32 to index
    %get3A_197 = tpu.vector_load %arg9[%get3A_196] {strides = array<i32>} : memref<25600xi32, #tpu.memory_space<vmem>>, vector<16xi32>,
    %get3A_198 = vector.shape_cast %get3A_197 : vector<16xi32> to vector<16xi32>
    %dma_start3A_199 = arith.constant 0 : i32
    %dma_start3A_200 = arith.constant 0 : i32
    %dma_start3A_201 = tpu.memref_slice %arg11[%dma_start3A_199, %dma_start3A_200] : memref<208x64xf32, #tpu.memory_space<vmem>> -> memref<16x64xf32, #tpu.memory_space<vmem>>
    %dma_start3A_202 = arith.constant 0 : i32
    %dma_start3A_203 = arith.constant 0 : i32
    %dma_start3A_204 = tpu.memref_slice %arg4[%dma_start3A_202, %dma_start3A_203] : memref<1000000x64xf32, #tpu.memory_space<hbm>> -> memref<1000000x64xf32, #tpu.memory_space<hbm>>
    tpu.enqueue_indirect_dma source(%dma_start3A_204 : memref<1000000x64xf32, #tpu.memory_space<hbm>>) target(%dma_start3A_201 : memref<16x64xf32, #tpu.memory_space<vmem>>) offsets(%get3A_198 : vector<16xi32>) semaphore(%arg15 : memref<!tpu.dma_semaphore, #tpu.memory_space<semaphore_mem>>)
    %mul3A_205 = arith.constant 1 : i32
    %mul3A_206 = arith.constant 200 : i32
    %mul3A_207 = arith.muli %mul3A_205, %mul3A_206 : i32
    %add3A_208 = arith.constant 16 : i32
    %add3A_209 = arith.addi %mul3A_207, %add3A_208 : i32
    %get3A_210 = arith.index_cast %add3A_209 : i32 to index
    %get3A_211 = tpu.vector_load %arg9[%get3A_210] {strides = array<i32>} : memref<25600xi32, #tpu.memory_space<vmem>>, vector<16xi32>,
    %get3A_212 = vector.shape_cast %get3A_211 : vector<16xi32> to vector<16xi32>
    %dma_start3A_213 = arith.constant 16 : i32
    %dma_start3A_214 = arith.constant 0 : i32
    %dma_start3A_215 = tpu.memref_slice %arg11[%dma_start3A_213, %dma_start3A_214] : memref<208x64xf32, #tpu.memory_space<vmem>> -> memref<16x64xf32, #tpu.memory_space<vmem>>
    %dma_start3A_216 = arith.constant 0 : i32
    %dma_start3A_217 = arith.constant 0 : i32
    %dma_start3A_218 = tpu.memref_slice %arg4[%dma_start3A_216, %dma_start3A_217] : memref<1000000x64xf32, #tpu.memory_space<hbm>> -> memref<1000000x64xf32, #tpu.memory_space<hbm>>
    tpu.enqueue_indirect_dma source(%dma_start3A_218 : memref<1000000x64xf32, #tpu.memory_space<hbm>>) target(%dma_start3A_215 : memref<16x64xf32, #tpu.memory_space<vmem>>) offsets(%get3A_212 : vector<16xi32>) semaphore(%arg15 : memref<!tpu.dma_semaphore, #tpu.memory_space<semaphore_mem>>)
    %mul3A_219 = arith.constant 1 : i32
    %mul3A_220 = arith.constant 200 : i32
    %mul3A_221 = arith.muli %mul3A_219, %mul3A_220 : i32
    %add3A_222 = arith.constant 32 : i32
    %add3A_223 = arith.addi %mul3A_221, %add3A_222 : i32
    %get3A_224 = arith.index_cast %add3A_223 : i32 to index
    %get3A_225 = tpu.vector_load %arg9[%get3A_224] {strides = array<i32>} : memref<25600xi32, #tpu.memory_space<vmem>>, vector<16xi32>,
    %get3A_226 = vector.shape_cast %get3A_225 : vector<16xi32> to vector<16xi32>
    %dma_start3A_227 = arith.constant 32 : i32
    %dma_start3A_228 = arith.constant 0 : i32
    %dma_start3A_229 = tpu.memref_slice %arg11[%dma_start3A_227, %dma_start3A_228] : memref<208x64xf32, #tpu.memory_space<vmem>> -> memref<16x64xf32, #tpu.memory_space<vmem>>
    %dma_start3A_230 = arith.constant 0 : i32
    %dma_start3A_231 = arith.constant 0 : i32
    %dma_start3A_232 = tpu.memref_slice %arg4[%dma_start3A_230, %dma_start3A_231] : memref<1000000x64xf32, #tpu.memory_space<hbm>> -> memref<1000000x64xf32, #tpu.memory_space<hbm>>
    tpu.enqueue_indirect_dma source(%dma_start3A_232 : memref<1000000x64xf32, #tpu.memory_space<hbm>>) target(%dma_start3A_229 : memref<16x64xf32, #tpu.memory_space<vmem>>) offsets(%get3A_226 : vector<16xi32>) semaphore(%arg15 : memref<!tpu.dma_semaphore, #tpu.memory_space<semaphore_mem>>)
    %mul3A_233 = arith.constant 1 : i32
    %mul3A_234 = arith.constant 200 : i32
    %mul3A_235 = arith.muli %mul3A_233, %mul3A_234 : i32
    %add3A_236 = arith.constant 48 : i32
    %add3A_237 = arith.addi %mul3A_235, %add3A_236 : i32
    %get3A_238 = arith.index_cast %add3A_237 : i32 to index
    %get3A_239 = tpu.vector_load %arg9[%get3A_238] {strides = array<i32>} : memref<25600xi32, #tpu.memory_space<vmem>>, vector<16xi32>,
    %get3A_240 = vector.shape_cast %get3A_239 : vector<16xi32> to vector<16xi32>
    %dma_start3A_241 = arith.constant 48 : i32
    %dma_start3A_242 = arith.constant 0 : i32
    %dma_start3A_243 = tpu.memref_slice %arg11[%dma_start3A_241, %dma_start3A_242] : memref<208x64xf32, #tpu.memory_space<vmem>> -> memref<16x64xf32, #tpu.memory_space<vmem>>
    %dma_start3A_244 = arith.constant 0 : i32
    %dma_start3A_245 = arith.constant 0 : i32
    %dma_start3A_246 = tpu.memref_slice %arg4[%dma_start3A_244, %dma_start3A_245] : memref<1000000x64xf32, #tpu.memory_space<hbm>> -> memref<1000000x64xf32, #tpu.memory_space<hbm>>
    tpu.enqueue_indirect_dma source(%dma_start3A_246 : memref<1000000x64xf32, #tpu.memory_space<hbm>>) target(%dma_start3A_243 : memref<16x64xf32, #tpu.memory_space<vmem>>) offsets(%get3A_240 : vector<16xi32>) semaphore(%arg15 : memref<!tpu.dma_semaphore, #tpu.memory_space<semaphore_mem>>)
    %mul3A_247 = arith.constant 1 : i32
    %mul3A_248 = arith.constant 200 : i32
    %mul3A_249 = arith.muli %mul3A_247, %mul3A_248 : i32
    %add3A_250 = arith.constant 64 : i32
    %add3A_251 = arith.addi %mul3A_249, %add3A_250 : i32
    %get3A_252 = arith.index_cast %add3A_251 : i32 to index
    %get3A_253 = tpu.vector_load %arg9[%get3A_252] {strides = array<i32>} : memref<25600xi32, #tpu.memory_space<vmem>>, vector<16xi32>,
    %get3A_254 = vector.shape_cast %get3A_253 : vector<16xi32> to vector<16xi32>
    %dma_start3A_255 = arith.constant 64 : i32
    %dma_start3A_256 = arith.constant 0 : i32
    %dma_start3A_257 = tpu.memref_slice %arg11[%dma_start3A_255, %dma_start3A_256] : memref<208x64xf32, #tpu.memory_space<vmem>> -> memref<16x64xf32, #tpu.memory_space<vmem>>
    %dma_start3A_258 = arith.constant 0 : i32
    %dma_start3A_259 = arith.constant 0 : i32
    %dma_start3A_260 = tpu.memref_slice %arg4[%dma_start3A_258, %dma_start3A_259] : memref<1000000x64xf32, #tpu.memory_space<hbm>> -> memref<1000000x64xf32, #tpu.memory_space<hbm>>
    tpu.enqueue_indirect_dma source(%dma_start3A_260 : memref<1000000x64xf32, #tpu.memory_space<hbm>>) target(%dma_start3A_257 : memref<16x64xf32, #tpu.memory_space<vmem>>) offsets(%get3A_254 : vector<16xi32>) semaphore(%arg15 : memref<!tpu.dma_semaphore, #tpu.memory_space<semaphore_mem>>)
    %mul3A_261 = arith.constant 1 : i32
    %mul3A_262 = arith.constant 200 : i32
    %mul3A_263 = arith.muli %mul3A_261, %mul3A_262 : i32
    %add3A_264 = arith.constant 80 : i32
    %add3A_265 = arith.addi %mul3A_263, %add3A_264 : i32
    %get3A_266 = arith.index_cast %add3A_265 : i32 to index
    %get3A_267 = tpu.vector_load %arg9[%get3A_266] {strides = array<i32>} : memref<25600xi32, #tpu.memory_space<vmem>>, vector<16xi32>,
    %get3A_268 = vector.shape_cast %get3A_267 : vector<16xi32> to vector<16xi32>
    %dma_start3A_269 = arith.constant 80 : i32
    %dma_start3A_270 = arith.constant 0 : i32
    %dma_start3A_271 = tpu.memref_slice %arg11[%dma_start3A_269, %dma_start3A_270] : memref<208x64xf32, #tpu.memory_space<vmem>> -> memref<16x64xf32, #tpu.memory_space<vmem>>
    %dma_start3A_272 = arith.constant 0 : i32
    %dma_start3A_273 = arith.constant 0 : i32
    %dma_start3A_274 = tpu.memref_slice %arg4[%dma_start3A_272, %dma_start3A_273] : memref<1000000x64xf32, #tpu.memory_space<hbm>> -> memref<1000000x64xf32, #tpu.memory_space<hbm>>
    tpu.enqueue_indirect_dma source(%dma_start3A_274 : memref<1000000x64xf32, #tpu.memory_space<hbm>>) target(%dma_start3A_271 : memref<16x64xf32, #tpu.memory_space<vmem>>) offsets(%get3A_268 : vector<16xi32>) semaphore(%arg15 : memref<!tpu.dma_semaphore, #tpu.memory_space<semaphore_mem>>)
    %mul3A_275 = arith.constant 1 : i32
    %mul3A_276 = arith.constant 200 : i32
    %mul3A_277 = arith.muli %mul3A_275, %mul3A_276 : i32
    %add3A_278 = arith.constant 96 : i32
    %add3A_279 = arith.addi %mul3A_277, %add3A_278 : i32
    %get3A_280 = arith.index_cast %add3A_279 : i32 to index
    %get3A_281 = tpu.vector_load %arg9[%get3A_280] {strides = array<i32>} : memref<25600xi32, #tpu.memory_space<vmem>>, vector<16xi32>,
    %get3A_282 = vector.shape_cast %get3A_281 : vector<16xi32> to vector<16xi32>
    %dma_start3A_283 = arith.constant 96 : i32
    %dma_start3A_284 = arith.constant 0 : i32
    %dma_start3A_285 = tpu.memref_slice %arg11[%dma_start3A_283, %dma_start3A_284] : memref<208x64xf32, #tpu.memory_space<vmem>> -> memref<16x64xf32, #tpu.memory_space<vmem>>
    %dma_start3A_286 = arith.constant 0 : i32
    %dma_start3A_287 = arith.constant 0 : i32
    %dma_start3A_288 = tpu.memref_slice %arg4[%dma_start3A_286, %dma_start3A_287] : memref<1000000x64xf32, #tpu.memory_space<hbm>> -> memref<1000000x64xf32, #tpu.memory_space<hbm>>
    tpu.enqueue_indirect_dma source(%dma_start3A_288 : memref<1000000x64xf32, #tpu.memory_space<hbm>>) target(%dma_start3A_285 : memref<16x64xf32, #tpu.memory_space<vmem>>) offsets(%get3A_282 : vector<16xi32>) semaphore(%arg15 : memref<!tpu.dma_semaphore, #tpu.memory_space<semaphore_mem>>)
    %mul3A_289 = arith.constant 1 : i32
    %mul3A_290 = arith.constant 200 : i32
    %mul3A_291 = arith.muli %mul3A_289, %mul3A_290 : i32
    %add3A_292 = arith.constant 112 : i32
    %add3A_293 = arith.addi %mul3A_291, %add3A_292 : i32
    %get3A_294 = arith.index_cast %add3A_293 : i32 to index
    %get3A_295 = tpu.vector_load %arg9[%get3A_294] {strides = array<i32>} : memref<25600xi32, #tpu.memory_space<vmem>>, vector<16xi32>,
    %get3A_296 = vector.shape_cast %get3A_295 : vector<16xi32> to vector<16xi32>
    %dma_start3A_297 = arith.constant 112 : i32
    %dma_start3A_298 = arith.constant 0 : i32
    %dma_start3A_299 = tpu.memref_slice %arg11[%dma_start3A_297, %dma_start3A_298] : memref<208x64xf32, #tpu.memory_space<vmem>> -> memref<16x64xf32, #tpu.memory_space<vmem>>
    %dma_start3A_300 = arith.constant 0 : i32
    %dma_start3A_301 = arith.constant 0 : i32
    %dma_start3A_302 = tpu.memref_slice %arg4[%dma_start3A_300, %dma_start3A_301] : memref<1000000x64xf32, #tpu.memory_space<hbm>> -> memref<1000000x64xf32, #tpu.memory_space<hbm>>
    tpu.enqueue_indirect_dma source(%dma_start3A_302 : memref<1000000x64xf32, #tpu.memory_space<hbm>>) target(%dma_start3A_299 : memref<16x64xf32, #tpu.memory_space<vmem>>) offsets(%get3A_296 : vector<16xi32>) semaphore(%arg15 : memref<!tpu.dma_semaphore, #tpu.memory_space<semaphore_mem>>)
    %mul3A_303 = arith.constant 1 : i32
    %mul3A_304 = arith.constant 200 : i32
    %mul3A_305 = arith.muli %mul3A_303, %mul3A_304 : i32
    %add3A_306 = arith.constant 128 : i32
    %add3A_307 = arith.addi %mul3A_305, %add3A_306 : i32
    %get3A_308 = arith.index_cast %add3A_307 : i32 to index
    %get3A_309 = tpu.vector_load %arg9[%get3A_308] {strides = array<i32>} : memref<25600xi32, #tpu.memory_space<vmem>>, vector<16xi32>,
    %get3A_310 = vector.shape_cast %get3A_309 : vector<16xi32> to vector<16xi32>
    %dma_start3A_311 = arith.constant 128 : i32
    %dma_start3A_312 = arith.constant 0 : i32
    %dma_start3A_313 = tpu.memref_slice %arg11[%dma_start3A_311, %dma_start3A_312] : memref<208x64xf32, #tpu.memory_space<vmem>> -> memref<16x64xf32, #tpu.memory_space<vmem>>
    %dma_start3A_314 = arith.constant 0 : i32
    %dma_start3A_315 = arith.constant 0 : i32
    %dma_start3A_316 = tpu.memref_slice %arg4[%dma_start3A_314, %dma_start3A_315] : memref<1000000x64xf32, #tpu.memory_space<hbm>> -> memref<1000000x64xf32, #tpu.memory_space<hbm>>
    tpu.enqueue_indirect_dma source(%dma_start3A_316 : memref<1000000x64xf32, #tpu.memory_space<hbm>>) target(%dma_start3A_313 : memref<16x64xf32, #tpu.memory_space<vmem>>) offsets(%get3A_310 : vector<16xi32>) semaphore(%arg15 : memref<!tpu.dma_semaphore, #tpu.memory_space<semaphore_mem>>)
    %mul3A_317 = arith.constant 1 : i32
    %mul3A_318 = arith.constant 200 : i32
    %mul3A_319 = arith.muli %mul3A_317, %mul3A_318 : i32
    %add3A_320 = arith.constant 144 : i32
    %add3A_321 = arith.addi %mul3A_319, %add3A_320 : i32
    %get3A_322 = arith.index_cast %add3A_321 : i32 to index
    %get3A_323 = tpu.vector_load %arg9[%get3A_322] {strides = array<i32>} : memref<25600xi32, #tpu.memory_space<vmem>>, vector<16xi32>,
    %get3A_324 = vector.shape_cast %get3A_323 : vector<16xi32> to vector<16xi32>
    %dma_start3A_325 = arith.constant 144 : i32
    %dma_start3A_326 = arith.constant 0 : i32
    %dma_start3A_327 = tpu.memref_slice %arg11[%dma_start3A_325, %dma_start3A_326] : memref<208x64xf32, #tpu.memory_space<vmem>> -> memref<16x64xf32, #tpu.memory_space<vmem>>
    %dma_start3A_328 = arith.constant 0 : i32
    %dma_start3A_329 = arith.constant 0 : i32
    %dma_start3A_330 = tpu.memref_slice %arg4[%dma_start3A_328, %dma_start3A_329] : memref<1000000x64xf32, #tpu.memory_space<hbm>> -> memref<1000000x64xf32, #tpu.memory_space<hbm>>
    tpu.enqueue_indirect_dma source(%dma_start3A_330 : memref<1000000x64xf32, #tpu.memory_space<hbm>>) target(%dma_start3A_327 : memref<16x64xf32, #tpu.memory_space<vmem>>) offsets(%get3A_324 : vector<16xi32>) semaphore(%arg15 : memref<!tpu.dma_semaphore, #tpu.memory_space<semaphore_mem>>)
    %mul3A_331 = arith.constant 1 : i32
    %mul3A_332 = arith.constant 200 : i32
    %mul3A_333 = arith.muli %mul3A_331, %mul3A_332 : i32
    %add3A_334 = arith.constant 160 : i32
    %add3A_335 = arith.addi %mul3A_333, %add3A_334 : i32
    %get3A_336 = arith.index_cast %add3A_335 : i32 to index
    %get3A_337 = tpu.vector_load %arg9[%get3A_336] {strides = array<i32>} : memref<25600xi32, #tpu.memory_space<vmem>>, vector<16xi32>,
    %get3A_338 = vector.shape_cast %get3A_337 : vector<16xi32> to vector<16xi32>
    %dma_start3A_339 = arith.constant 160 : i32
    %dma_start3A_340 = arith.constant 0 : i32
    %dma_start3A_341 = tpu.memref_slice %arg11[%dma_start3A_339, %dma_start3A_340] : memref<208x64xf32, #tpu.memory_space<vmem>> -> memref<16x64xf32, #tpu.memory_space<vmem>>
    %dma_start3A_342 = arith.constant 0 : i32
    %dma_start3A_343 = arith.constant 0 : i32
    %dma_start3A_344 = tpu.memref_slice %arg4[%dma_start3A_342, %dma_start3A_343] : memref<1000000x64xf32, #tpu.memory_space<hbm>> -> memref<1000000x64xf32, #tpu.memory_space<hbm>>
    tpu.enqueue_indirect_dma source(%dma_start3A_344 : memref<1000000x64xf32, #tpu.memory_space<hbm>>) target(%dma_start3A_341 : memref<16x64xf32, #tpu.memory_space<vmem>>) offsets(%get3A_338 : vector<16xi32>) semaphore(%arg15 : memref<!tpu.dma_semaphore, #tpu.memory_space<semaphore_mem>>)
    %mul3A_345 = arith.constant 1 : i32
    %mul3A_346 = arith.constant 200 : i32
    %mul3A_347 = arith.muli %mul3A_345, %mul3A_346 : i32
    %add3A_348 = arith.constant 176 : i32
    %add3A_349 = arith.addi %mul3A_347, %add3A_348 : i32
    %get3A_350 = arith.index_cast %add3A_349 : i32 to index
    %get3A_351 = tpu.vector_load %arg9[%get3A_350] {strides = array<i32>} : memref<25600xi32, #tpu.memory_space<vmem>>, vector<16xi32>,
    %get3A_352 = vector.shape_cast %get3A_351 : vector<16xi32> to vector<16xi32>
    %dma_start3A_353 = arith.constant 176 : i32
    %dma_start3A_354 = arith.constant 0 : i32
    %dma_start3A_355 = tpu.memref_slice %arg11[%dma_start3A_353, %dma_start3A_354] : memref<208x64xf32, #tpu.memory_space<vmem>> -> memref<16x64xf32, #tpu.memory_space<vmem>>
    %dma_start3A_356 = arith.constant 0 : i32
    %dma_start3A_357 = arith.constant 0 : i32
    %dma_start3A_358 = tpu.memref_slice %arg4[%dma_start3A_356, %dma_start3A_357] : memref<1000000x64xf32, #tpu.memory_space<hbm>> -> memref<1000000x64xf32, #tpu.memory_space<hbm>>
    tpu.enqueue_indirect_dma source(%dma_start3A_358 : memref<1000000x64xf32, #tpu.memory_space<hbm>>) target(%dma_start3A_355 : memref<16x64xf32, #tpu.memory_space<vmem>>) offsets(%get3A_352 : vector<16xi32>) semaphore(%arg15 : memref<!tpu.dma_semaphore, #tpu.memory_space<semaphore_mem>>)
    %mul3A_359 = arith.constant 1 : i32
    %mul3A_360 = arith.constant 200 : i32
    %mul3A_361 = arith.muli %mul3A_359, %mul3A_360 : i32
    %add3A_362 = arith.constant 184 : i32
    %add3A_363 = arith.addi %mul3A_361, %add3A_362 : i32
    %get3A_364 = arith.index_cast %add3A_363 : i32 to index
    %get3A_365 = tpu.vector_load %arg9[%get3A_364] {strides = array<i32>} : memref<25600xi32, #tpu.memory_space<vmem>>, vector<16xi32>,
    %get3A_366 = vector.shape_cast %get3A_365 : vector<16xi32> to vector<16xi32>
    %dma_start3A_367 = arith.constant 184 : i32
    %dma_start3A_368 = arith.constant 0 : i32
    %dma_start3A_369 = tpu.memref_slice %arg11[%dma_start3A_367, %dma_start3A_368] : memref<208x64xf32, #tpu.memory_space<vmem>> -> memref<16x64xf32, #tpu.memory_space<vmem>>
    %dma_start3A_370 = arith.constant 0 : i32
    %dma_start3A_371 = arith.constant 0 : i32
    %dma_start3A_372 = tpu.memref_slice %arg4[%dma_start3A_370, %dma_start3A_371] : memref<1000000x64xf32, #tpu.memory_space<hbm>> -> memref<1000000x64xf32, #tpu.memory_space<hbm>>
    tpu.enqueue_indirect_dma source(%dma_start3A_372 : memref<1000000x64xf32, #tpu.memory_space<hbm>>) target(%dma_start3A_369 : memref<16x64xf32, #tpu.memory_space<vmem>>) offsets(%get3A_366 : vector<16xi32>) semaphore(%arg15 : memref<!tpu.dma_semaphore, #tpu.memory_space<semaphore_mem>>)
    %scan3A_373 = arith.constant 0 : i32
    %scan3A_374 = arith.constant 0 : i32
    %scan3A_375 = arith.constant 32 : i32
    %scan3A_376 = arith.addi %scan3A_374, %scan3A_375 : i32
    %scan3A_377 = arith.constant 1 : i32
    scf.for %scan3A_442 = %scan3A_374 to %scan3A_376 step %scan3A_377  : i32 {
      %mul3A_443 = arith.constant 4 : i32
      %mul3A_444 = arith.muli %mul3A_443, %scan3A_442 : i32
      %add3A_445 = arith.constant 0 : i32
      %add3A_446 = arith.addi %mul3A_444, %add3A_445 : i32
      %dma_wait3A_447 = arith.constant 0 : i32
      %dma_wait3A_448 = arith.constant 0 : i32
      %dma_wait3A_449 = tpu.memref_slice %arg10[%dma_wait3A_447, %dma_wait3A_448] : memref<208x64xf32, #tpu.memory_space<vmem>> -> memref<208x64xf32, #tpu.memory_space<vmem>>
      %dma_wait3A_450 = arith.constant 0 : i32
      %dma_wait3A_451 = arith.constant 0 : i32
      %dma_wait3A_452 = tpu.memref_slice %arg4[%dma_wait3A_450, %dma_wait3A_451] : memref<1000000x64xf32, #tpu.memory_space<hbm>> -> memref<208x64xf32, #tpu.memory_space<hbm>>
      %dma_wait3A_453 = arith.constant 0 : i32
      %dma_wait3A_454 = arith.constant 0 : i32
      %dma_wait3A_455 = tpu.memref_slice %arg10[%dma_wait3A_453, %dma_wait3A_454] : memref<208x64xf32, #tpu.memory_space<vmem>> -> memref<208x64xf32, #tpu.memory_space<vmem>>
      %dma_wait3A_456 = arith.constant 0 : i32
      %dma_wait3A_457 = arith.constant 0 : i32
      %dma_wait3A_458 = tpu.memref_slice %arg4[%dma_wait3A_456, %dma_wait3A_457] : memref<1000000x64xf32, #tpu.memory_space<hbm>> -> memref<208x64xf32, #tpu.memory_space<hbm>>
      tpu.wait_dma2 semaphore(%arg14 : memref<!tpu.dma_semaphore, #tpu.memory_space<semaphore_mem>>) src(%dma_wait3A_458 : memref<208x64xf32, #tpu.memory_space<hbm>>) dst(%dma_wait3A_455 : memref<208x64xf32, #tpu.memory_space<vmem>>)
      %add3A_459 = arith.constant 2 : i32
      %add3A_460 = arith.addi %add3A_446, %add3A_459 : i32
      %lt3A = arith.constant 128 : i32
      %lt3A_461 = arith.cmpi slt, %add3A_460, %lt3A : i32
      %convert_element_type3A = arith.extui %lt3A_461 : i1 to i32
      %cond3A = arith.constant 0 : i32
      %cond3A_462 = arith.cmpi ne, %convert_element_type3A, %cond3A : i32
      scf.if %cond3A_462 {
        %ge3A = arith.constant 2 : i32
        %ge3A_671 = arith.cmpi sge, %add3A_446, %ge3A : i32
        %convert_element_type3A_672 = arith.extui %ge3A_671 : i1 to i32
        %cond3A_673 = arith.constant 0 : i32
        %cond3A_674 = arith.cmpi ne, %convert_element_type3A_672, %cond3A_673 : i32
        scf.if %cond3A_674 {
          %add3A_846 = arith.constant 2 : i32
          %add3A_847 = arith.addi %add3A_446, %add3A_846 : i32
          %sub3A_848 = arith.constant 4 : i32
          %sub3A_849 = arith.subi %add3A_847, %sub3A_848 : i32
          %add3A_850 = arith.addi %mul3A_2, %sub3A_849 : i32
          %dma_wait3A_851 = arith.constant 0 : i32
          %dma_wait3A_852 = arith.constant 0 : i32
          %dma_wait3A_853 = tpu.memref_slice %arg12[%dma_wait3A_851, %dma_wait3A_852] : memref<208x64xf32, #tpu.memory_space<vmem>> -> memref<200x64xf32, #tpu.memory_space<vmem>>
          %dma_wait3A_854 = arith.constant 0 : i32
          %dma_wait3A_855 = arith.constant 0 : i32
          %dma_wait3A_856 = tpu.memref_slice %arg6[%add3A_850, %dma_wait3A_854, %dma_wait3A_855] : memref<4096x200x64xf32, #tpu.memory_space<hbm>> -> memref<1x200x64xf32, #tpu.memory_space<hbm>>
          %dma_wait3A_857 = tpu.memref_squeeze %dma_wait3A_856 : memref<1x200x64xf32, #tpu.memory_space<hbm>> -> memref<200x64xf32, #tpu.memory_space<hbm>>
          %dma_wait3A_858 = arith.constant 0 : i32
          %dma_wait3A_859 = arith.constant 0 : i32
          %dma_wait3A_860 = tpu.memref_slice %arg6[%add3A_850, %dma_wait3A_858, %dma_wait3A_859] : memref<4096x200x64xf32, #tpu.memory_space<hbm>> -> memref<1x200x64xf32, #tpu.memory_space<hbm>>
          %dma_wait3A_861 = tpu.memref_squeeze %dma_wait3A_860 : memref<1x200x64xf32, #tpu.memory_space<hbm>> -> memref<200x64xf32, #tpu.memory_space<hbm>>
          %dma_wait3A_862 = arith.constant 0 : i32
          %dma_wait3A_863 = arith.constant 0 : i32
          %dma_wait3A_864 = tpu.memref_slice %arg12[%dma_wait3A_862, %dma_wait3A_863] : memref<208x64xf32, #tpu.memory_space<vmem>> -> memref<200x64xf32, #tpu.memory_space<vmem>>
          tpu.wait_dma2 semaphore(%arg20 : memref<!tpu.dma_semaphore, #tpu.memory_space<semaphore_mem>>) src(%dma_wait3A_864 : memref<200x64xf32, #tpu.memory_space<vmem>>) dst(%dma_wait3A_861 : memref<200x64xf32, #tpu.memory_space<hbm>>)
        } else {
        }
        %add3A_675 = arith.constant 2 : i32
        %add3A_676 = arith.addi %add3A_446, %add3A_675 : i32
        %mul3A_677 = arith.constant 200 : i32
        %mul3A_678 = arith.muli %add3A_676, %mul3A_677 : i32
        %add3A_679 = arith.constant 0 : i32
        %add3A_680 = arith.addi %mul3A_678, %add3A_679 : i32
        %get3A_681 = arith.index_cast %add3A_680 : i32 to index
        %get3A_682 = tpu.vector_load %arg9[%get3A_681] {strides = array<i32>} : memref<25600xi32, #tpu.memory_space<vmem>>, vector<16xi32>,
        %get3A_683 = vector.shape_cast %get3A_682 : vector<16xi32> to vector<16xi32>
        %dma_start3A_684 = arith.constant 0 : i32
        %dma_start3A_685 = arith.constant 0 : i32
        %dma_start3A_686 = tpu.memref_slice %arg12[%dma_start3A_684, %dma_start3A_685] : memref<208x64xf32, #tpu.memory_space<vmem>> -> memref<16x64xf32, #tpu.memory_space<vmem>>
        %dma_start3A_687 = arith.constant 0 : i32
        %dma_start3A_688 = arith.constant 0 : i32
        %dma_start3A_689 = tpu.memref_slice %arg4[%dma_start3A_687, %dma_start3A_688] : memref<1000000x64xf32, #tpu.memory_space<hbm>> -> memref<1000000x64xf32, #tpu.memory_space<hbm>>
        tpu.enqueue_indirect_dma source(%dma_start3A_689 : memref<1000000x64xf32, #tpu.memory_space<hbm>>) target(%dma_start3A_686 : memref<16x64xf32, #tpu.memory_space<vmem>>) offsets(%get3A_683 : vector<16xi32>) semaphore(%arg16 : memref<!tpu.dma_semaphore, #tpu.memory_space<semaphore_mem>>)
        %mul3A_690 = arith.constant 200 : i32
        %mul3A_691 = arith.muli %add3A_676, %mul3A_690 : i32
        %add3A_692 = arith.constant 16 : i32
        %add3A_693 = arith.addi %mul3A_691, %add3A_692 : i32
        %get3A_694 = arith.index_cast %add3A_693 : i32 to index
        %get3A_695 = tpu.vector_load %arg9[%get3A_694] {strides = array<i32>} : memref<25600xi32, #tpu.memory_space<vmem>>, vector<16xi32>,
        %get3A_696 = vector.shape_cast %get3A_695 : vector<16xi32> to vector<16xi32>
        %dma_start3A_697 = arith.constant 16 : i32
        %dma_start3A_698 = arith.constant 0 : i32
        %dma_start3A_699 = tpu.memref_slice %arg12[%dma_start3A_697, %dma_start3A_698] : memref<208x64xf32, #tpu.memory_space<vmem>> -> memref<16x64xf32, #tpu.memory_space<vmem>>
        %dma_start3A_700 = arith.constant 0 : i32
        %dma_start3A_701 = arith.constant 0 : i32
        %dma_start3A_702 = tpu.memref_slice %arg4[%dma_start3A_700, %dma_start3A_701] : memref<1000000x64xf32, #tpu.memory_space<hbm>> -> memref<1000000x64xf32, #tpu.memory_space<hbm>>
        tpu.enqueue_indirect_dma source(%dma_start3A_702 : memref<1000000x64xf32, #tpu.memory_space<hbm>>) target(%dma_start3A_699 : memref<16x64xf32, #tpu.memory_space<vmem>>) offsets(%get3A_696 : vector<16xi32>) semaphore(%arg16 : memref<!tpu.dma_semaphore, #tpu.memory_space<semaphore_mem>>)
        %mul3A_703 = arith.constant 200 : i32
        %mul3A_704 = arith.muli %add3A_676, %mul3A_703 : i32
        %add3A_705 = arith.constant 32 : i32
        %add3A_706 = arith.addi %mul3A_704, %add3A_705 : i32
        %get3A_707 = arith.index_cast %add3A_706 : i32 to index
        %get3A_708 = tpu.vector_load %arg9[%get3A_707] {strides = array<i32>} : memref<25600xi32, #tpu.memory_space<vmem>>, vector<16xi32>,
        %get3A_709 = vector.shape_cast %get3A_708 : vector<16xi32> to vector<16xi32>
        %dma_start3A_710 = arith.constant 32 : i32
        %dma_start3A_711 = arith.constant 0 : i32
        %dma_start3A_712 = tpu.memref_slice %arg12[%dma_start3A_710, %dma_start3A_711] : memref<208x64xf32, #tpu.memory_space<vmem>> -> memref<16x64xf32, #tpu.memory_space<vmem>>
        %dma_start3A_713 = arith.constant 0 : i32
        %dma_start3A_714 = arith.constant 0 : i32
        %dma_start3A_715 = tpu.memref_slice %arg4[%dma_start3A_713, %dma_start3A_714] : memref<1000000x64xf32, #tpu.memory_space<hbm>> -> memref<1000000x64xf32, #tpu.memory_space<hbm>>
        tpu.enqueue_indirect_dma source(%dma_start3A_715 : memref<1000000x64xf32, #tpu.memory_space<hbm>>) target(%dma_start3A_712 : memref<16x64xf32, #tpu.memory_space<vmem>>) offsets(%get3A_709 : vector<16xi32>) semaphore(%arg16 : memref<!tpu.dma_semaphore, #tpu.memory_space<semaphore_mem>>)
        %mul3A_716 = arith.constant 200 : i32
        %mul3A_717 = arith.muli %add3A_676, %mul3A_716 : i32
        %add3A_718 = arith.constant 48 : i32
        %add3A_719 = arith.addi %mul3A_717, %add3A_718 : i32
        %get3A_720 = arith.index_cast %add3A_719 : i32 to index
        %get3A_721 = tpu.vector_load %arg9[%get3A_720] {strides = array<i32>} : memref<25600xi32, #tpu.memory_space<vmem>>, vector<16xi32>,
        %get3A_722 = vector.shape_cast %get3A_721 : vector<16xi32> to vector<16xi32>
        %dma_start3A_723 = arith.constant 48 : i32
        %dma_start3A_724 = arith.constant 0 : i32
        %dma_start3A_725 = tpu.memref_slice %arg12[%dma_start3A_723, %dma_start3A_724] : memref<208x64xf32, #tpu.memory_space<vmem>> -> memref<16x64xf32, #tpu.memory_space<vmem>>
        %dma_start3A_726 = arith.constant 0 : i32
        %dma_start3A_727 = arith.constant 0 : i32
        %dma_start3A_728 = tpu.memref_slice %arg4[%dma_start3A_726, %dma_start3A_727] : memref<1000000x64xf32, #tpu.memory_space<hbm>> -> memref<1000000x64xf32, #tpu.memory_space<hbm>>
        tpu.enqueue_indirect_dma source(%dma_start3A_728 : memref<1000000x64xf32, #tpu.memory_space<hbm>>) target(%dma_start3A_725 : memref<16x64xf32, #tpu.memory_space<vmem>>) offsets(%get3A_722 : vector<16xi32>) semaphore(%arg16 : memref<!tpu.dma_semaphore, #tpu.memory_space<semaphore_mem>>)
        %mul3A_729 = arith.constant 200 : i32
        %mul3A_730 = arith.muli %add3A_676, %mul3A_729 : i32
        %add3A_731 = arith.constant 64 : i32
        %add3A_732 = arith.addi %mul3A_730, %add3A_731 : i32
        %get3A_733 = arith.index_cast %add3A_732 : i32 to index
        %get3A_734 = tpu.vector_load %arg9[%get3A_733] {strides = array<i32>} : memref<25600xi32, #tpu.memory_space<vmem>>, vector<16xi32>,
        %get3A_735 = vector.shape_cast %get3A_734 : vector<16xi32> to vector<16xi32>
        %dma_start3A_736 = arith.constant 64 : i32
        %dma_start3A_737 = arith.constant 0 : i32
        %dma_start3A_738 = tpu.memref_slice %arg12[%dma_start3A_736, %dma_start3A_737] : memref<208x64xf32, #tpu.memory_space<vmem>> -> memref<16x64xf32, #tpu.memory_space<vmem>>
        %dma_start3A_739 = arith.constant 0 : i32
        %dma_start3A_740 = arith.constant 0 : i32
        %dma_start3A_741 = tpu.memref_slice %arg4[%dma_start3A_739, %dma_start3A_740] : memref<1000000x64xf32, #tpu.memory_space<hbm>> -> memref<1000000x64xf32, #tpu.memory_space<hbm>>
        tpu.enqueue_indirect_dma source(%dma_start3A_741 : memref<1000000x64xf32, #tpu.memory_space<hbm>>) target(%dma_start3A_738 : memref<16x64xf32, #tpu.memory_space<vmem>>) offsets(%get3A_735 : vector<16xi32>) semaphore(%arg16 : memref<!tpu.dma_semaphore, #tpu.memory_space<semaphore_mem>>)
        %mul3A_742 = arith.constant 200 : i32
        %mul3A_743 = arith.muli %add3A_676, %mul3A_742 : i32
        %add3A_744 = arith.constant 80 : i32
        %add3A_745 = arith.addi %mul3A_743, %add3A_744 : i32
        %get3A_746 = arith.index_cast %add3A_745 : i32 to index
        %get3A_747 = tpu.vector_load %arg9[%get3A_746] {strides = array<i32>} : memref<25600xi32, #tpu.memory_space<vmem>>, vector<16xi32>,
        %get3A_748 = vector.shape_cast %get3A_747 : vector<16xi32> to vector<16xi32>
        %dma_start3A_749 = arith.constant 80 : i32
        %dma_start3A_750 = arith.constant 0 : i32
        %dma_start3A_751 = tpu.memref_slice %arg12[%dma_start3A_749, %dma_start3A_750] : memref<208x64xf32, #tpu.memory_space<vmem>> -> memref<16x64xf32, #tpu.memory_space<vmem>>
        %dma_start3A_752 = arith.constant 0 : i32
        %dma_start3A_753 = arith.constant 0 : i32
        %dma_start3A_754 = tpu.memref_slice %arg4[%dma_start3A_752, %dma_start3A_753] : memref<1000000x64xf32, #tpu.memory_space<hbm>> -> memref<1000000x64xf32, #tpu.memory_space<hbm>>
        tpu.enqueue_indirect_dma source(%dma_start3A_754 : memref<1000000x64xf32, #tpu.memory_space<hbm>>) target(%dma_start3A_751 : memref<16x64xf32, #tpu.memory_space<vmem>>) offsets(%get3A_748 : vector<16xi32>) semaphore(%arg16 : memref<!tpu.dma_semaphore, #tpu.memory_space<semaphore_mem>>)
        %mul3A_755 = arith.constant 200 : i32
        %mul3A_756 = arith.muli %add3A_676, %mul3A_755 : i32
        %add3A_757 = arith.constant 96 : i32
        %add3A_758 = arith.addi %mul3A_756, %add3A_757 : i32
        %get3A_759 = arith.index_cast %add3A_758 : i32 to index
        %get3A_760 = tpu.vector_load %arg9[%get3A_759] {strides = array<i32>} : memref<25600xi32, #tpu.memory_space<vmem>>, vector<16xi32>,
        %get3A_761 = vector.shape_cast %get3A_760 : vector<16xi32> to vector<16xi32>
        %dma_start3A_762 = arith.constant 96 : i32
        %dma_start3A_763 = arith.constant 0 : i32
        %dma_start3A_764 = tpu.memref_slice %arg12[%dma_start3A_762, %dma_start3A_763] : memref<208x64xf32, #tpu.memory_space<vmem>> -> memref<16x64xf32, #tpu.memory_space<vmem>>
        %dma_start3A_765 = arith.constant 0 : i32
        %dma_start3A_766 = arith.constant 0 : i32
        %dma_start3A_767 = tpu.memref_slice %arg4[%dma_start3A_765, %dma_start3A_766] : memref<1000000x64xf32, #tpu.memory_space<hbm>> -> memref<1000000x64xf32, #tpu.memory_space<hbm>>
        tpu.enqueue_indirect_dma source(%dma_start3A_767 : memref<1000000x64xf32, #tpu.memory_space<hbm>>) target(%dma_start3A_764 : memref<16x64xf32, #tpu.memory_space<vmem>>) offsets(%get3A_761 : vector<16xi32>) semaphore(%arg16 : memref<!tpu.dma_semaphore, #tpu.memory_space<semaphore_mem>>)
        %mul3A_768 = arith.constant 200 : i32
        %mul3A_769 = arith.muli %add3A_676, %mul3A_768 : i32
        %add3A_770 = arith.constant 112 : i32
        %add3A_771 = arith.addi %mul3A_769, %add3A_770 : i32
        %get3A_772 = arith.index_cast %add3A_771 : i32 to index
        %get3A_773 = tpu.vector_load %arg9[%get3A_772] {strides = array<i32>} : memref<25600xi32, #tpu.memory_space<vmem>>, vector<16xi32>,
        %get3A_774 = vector.shape_cast %get3A_773 : vector<16xi32> to vector<16xi32>
        %dma_start3A_775 = arith.constant 112 : i32
        %dma_start3A_776 = arith.constant 0 : i32
        %dma_start3A_777 = tpu.memref_slice %arg12[%dma_start3A_775, %dma_start3A_776] : memref<208x64xf32, #tpu.memory_space<vmem>> -> memref<16x64xf32, #tpu.memory_space<vmem>>
        %dma_start3A_778 = arith.constant 0 : i32
        %dma_start3A_779 = arith.constant 0 : i32
        %dma_start3A_780 = tpu.memref_slice %arg4[%dma_start3A_778, %dma_start3A_779] : memref<1000000x64xf32, #tpu.memory_space<hbm>> -> memref<1000000x64xf32, #tpu.memory_space<hbm>>
        tpu.enqueue_indirect_dma source(%dma_start3A_780 : memref<1000000x64xf32, #tpu.memory_space<hbm>>) target(%dma_start3A_777 : memref<16x64xf32, #tpu.memory_space<vmem>>) offsets(%get3A_774 : vector<16xi32>) semaphore(%arg16 : memref<!tpu.dma_semaphore, #tpu.memory_space<semaphore_mem>>)
        %mul3A_781 = arith.constant 200 : i32
        %mul3A_782 = arith.muli %add3A_676, %mul3A_781 : i32
        %add3A_783 = arith.constant 128 : i32
        %add3A_784 = arith.addi %mul3A_782, %add3A_783 : i32
        %get3A_785 = arith.index_cast %add3A_784 : i32 to index
        %get3A_786 = tpu.vector_load %arg9[%get3A_785] {strides = array<i32>} : memref<25600xi32, #tpu.memory_space<vmem>>, vector<16xi32>,
        %get3A_787 = vector.shape_cast %get3A_786 : vector<16xi32> to vector<16xi32>
        %dma_start3A_788 = arith.constant 128 : i32
        %dma_start3A_789 = arith.constant 0 : i32
        %dma_start3A_790 = tpu.memref_slice %arg12[%dma_start3A_788, %dma_start3A_789] : memref<208x64xf32, #tpu.memory_space<vmem>> -> memref<16x64xf32, #tpu.memory_space<vmem>>
        %dma_start3A_791 = arith.constant 0 : i32
        %dma_start3A_792 = arith.constant 0 : i32
        %dma_start3A_793 = tpu.memref_slice %arg4[%dma_start3A_791, %dma_start3A_792] : memref<1000000x64xf32, #tpu.memory_space<hbm>> -> memref<1000000x64xf32, #tpu.memory_space<hbm>>
        tpu.enqueue_indirect_dma source(%dma_start3A_793 : memref<1000000x64xf32, #tpu.memory_space<hbm>>) target(%dma_start3A_790 : memref<16x64xf32, #tpu.memory_space<vmem>>) offsets(%get3A_787 : vector<16xi32>) semaphore(%arg16 : memref<!tpu.dma_semaphore, #tpu.memory_space<semaphore_mem>>)
        %mul3A_794 = arith.constant 200 : i32
        %mul3A_795 = arith.muli %add3A_676, %mul3A_794 : i32
        %add3A_796 = arith.constant 144 : i32
        %add3A_797 = arith.addi %mul3A_795, %add3A_796 : i32
        %get3A_798 = arith.index_cast %add3A_797 : i32 to index
        %get3A_799 = tpu.vector_load %arg9[%get3A_798] {strides = array<i32>} : memref<25600xi32, #tpu.memory_space<vmem>>, vector<16xi32>,
        %get3A_800 = vector.shape_cast %get3A_799 : vector<16xi32> to vector<16xi32>
        %dma_start3A_801 = arith.constant 144 : i32
        %dma_start3A_802 = arith.constant 0 : i32
        %dma_start3A_803 = tpu.memref_slice %arg12[%dma_start3A_801, %dma_start3A_802] : memref<208x64xf32, #tpu.memory_space<vmem>> -> memref<16x64xf32, #tpu.memory_space<vmem>>
        %dma_start3A_804 = arith.constant 0 : i32
        %dma_start3A_805 = arith.constant 0 : i32
        %dma_start3A_806 = tpu.memref_slice %arg4[%dma_start3A_804, %dma_start3A_805] : memref<1000000x64xf32, #tpu.memory_space<hbm>> -> memref<1000000x64xf32, #tpu.memory_space<hbm>>
        tpu.enqueue_indirect_dma source(%dma_start3A_806 : memref<1000000x64xf32, #tpu.memory_space<hbm>>) target(%dma_start3A_803 : memref<16x64xf32, #tpu.memory_space<vmem>>) offsets(%get3A_800 : vector<16xi32>) semaphore(%arg16 : memref<!tpu.dma_semaphore, #tpu.memory_space<semaphore_mem>>)
        %mul3A_807 = arith.constant 200 : i32
        %mul3A_808 = arith.muli %add3A_676, %mul3A_807 : i32
        %add3A_809 = arith.constant 160 : i32
        %add3A_810 = arith.addi %mul3A_808, %add3A_809 : i32
        %get3A_811 = arith.index_cast %add3A_810 : i32 to index
        %get3A_812 = tpu.vector_load %arg9[%get3A_811] {strides = array<i32>} : memref<25600xi32, #tpu.memory_space<vmem>>, vector<16xi32>,
        %get3A_813 = vector.shape_cast %get3A_812 : vector<16xi32> to vector<16xi32>
        %dma_start3A_814 = arith.constant 160 : i32
        %dma_start3A_815 = arith.constant 0 : i32
        %dma_start3A_816 = tpu.memref_slice %arg12[%dma_start3A_814, %dma_start3A_815] : memref<208x64xf32, #tpu.memory_space<vmem>> -> memref<16x64xf32, #tpu.memory_space<vmem>>
        %dma_start3A_817 = arith.constant 0 : i32
        %dma_start3A_818 = arith.constant 0 : i32
        %dma_start3A_819 = tpu.memref_slice %arg4[%dma_start3A_817, %dma_start3A_818] : memref<1000000x64xf32, #tpu.memory_space<hbm>> -> memref<1000000x64xf32, #tpu.memory_space<hbm>>
        tpu.enqueue_indirect_dma source(%dma_start3A_819 : memref<1000000x64xf32, #tpu.memory_space<hbm>>) target(%dma_start3A_816 : memref<16x64xf32, #tpu.memory_space<vmem>>) offsets(%get3A_813 : vector<16xi32>) semaphore(%arg16 : memref<!tpu.dma_semaphore, #tpu.memory_space<semaphore_mem>>)
        %mul3A_820 = arith.constant 200 : i32
        %mul3A_821 = arith.muli %add3A_676, %mul3A_820 : i32
        %add3A_822 = arith.constant 176 : i32
        %add3A_823 = arith.addi %mul3A_821, %add3A_822 : i32
        %get3A_824 = arith.index_cast %add3A_823 : i32 to index
        %get3A_825 = tpu.vector_load %arg9[%get3A_824] {strides = array<i32>} : memref<25600xi32, #tpu.memory_space<vmem>>, vector<16xi32>,
        %get3A_826 = vector.shape_cast %get3A_825 : vector<16xi32> to vector<16xi32>
        %dma_start3A_827 = arith.constant 176 : i32
        %dma_start3A_828 = arith.constant 0 : i32
        %dma_start3A_829 = tpu.memref_slice %arg12[%dma_start3A_827, %dma_start3A_828] : memref<208x64xf32, #tpu.memory_space<vmem>> -> memref<16x64xf32, #tpu.memory_space<vmem>>
        %dma_start3A_830 = arith.constant 0 : i32
        %dma_start3A_831 = arith.constant 0 : i32
        %dma_start3A_832 = tpu.memref_slice %arg4[%dma_start3A_830, %dma_start3A_831] : memref<1000000x64xf32, #tpu.memory_space<hbm>> -> memref<1000000x64xf32, #tpu.memory_space<hbm>>
        tpu.enqueue_indirect_dma source(%dma_start3A_832 : memref<1000000x64xf32, #tpu.memory_space<hbm>>) target(%dma_start3A_829 : memref<16x64xf32, #tpu.memory_space<vmem>>) offsets(%get3A_826 : vector<16xi32>) semaphore(%arg16 : memref<!tpu.dma_semaphore, #tpu.memory_space<semaphore_mem>>)
        %mul3A_833 = arith.constant 200 : i32
        %mul3A_834 = arith.muli %add3A_676, %mul3A_833 : i32
        %add3A_835 = arith.constant 184 : i32
        %add3A_836 = arith.addi %mul3A_834, %add3A_835 : i32
        %get3A_837 = arith.index_cast %add3A_836 : i32 to index
        %get3A_838 = tpu.vector_load %arg9[%get3A_837] {strides = array<i32>} : memref<25600xi32, #tpu.memory_space<vmem>>, vector<16xi32>,
        %get3A_839 = vector.shape_cast %get3A_838 : vector<16xi32> to vector<16xi32>
        %dma_start3A_840 = arith.constant 184 : i32
        %dma_start3A_841 = arith.constant 0 : i32
        %dma_start3A_842 = tpu.memref_slice %arg12[%dma_start3A_840, %dma_start3A_841] : memref<208x64xf32, #tpu.memory_space<vmem>> -> memref<16x64xf32, #tpu.memory_space<vmem>>
        %dma_start3A_843 = arith.constant 0 : i32
        %dma_start3A_844 = arith.constant 0 : i32
        %dma_start3A_845 = tpu.memref_slice %arg4[%dma_start3A_843, %dma_start3A_844] : memref<1000000x64xf32, #tpu.memory_space<hbm>> -> memref<1000000x64xf32, #tpu.memory_space<hbm>>
        tpu.enqueue_indirect_dma source(%dma_start3A_845 : memref<1000000x64xf32, #tpu.memory_space<hbm>>) target(%dma_start3A_842 : memref<16x64xf32, #tpu.memory_space<vmem>>) offsets(%get3A_839 : vector<16xi32>) semaphore(%arg16 : memref<!tpu.dma_semaphore, #tpu.memory_space<semaphore_mem>>)
      } else {
      }
      %and3A = arith.constant -16 : i32
      %and3A_463 = arith.andi %add3A_446, %and3A : i32
      %get3A_464 = arith.index_cast %and3A_463 : i32 to index
      %get3A_465 = tpu.vector_load %arg7[%get3A_464] {strides = array<i32>} : memref<144xi32, #tpu.memory_space<vmem>>, vector<16xi32>,
      %get3A_466 = vector.shape_cast %get3A_465 : vector<16xi32> to vector<16xi32>
      %sub3A = arith.subi %add3A_446, %and3A_463 : i32
      %add3A_467 = vector.broadcast %sub3A : i32 to vector<16xi32>
      %add3A_468 = arith.addi %broadcast_in_dim3A_5, %add3A_467 : vector<16xi32>
      %lt3A_469 = arith.constant 0 : i32
      %lt3A_470 = vector.broadcast %lt3A_469 : i32 to vector<16xi32>
      %lt3A_471 = arith.cmpi slt, %add3A_468, %lt3A_470 : vector<16xi32>
      %add3A_472 = arith.constant 16 : i32
      %add3A_473 = vector.broadcast %add3A_472 : i32 to vector<16xi32>
      %add3A_474 = arith.addi %add3A_468, %add3A_473 : vector<16xi32>
      %select_n3A = arith.select %lt3A_471, %add3A_474, %add3A_468 : vector<16xi1>, vector<16xi32>
      %broadcast_in_dim3A_475 = vector.shape_cast %select_n3A : vector<16xi32> to vector<16x1xi32>
      %gather3A = vector.shape_cast %broadcast_in_dim3A_475 : vector<16x1xi32> to vector<16xi32>
      %gather3A_476 = tpu.dynamic_gather %get3A_466[%gather3A] in [0] : vector<16xi32>, vector<16xi32> -> vector<16xi32>
      %parallel_loop3A = arith.constant 0 : i32
      %parallel_loop3A_477 = arith.constant 200 : i32
      %parallel_loop3A_478 = arith.constant 1 : i32
      scf.for %parallel_loop3A_671 = %parallel_loop3A to %parallel_loop3A_477 step %parallel_loop3A_478  : i32 {
        %parallel_loop3A_672 = vector.broadcast %parallel_loop3A_671 : i32 to vector<16xi32>
        %parallel_loop3A_673 = arith.addi %broadcast_in_dim3A_5, %parallel_loop3A_672 : vector<16xi32>
        %parallel_loop3A_674 = arith.cmpi slt, %parallel_loop3A_673, %gather3A_476 : vector<16xi32>
        %parallel_loop3A_675 = arith.constant 8.000000e+00 : f32
        %parallel_loop3A_676 = arith.constant 0.000000e+00 : f32
        %parallel_loop3A_677 = vector.broadcast %parallel_loop3A_675 : f32 to vector<16xf32>
        %parallel_loop3A_678 = vector.broadcast %parallel_loop3A_676 : f32 to vector<16xf32>
        %parallel_loop3A_679 = arith.select %parallel_loop3A_674, %parallel_loop3A_677, %parallel_loop3A_678 : vector<16xi1>, vector<16xf32>
        %parallel_loop3A_680 = arith.index_cast %parallel_loop3A_671 : i32 to index
        %parallel_loop3A_681 = arith.constant 0 : index
        %parallel_loop3A_682 = tpu.vector_load %arg10[%parallel_loop3A_680, %parallel_loop3A_681] {strides = array<i32>} : memref<208x64xf32, #tpu.memory_space<vmem>>, vector<1x16xf32>,
        %parallel_loop3A_683 = vector.shape_cast %parallel_loop3A_682 : vector<1x16xf32> to vector<16xf32>
        %parallel_loop3A_684 = arith.index_cast %parallel_loop3A_671 : i32 to index
        %parallel_loop3A_685 = arith.constant 0 : index
        %parallel_loop3A_686 = tpu.vector_load %arg8[%parallel_loop3A_684, %parallel_loop3A_685] {strides = array<i32>} : memref<200x64xf32, #tpu.memory_space<vmem>>, vector<1x16xf32>,
        %parallel_loop3A_687 = vector.shape_cast %parallel_loop3A_686 : vector<1x16xf32> to vector<16xf32>
        %parallel_loop3A_688 = arith.addf %parallel_loop3A_683, %parallel_loop3A_687 : vector<16xf32>
        %parallel_loop3A_689 = arith.mulf %parallel_loop3A_688, %parallel_loop3A_679 : vector<16xf32>
        %parallel_loop3A_690 = arith.index_cast %parallel_loop3A_671 : i32 to index
        %parallel_loop3A_691 = arith.constant 0 : index
        %parallel_loop3A_692 = tpu.vector_load %arg10[%parallel_loop3A_690, %parallel_loop3A_691] {strides = array<i32>} : memref<208x64xf32, #tpu.memory_space<vmem>>, vector<1x16xf32>,
        %parallel_loop3A_693 = vector.shape_cast %parallel_loop3A_692 : vector<1x16xf32> to vector<16xf32>
        %parallel_loop3A_694 = vector.shape_cast %parallel_loop3A_689 : vector<16xf32> to vector<1x16xf32>
        tpu.vector_store %arg10[%parallel_loop3A_690, %parallel_loop3A_691], %parallel_loop3A_694 {strides = array<i32>} : memref<208x64xf32, #tpu.memory_space<vmem>>, vector<1x16xf32>,
        %parallel_loop3A_695 = arith.index_cast %parallel_loop3A_671 : i32 to index
        %parallel_loop3A_696 = arith.constant 16 : index
        %parallel_loop3A_697 = tpu.vector_load %arg10[%parallel_loop3A_695, %parallel_loop3A_696] {strides = array<i32>} : memref<208x64xf32, #tpu.memory_space<vmem>>, vector<1x16xf32>,
        %parallel_loop3A_698 = vector.shape_cast %parallel_loop3A_697 : vector<1x16xf32> to vector<16xf32>
        %parallel_loop3A_699 = arith.index_cast %parallel_loop3A_671 : i32 to index
        %parallel_loop3A_700 = arith.constant 16 : index
        %parallel_loop3A_701 = tpu.vector_load %arg8[%parallel_loop3A_699, %parallel_loop3A_700] {strides = array<i32>} : memref<200x64xf32, #tpu.memory_space<vmem>>, vector<1x16xf32>,
        %parallel_loop3A_702 = vector.shape_cast %parallel_loop3A_701 : vector<1x16xf32> to vector<16xf32>
        %parallel_loop3A_703 = arith.addf %parallel_loop3A_698, %parallel_loop3A_702 : vector<16xf32>
        %parallel_loop3A_704 = arith.mulf %parallel_loop3A_703, %parallel_loop3A_679 : vector<16xf32>
        %parallel_loop3A_705 = arith.index_cast %parallel_loop3A_671 : i32 to index
        %parallel_loop3A_706 = arith.constant 16 : index
        %parallel_loop3A_707 = tpu.vector_load %arg10[%parallel_loop3A_705, %parallel_loop3A_706] {strides = array<i32>} : memref<208x64xf32, #tpu.memory_space<vmem>>, vector<1x16xf32>,
        %parallel_loop3A_708 = vector.shape_cast %parallel_loop3A_707 : vector<1x16xf32> to vector<16xf32>
        %parallel_loop3A_709 = vector.shape_cast %parallel_loop3A_704 : vector<16xf32> to vector<1x16xf32>
        tpu.vector_store %arg10[%parallel_loop3A_705, %parallel_loop3A_706], %parallel_loop3A_709 {strides = array<i32>} : memref<208x64xf32, #tpu.memory_space<vmem>>, vector<1x16xf32>,
        %parallel_loop3A_710 = arith.index_cast %parallel_loop3A_671 : i32 to index
        %parallel_loop3A_711 = arith.constant 32 : index
        %parallel_loop3A_712 = tpu.vector_load %arg10[%parallel_loop3A_710, %parallel_loop3A_711] {strides = array<i32>} : memref<208x64xf32, #tpu.memory_space<vmem>>, vector<1x16xf32>,
        %parallel_loop3A_713 = vector.shape_cast %parallel_loop3A_712 : vector<1x16xf32> to vector<16xf32>
        %parallel_loop3A_714 = arith.index_cast %parallel_loop3A_671 : i32 to index
        %parallel_loop3A_715 = arith.constant 32 : index
        %parallel_loop3A_716 = tpu.vector_load %arg8[%parallel_loop3A_714, %parallel_loop3A_715] {strides = array<i32>} : memref<200x64xf32, #tpu.memory_space<vmem>>, vector<1x16xf32>,
        %parallel_loop3A_717 = vector.shape_cast %parallel_loop3A_716 : vector<1x16xf32> to vector<16xf32>
        %parallel_loop3A_718 = arith.addf %parallel_loop3A_713, %parallel_loop3A_717 : vector<16xf32>
        %parallel_loop3A_719 = arith.mulf %parallel_loop3A_718, %parallel_loop3A_679 : vector<16xf32>
        %parallel_loop3A_720 = arith.index_cast %parallel_loop3A_671 : i32 to index
        %parallel_loop3A_721 = arith.constant 32 : index
        %parallel_loop3A_722 = tpu.vector_load %arg10[%parallel_loop3A_720, %parallel_loop3A_721] {strides = array<i32>} : memref<208x64xf32, #tpu.memory_space<vmem>>, vector<1x16xf32>,
        %parallel_loop3A_723 = vector.shape_cast %parallel_loop3A_722 : vector<1x16xf32> to vector<16xf32>
        %parallel_loop3A_724 = vector.shape_cast %parallel_loop3A_719 : vector<16xf32> to vector<1x16xf32>
        tpu.vector_store %arg10[%parallel_loop3A_720, %parallel_loop3A_721], %parallel_loop3A_724 {strides = array<i32>} : memref<208x64xf32, #tpu.memory_space<vmem>>, vector<1x16xf32>,
        %parallel_loop3A_725 = arith.index_cast %parallel_loop3A_671 : i32 to index
        %parallel_loop3A_726 = arith.constant 48 : index
        %parallel_loop3A_727 = tpu.vector_load %arg10[%parallel_loop3A_725, %parallel_loop3A_726] {strides = array<i32>} : memref<208x64xf32, #tpu.memory_space<vmem>>, vector<1x16xf32>,
        %parallel_loop3A_728 = vector.shape_cast %parallel_loop3A_727 : vector<1x16xf32> to vector<16xf32>
        %parallel_loop3A_729 = arith.index_cast %parallel_loop3A_671 : i32 to index
        %parallel_loop3A_730 = arith.constant 48 : index
        %parallel_loop3A_731 = tpu.vector_load %arg8[%parallel_loop3A_729, %parallel_loop3A_730] {strides = array<i32>} : memref<200x64xf32, #tpu.memory_space<vmem>>, vector<1x16xf32>,
        %parallel_loop3A_732 = vector.shape_cast %parallel_loop3A_731 : vector<1x16xf32> to vector<16xf32>
        %parallel_loop3A_733 = arith.addf %parallel_loop3A_728, %parallel_loop3A_732 : vector<16xf32>
        %parallel_loop3A_734 = arith.mulf %parallel_loop3A_733, %parallel_loop3A_679 : vector<16xf32>
        %parallel_loop3A_735 = arith.index_cast %parallel_loop3A_671 : i32 to index
        %parallel_loop3A_736 = arith.constant 48 : index
        %parallel_loop3A_737 = tpu.vector_load %arg10[%parallel_loop3A_735, %parallel_loop3A_736] {strides = array<i32>} : memref<208x64xf32, #tpu.memory_space<vmem>>, vector<1x16xf32>,
        %parallel_loop3A_738 = vector.shape_cast %parallel_loop3A_737 : vector<1x16xf32> to vector<16xf32>
        %parallel_loop3A_739 = vector.shape_cast %parallel_loop3A_734 : vector<16xf32> to vector<1x16xf32>
        tpu.vector_store %arg10[%parallel_loop3A_735, %parallel_loop3A_736], %parallel_loop3A_739 {strides = array<i32>} : memref<208x64xf32, #tpu.memory_space<vmem>>, vector<1x16xf32>,
      } {sc.loop_unroll_factor = 2 : i64, sc.parallel_access}
      %add3A_479 = arith.addi %mul3A_2, %add3A_446 : i32
      %dma_start3A_480 = arith.constant 0 : i32
      %dma_start3A_481 = arith.constant 0 : i32
      %dma_start3A_482 = tpu.memref_slice %arg10[%dma_start3A_480, %dma_start3A_481] : memref<208x64xf32, #tpu.memory_space<vmem>> -> memref<200x64xf32, #tpu.memory_space<vmem>>
      %dma_start3A_483 = arith.constant 0 : i32
      %dma_start3A_484 = arith.constant 0 : i32
      %dma_start3A_485 = tpu.memref_slice %arg6[%add3A_479, %dma_start3A_483, %dma_start3A_484] : memref<4096x200x64xf32, #tpu.memory_space<hbm>> -> memref<1x200x64xf32, #tpu.memory_space<hbm>>
      %dma_start3A_486 = tpu.memref_squeeze %dma_start3A_485 : memref<1x200x64xf32, #tpu.memory_space<hbm>> -> memref<200x64xf32, #tpu.memory_space<hbm>>
      %dma_start3A_487 = arith.constant 0 : i32
      %dma_start3A_488 = arith.constant 0 : i32
      %dma_start3A_489 = tpu.memref_slice %arg6[%add3A_479, %dma_start3A_487, %dma_start3A_488] : memref<4096x200x64xf32, #tpu.memory_space<hbm>> -> memref<1x200x64xf32, #tpu.memory_space<hbm>>
      %dma_start3A_490 = tpu.memref_squeeze %dma_start3A_489 : memref<1x200x64xf32, #tpu.memory_space<hbm>> -> memref<200x64xf32, #tpu.memory_space<hbm>>
      %dma_start3A_491 = arith.constant 0 : i32
      %dma_start3A_492 = arith.constant 0 : i32
      %dma_start3A_493 = tpu.memref_slice %arg10[%dma_start3A_491, %dma_start3A_492] : memref<208x64xf32, #tpu.memory_space<vmem>> -> memref<200x64xf32, #tpu.memory_space<vmem>>
      tpu.enqueue_dma source(%dma_start3A_493 : memref<200x64xf32, #tpu.memory_space<vmem>>) target(%dma_start3A_490 : memref<200x64xf32, #tpu.memory_space<hbm>>) target_semaphore(%arg18 : memref<!tpu.dma_semaphore, #tpu.memory_space<semaphore_mem>>)
      %mul3A_494 = arith.constant 4 : i32
      %mul3A_495 = arith.muli %mul3A_494, %scan3A_442 : i32
      %add3A_496 = arith.constant 1 : i32
      %add3A_497 = arith.addi %mul3A_495, %add3A_496 : i32
      %dma_wait3A_498 = arith.constant 0 : i32
      %dma_wait3A_499 = arith.constant 0 : i32
      %dma_wait3A_500 = tpu.memref_slice %arg11[%dma_wait3A_498, %dma_wait3A_499] : memref<208x64xf32, #tpu.memory_space<vmem>> -> memref<208x64xf32, #tpu.memory_space<vmem>>
      %dma_wait3A_501 = arith.constant 0 : i32
      %dma_wait3A_502 = arith.constant 0 : i32
      %dma_wait3A_503 = tpu.memref_slice %arg4[%dma_wait3A_501, %dma_wait3A_502] : memref<1000000x64xf32, #tpu.memory_space<hbm>> -> memref<208x64xf32, #tpu.memory_space<hbm>>
      %dma_wait3A_504 = arith.constant 0 : i32
      %dma_wait3A_505 = arith.constant 0 : i32
      %dma_wait3A_506 = tpu.memref_slice %arg11[%dma_wait3A_504, %dma_wait3A_505] : memref<208x64xf32, #tpu.memory_space<vmem>> -> memref<208x64xf32, #tpu.memory_space<vmem>>
      %dma_wait3A_507 = arith.constant 0 : i32
      %dma_wait3A_508 = arith.constant 0 : i32
      %dma_wait3A_509 = tpu.memref_slice %arg4[%dma_wait3A_507, %dma_wait3A_508] : memref<1000000x64xf32, #tpu.memory_space<hbm>> -> memref<208x64xf32, #tpu.memory_space<hbm>>
      tpu.wait_dma2 semaphore(%arg15 : memref<!tpu.dma_semaphore, #tpu.memory_space<semaphore_mem>>) src(%dma_wait3A_509 : memref<208x64xf32, #tpu.memory_space<hbm>>) dst(%dma_wait3A_506 : memref<208x64xf32, #tpu.memory_space<vmem>>)
      %add3A_510 = arith.constant 2 : i32
      %add3A_511 = arith.addi %add3A_497, %add3A_510 : i32
      %lt3A_512 = arith.constant 128 : i32
      %lt3A_513 = arith.cmpi slt, %add3A_511, %lt3A_512 : i32
      %convert_element_type3A_514 = arith.extui %lt3A_513 : i1 to i32
      %cond3A_515 = arith.constant 0 : i32
      %cond3A_516 = arith.cmpi ne, %convert_element_type3A_514, %cond3A_515 : i32
      scf.if %cond3A_516 {
        %ge3A = arith.constant 2 : i32
        %ge3A_671 = arith.cmpi sge, %add3A_497, %ge3A : i32
        %convert_element_type3A_672 = arith.extui %ge3A_671 : i1 to i32
        %cond3A_673 = arith.constant 0 : i32
        %cond3A_674 = arith.cmpi ne, %convert_element_type3A_672, %cond3A_673 : i32
        scf.if %cond3A_674 {
          %add3A_846 = arith.constant 2 : i32
          %add3A_847 = arith.addi %add3A_497, %add3A_846 : i32
          %sub3A_848 = arith.constant 4 : i32
          %sub3A_849 = arith.subi %add3A_847, %sub3A_848 : i32
          %add3A_850 = arith.addi %mul3A_2, %sub3A_849 : i32
          %dma_wait3A_851 = arith.constant 0 : i32
          %dma_wait3A_852 = arith.constant 0 : i32
          %dma_wait3A_853 = tpu.memref_slice %arg13[%dma_wait3A_851, %dma_wait3A_852] : memref<208x64xf32, #tpu.memory_space<vmem>> -> memref<200x64xf32, #tpu.memory_space<vmem>>
          %dma_wait3A_854 = arith.constant 0 : i32
          %dma_wait3A_855 = arith.constant 0 : i32
          %dma_wait3A_856 = tpu.memref_slice %arg6[%add3A_850, %dma_wait3A_854, %dma_wait3A_855] : memref<4096x200x64xf32, #tpu.memory_space<hbm>> -> memref<1x200x64xf32, #tpu.memory_space<hbm>>
          %dma_wait3A_857 = tpu.memref_squeeze %dma_wait3A_856 : memref<1x200x64xf32, #tpu.memory_space<hbm>> -> memref<200x64xf32, #tpu.memory_space<hbm>>
          %dma_wait3A_858 = arith.constant 0 : i32
          %dma_wait3A_859 = arith.constant 0 : i32
          %dma_wait3A_860 = tpu.memref_slice %arg6[%add3A_850, %dma_wait3A_858, %dma_wait3A_859] : memref<4096x200x64xf32, #tpu.memory_space<hbm>> -> memref<1x200x64xf32, #tpu.memory_space<hbm>>
          %dma_wait3A_861 = tpu.memref_squeeze %dma_wait3A_860 : memref<1x200x64xf32, #tpu.memory_space<hbm>> -> memref<200x64xf32, #tpu.memory_space<hbm>>
          %dma_wait3A_862 = arith.constant 0 : i32
          %dma_wait3A_863 = arith.constant 0 : i32
          %dma_wait3A_864 = tpu.memref_slice %arg13[%dma_wait3A_862, %dma_wait3A_863] : memref<208x64xf32, #tpu.memory_space<vmem>> -> memref<200x64xf32, #tpu.memory_space<vmem>>
          tpu.wait_dma2 semaphore(%arg21 : memref<!tpu.dma_semaphore, #tpu.memory_space<semaphore_mem>>) src(%dma_wait3A_864 : memref<200x64xf32, #tpu.memory_space<vmem>>) dst(%dma_wait3A_861 : memref<200x64xf32, #tpu.memory_space<hbm>>)
        } else {
        }
        %add3A_675 = arith.constant 2 : i32
        %add3A_676 = arith.addi %add3A_497, %add3A_675 : i32
        %mul3A_677 = arith.constant 200 : i32
        %mul3A_678 = arith.muli %add3A_676, %mul3A_677 : i32
        %add3A_679 = arith.constant 0 : i32
        %add3A_680 = arith.addi %mul3A_678, %add3A_679 : i32
        %get3A_681 = arith.index_cast %add3A_680 : i32 to index
        %get3A_682 = tpu.vector_load %arg9[%get3A_681] {strides = array<i32>} : memref<25600xi32, #tpu.memory_space<vmem>>, vector<16xi32>,
        %get3A_683 = vector.shape_cast %get3A_682 : vector<16xi32> to vector<16xi32>
        %dma_start3A_684 = arith.constant 0 : i32
        %dma_start3A_685 = arith.constant 0 : i32
        %dma_start3A_686 = tpu.memref_slice %arg13[%dma_start3A_684, %dma_start3A_685] : memref<208x64xf32, #tpu.memory_space<vmem>> -> memref<16x64xf32, #tpu.memory_space<vmem>>
        %dma_start3A_687 = arith.constant 0 : i32
        %dma_start3A_688 = arith.constant 0 : i32
        %dma_start3A_689 = tpu.memref_slice %arg4[%dma_start3A_687, %dma_start3A_688] : memref<1000000x64xf32, #tpu.memory_space<hbm>> -> memref<1000000x64xf32, #tpu.memory_space<hbm>>
        tpu.enqueue_indirect_dma source(%dma_start3A_689 : memref<1000000x64xf32, #tpu.memory_space<hbm>>) target(%dma_start3A_686 : memref<16x64xf32, #tpu.memory_space<vmem>>) offsets(%get3A_683 : vector<16xi32>) semaphore(%arg17 : memref<!tpu.dma_semaphore, #tpu.memory_space<semaphore_mem>>)
        %mul3A_690 = arith.constant 200 : i32
        %mul3A_691 = arith.muli %add3A_676, %mul3A_690 : i32
        %add3A_692 = arith.constant 16 : i32
        %add3A_693 = arith.addi %mul3A_691, %add3A_692 : i32
        %get3A_694 = arith.index_cast %add3A_693 : i32 to index
        %get3A_695 = tpu.vector_load %arg9[%get3A_694] {strides = array<i32>} : memref<25600xi32, #tpu.memory_space<vmem>>, vector<16xi32>,
        %get3A_696 = vector.shape_cast %get3A_695 : vector<16xi32> to vector<16xi32>
        %dma_start3A_697 = arith.constant 16 : i32
        %dma_start3A_698 = arith.constant 0 : i32
        %dma_start3A_699 = tpu.memref_slice %arg13[%dma_start3A_697, %dma_start3A_698] : memref<208x64xf32, #tpu.memory_space<vmem>> -> memref<16x64xf32, #tpu.memory_space<vmem>>
        %dma_start3A_700 = arith.constant 0 : i32
        %dma_start3A_701 = arith.constant 0 : i32
        %dma_start3A_702 = tpu.memref_slice %arg4[%dma_start3A_700, %dma_start3A_701] : memref<1000000x64xf32, #tpu.memory_space<hbm>> -> memref<1000000x64xf32, #tpu.memory_space<hbm>>
        tpu.enqueue_indirect_dma source(%dma_start3A_702 : memref<1000000x64xf32, #tpu.memory_space<hbm>>) target(%dma_start3A_699 : memref<16x64xf32, #tpu.memory_space<vmem>>) offsets(%get3A_696 : vector<16xi32>) semaphore(%arg17 : memref<!tpu.dma_semaphore, #tpu.memory_space<semaphore_mem>>)
        %mul3A_703 = arith.constant 200 : i32
        %mul3A_704 = arith.muli %add3A_676, %mul3A_703 : i32
        %add3A_705 = arith.constant 32 : i32
        %add3A_706 = arith.addi %mul3A_704, %add3A_705 : i32
        %get3A_707 = arith.index_cast %add3A_706 : i32 to index
        %get3A_708 = tpu.vector_load %arg9[%get3A_707] {strides = array<i32>} : memref<25600xi32, #tpu.memory_space<vmem>>, vector<16xi32>,
        %get3A_709 = vector.shape_cast %get3A_708 : vector<16xi32> to vector<16xi32>
        %dma_start3A_710 = arith.constant 32 : i32
        %dma_start3A_711 = arith.constant 0 : i32
        %dma_start3A_712 = tpu.memref_slice %arg13[%dma_start3A_710, %dma_start3A_711] : memref<208x64xf32, #tpu.memory_space<vmem>> -> memref<16x64xf32, #tpu.memory_space<vmem>>
        %dma_start3A_713 = arith.constant 0 : i32
        %dma_start3A_714 = arith.constant 0 : i32
        %dma_start3A_715 = tpu.memref_slice %arg4[%dma_start3A_713, %dma_start3A_714] : memref<1000000x64xf32, #tpu.memory_space<hbm>> -> memref<1000000x64xf32, #tpu.memory_space<hbm>>
        tpu.enqueue_indirect_dma source(%dma_start3A_715 : memref<1000000x64xf32, #tpu.memory_space<hbm>>) target(%dma_start3A_712 : memref<16x64xf32, #tpu.memory_space<vmem>>) offsets(%get3A_709 : vector<16xi32>) semaphore(%arg17 : memref<!tpu.dma_semaphore, #tpu.memory_space<semaphore_mem>>)
        %mul3A_716 = arith.constant 200 : i32
        %mul3A_717 = arith.muli %add3A_676, %mul3A_716 : i32
        %add3A_718 = arith.constant 48 : i32
        %add3A_719 = arith.addi %mul3A_717, %add3A_718 : i32
        %get3A_720 = arith.index_cast %add3A_719 : i32 to index
        %get3A_721 = tpu.vector_load %arg9[%get3A_720] {strides = array<i32>} : memref<25600xi32, #tpu.memory_space<vmem>>, vector<16xi32>,
        %get3A_722 = vector.shape_cast %get3A_721 : vector<16xi32> to vector<16xi32>
        %dma_start3A_723 = arith.constant 48 : i32
        %dma_start3A_724 = arith.constant 0 : i32
        %dma_start3A_725 = tpu.memref_slice %arg13[%dma_start3A_723, %dma_start3A_724] : memref<208x64xf32, #tpu.memory_space<vmem>> -> memref<16x64xf32, #tpu.memory_space<vmem>>
        %dma_start3A_726 = arith.constant 0 : i32
        %dma_start3A_727 = arith.constant 0 : i32
        %dma_start3A_728 = tpu.memref_slice %arg4[%dma_start3A_726, %dma_start3A_727] : memref<1000000x64xf32, #tpu.memory_space<hbm>> -> memref<1000000x64xf32, #tpu.memory_space<hbm>>
        tpu.enqueue_indirect_dma source(%dma_start3A_728 : memref<1000000x64xf32, #tpu.memory_space<hbm>>) target(%dma_start3A_725 : memref<16x64xf32, #tpu.memory_space<vmem>>) offsets(%get3A_722 : vector<16xi32>) semaphore(%arg17 : memref<!tpu.dma_semaphore, #tpu.memory_space<semaphore_mem>>)
        %mul3A_729 = arith.constant 200 : i32
        %mul3A_730 = arith.muli %add3A_676, %mul3A_729 : i32
        %add3A_731 = arith.constant 64 : i32
        %add3A_732 = arith.addi %mul3A_730, %add3A_731 : i32
        %get3A_733 = arith.index_cast %add3A_732 : i32 to index
        %get3A_734 = tpu.vector_load %arg9[%get3A_733] {strides = array<i32>} : memref<25600xi32, #tpu.memory_space<vmem>>, vector<16xi32>,
        %get3A_735 = vector.shape_cast %get3A_734 : vector<16xi32> to vector<16xi32>
        %dma_start3A_736 = arith.constant 64 : i32
        %dma_start3A_737 = arith.constant 0 : i32
        %dma_start3A_738 = tpu.memref_slice %arg13[%dma_start3A_736, %dma_start3A_737] : memref<208x64xf32, #tpu.memory_space<vmem>> -> memref<16x64xf32, #tpu.memory_space<vmem>>
        %dma_start3A_739 = arith.constant 0 : i32
        %dma_start3A_740 = arith.constant 0 : i32
        %dma_start3A_741 = tpu.memref_slice %arg4[%dma_start3A_739, %dma_start3A_740] : memref<1000000x64xf32, #tpu.memory_space<hbm>> -> memref<1000000x64xf32, #tpu.memory_space<hbm>>
        tpu.enqueue_indirect_dma source(%dma_start3A_741 : memref<1000000x64xf32, #tpu.memory_space<hbm>>) target(%dma_start3A_738 : memref<16x64xf32, #tpu.memory_space<vmem>>) offsets(%get3A_735 : vector<16xi32>) semaphore(%arg17 : memref<!tpu.dma_semaphore, #tpu.memory_space<semaphore_mem>>)
        %mul3A_742 = arith.constant 200 : i32
        %mul3A_743 = arith.muli %add3A_676, %mul3A_742 : i32
        %add3A_744 = arith.constant 80 : i32
        %add3A_745 = arith.addi %mul3A_743, %add3A_744 : i32
        %get3A_746 = arith.index_cast %add3A_745 : i32 to index
        %get3A_747 = tpu.vector_load %arg9[%get3A_746] {strides = array<i32>} : memref<25600xi32, #tpu.memory_space<vmem>>, vector<16xi32>,
        %get3A_748 = vector.shape_cast %get3A_747 : vector<16xi32> to vector<16xi32>
        %dma_start3A_749 = arith.constant 80 : i32
        %dma_start3A_750 = arith.constant 0 : i32
        %dma_start3A_751 = tpu.memref_slice %arg13[%dma_start3A_749, %dma_start3A_750] : memref<208x64xf32, #tpu.memory_space<vmem>> -> memref<16x64xf32, #tpu.memory_space<vmem>>
        %dma_start3A_752 = arith.constant 0 : i32
        %dma_start3A_753 = arith.constant 0 : i32
        %dma_start3A_754 = tpu.memref_slice %arg4[%dma_start3A_752, %dma_start3A_753] : memref<1000000x64xf32, #tpu.memory_space<hbm>> -> memref<1000000x64xf32, #tpu.memory_space<hbm>>
        tpu.enqueue_indirect_dma source(%dma_start3A_754 : memref<1000000x64xf32, #tpu.memory_space<hbm>>) target(%dma_start3A_751 : memref<16x64xf32, #tpu.memory_space<vmem>>) offsets(%get3A_748 : vector<16xi32>) semaphore(%arg17 : memref<!tpu.dma_semaphore, #tpu.memory_space<semaphore_mem>>)
        %mul3A_755 = arith.constant 200 : i32
        %mul3A_756 = arith.muli %add3A_676, %mul3A_755 : i32
        %add3A_757 = arith.constant 96 : i32
        %add3A_758 = arith.addi %mul3A_756, %add3A_757 : i32
        %get3A_759 = arith.index_cast %add3A_758 : i32 to index
        %get3A_760 = tpu.vector_load %arg9[%get3A_759] {strides = array<i32>} : memref<25600xi32, #tpu.memory_space<vmem>>, vector<16xi32>,
        %get3A_761 = vector.shape_cast %get3A_760 : vector<16xi32> to vector<16xi32>
        %dma_start3A_762 = arith.constant 96 : i32
        %dma_start3A_763 = arith.constant 0 : i32
        %dma_start3A_764 = tpu.memref_slice %arg13[%dma_start3A_762, %dma_start3A_763] : memref<208x64xf32, #tpu.memory_space<vmem>> -> memref<16x64xf32, #tpu.memory_space<vmem>>
        %dma_start3A_765 = arith.constant 0 : i32
        %dma_start3A_766 = arith.constant 0 : i32
        %dma_start3A_767 = tpu.memref_slice %arg4[%dma_start3A_765, %dma_start3A_766] : memref<1000000x64xf32, #tpu.memory_space<hbm>> -> memref<1000000x64xf32, #tpu.memory_space<hbm>>
        tpu.enqueue_indirect_dma source(%dma_start3A_767 : memref<1000000x64xf32, #tpu.memory_space<hbm>>) target(%dma_start3A_764 : memref<16x64xf32, #tpu.memory_space<vmem>>) offsets(%get3A_761 : vector<16xi32>) semaphore(%arg17 : memref<!tpu.dma_semaphore, #tpu.memory_space<semaphore_mem>>)
        %mul3A_768 = arith.constant 200 : i32
        %mul3A_769 = arith.muli %add3A_676, %mul3A_768 : i32
        %add3A_770 = arith.constant 112 : i32
        %add3A_771 = arith.addi %mul3A_769, %add3A_770 : i32
        %get3A_772 = arith.index_cast %add3A_771 : i32 to index
        %get3A_773 = tpu.vector_load %arg9[%get3A_772] {strides = array<i32>} : memref<25600xi32, #tpu.memory_space<vmem>>, vector<16xi32>,
        %get3A_774 = vector.shape_cast %get3A_773 : vector<16xi32> to vector<16xi32>
        %dma_start3A_775 = arith.constant 112 : i32
        %dma_start3A_776 = arith.constant 0 : i32
        %dma_start3A_777 = tpu.memref_slice %arg13[%dma_start3A_775, %dma_start3A_776] : memref<208x64xf32, #tpu.memory_space<vmem>> -> memref<16x64xf32, #tpu.memory_space<vmem>>
        %dma_start3A_778 = arith.constant 0 : i32
        %dma_start3A_779 = arith.constant 0 : i32
        %dma_start3A_780 = tpu.memref_slice %arg4[%dma_start3A_778, %dma_start3A_779] : memref<1000000x64xf32, #tpu.memory_space<hbm>> -> memref<1000000x64xf32, #tpu.memory_space<hbm>>
        tpu.enqueue_indirect_dma source(%dma_start3A_780 : memref<1000000x64xf32, #tpu.memory_space<hbm>>) target(%dma_start3A_777 : memref<16x64xf32, #tpu.memory_space<vmem>>) offsets(%get3A_774 : vector<16xi32>) semaphore(%arg17 : memref<!tpu.dma_semaphore, #tpu.memory_space<semaphore_mem>>)
        %mul3A_781 = arith.constant 200 : i32
        %mul3A_782 = arith.muli %add3A_676, %mul3A_781 : i32
        %add3A_783 = arith.constant 128 : i32
        %add3A_784 = arith.addi %mul3A_782, %add3A_783 : i32
        %get3A_785 = arith.index_cast %add3A_784 : i32 to index
        %get3A_786 = tpu.vector_load %arg9[%get3A_785] {strides = array<i32>} : memref<25600xi32, #tpu.memory_space<vmem>>, vector<16xi32>,
        %get3A_787 = vector.shape_cast %get3A_786 : vector<16xi32> to vector<16xi32>
        %dma_start3A_788 = arith.constant 128 : i32
        %dma_start3A_789 = arith.constant 0 : i32
        %dma_start3A_790 = tpu.memref_slice %arg13[%dma_start3A_788, %dma_start3A_789] : memref<208x64xf32, #tpu.memory_space<vmem>> -> memref<16x64xf32, #tpu.memory_space<vmem>>
        %dma_start3A_791 = arith.constant 0 : i32
        %dma_start3A_792 = arith.constant 0 : i32
        %dma_start3A_793 = tpu.memref_slice %arg4[%dma_start3A_791, %dma_start3A_792] : memref<1000000x64xf32, #tpu.memory_space<hbm>> -> memref<1000000x64xf32, #tpu.memory_space<hbm>>
        tpu.enqueue_indirect_dma source(%dma_start3A_793 : memref<1000000x64xf32, #tpu.memory_space<hbm>>) target(%dma_start3A_790 : memref<16x64xf32, #tpu.memory_space<vmem>>) offsets(%get3A_787 : vector<16xi32>) semaphore(%arg17 : memref<!tpu.dma_semaphore, #tpu.memory_space<semaphore_mem>>)
        %mul3A_794 = arith.constant 200 : i32
        %mul3A_795 = arith.muli %add3A_676, %mul3A_794 : i32
        %add3A_796 = arith.constant 144 : i32
        %add3A_797 = arith.addi %mul3A_795, %add3A_796 : i32
        %get3A_798 = arith.index_cast %add3A_797 : i32 to index
        %get3A_799 = tpu.vector_load %arg9[%get3A_798] {strides = array<i32>} : memref<25600xi32, #tpu.memory_space<vmem>>, vector<16xi32>,
        %get3A_800 = vector.shape_cast %get3A_799 : vector<16xi32> to vector<16xi32>
        %dma_start3A_801 = arith.constant 144 : i32
        %dma_start3A_802 = arith.constant 0 : i32
        %dma_start3A_803 = tpu.memref_slice %arg13[%dma_start3A_801, %dma_start3A_802] : memref<208x64xf32, #tpu.memory_space<vmem>> -> memref<16x64xf32, #tpu.memory_space<vmem>>
        %dma_start3A_804 = arith.constant 0 : i32
        %dma_start3A_805 = arith.constant 0 : i32
        %dma_start3A_806 = tpu.memref_slice %arg4[%dma_start3A_804, %dma_start3A_805] : memref<1000000x64xf32, #tpu.memory_space<hbm>> -> memref<1000000x64xf32, #tpu.memory_space<hbm>>
        tpu.enqueue_indirect_dma source(%dma_start3A_806 : memref<1000000x64xf32, #tpu.memory_space<hbm>>) target(%dma_start3A_803 : memref<16x64xf32, #tpu.memory_space<vmem>>) offsets(%get3A_800 : vector<16xi32>) semaphore(%arg17 : memref<!tpu.dma_semaphore, #tpu.memory_space<semaphore_mem>>)
        %mul3A_807 = arith.constant 200 : i32
        %mul3A_808 = arith.muli %add3A_676, %mul3A_807 : i32
        %add3A_809 = arith.constant 160 : i32
        %add3A_810 = arith.addi %mul3A_808, %add3A_809 : i32
        %get3A_811 = arith.index_cast %add3A_810 : i32 to index
        %get3A_812 = tpu.vector_load %arg9[%get3A_811] {strides = array<i32>} : memref<25600xi32, #tpu.memory_space<vmem>>, vector<16xi32>,
        %get3A_813 = vector.shape_cast %get3A_812 : vector<16xi32> to vector<16xi32>
        %dma_start3A_814 = arith.constant 160 : i32
        %dma_start3A_815 = arith.constant 0 : i32
        %dma_start3A_816 = tpu.memref_slice %arg13[%dma_start3A_814, %dma_start3A_815] : memref<208x64xf32, #tpu.memory_space<vmem>> -> memref<16x64xf32, #tpu.memory_space<vmem>>
        %dma_start3A_817 = arith.constant 0 : i32
        %dma_start3A_818 = arith.constant 0 : i32
        %dma_start3A_819 = tpu.memref_slice %arg4[%dma_start3A_817, %dma_start3A_818] : memref<1000000x64xf32, #tpu.memory_space<hbm>> -> memref<1000000x64xf32, #tpu.memory_space<hbm>>
        tpu.enqueue_indirect_dma source(%dma_start3A_819 : memref<1000000x64xf32, #tpu.memory_space<hbm>>) target(%dma_start3A_816 : memref<16x64xf32, #tpu.memory_space<vmem>>) offsets(%get3A_813 : vector<16xi32>) semaphore(%arg17 : memref<!tpu.dma_semaphore, #tpu.memory_space<semaphore_mem>>)
        %mul3A_820 = arith.constant 200 : i32
        %mul3A_821 = arith.muli %add3A_676, %mul3A_820 : i32
        %add3A_822 = arith.constant 176 : i32
        %add3A_823 = arith.addi %mul3A_821, %add3A_822 : i32
        %get3A_824 = arith.index_cast %add3A_823 : i32 to index
        %get3A_825 = tpu.vector_load %arg9[%get3A_824] {strides = array<i32>} : memref<25600xi32, #tpu.memory_space<vmem>>, vector<16xi32>,
        %get3A_826 = vector.shape_cast %get3A_825 : vector<16xi32> to vector<16xi32>
        %dma_start3A_827 = arith.constant 176 : i32
        %dma_start3A_828 = arith.constant 0 : i32
        %dma_start3A_829 = tpu.memref_slice %arg13[%dma_start3A_827, %dma_start3A_828] : memref<208x64xf32, #tpu.memory_space<vmem>> -> memref<16x64xf32, #tpu.memory_space<vmem>>
        %dma_start3A_830 = arith.constant 0 : i32
        %dma_start3A_831 = arith.constant 0 : i32
        %dma_start3A_832 = tpu.memref_slice %arg4[%dma_start3A_830, %dma_start3A_831] : memref<1000000x64xf32, #tpu.memory_space<hbm>> -> memref<1000000x64xf32, #tpu.memory_space<hbm>>
        tpu.enqueue_indirect_dma source(%dma_start3A_832 : memref<1000000x64xf32, #tpu.memory_space<hbm>>) target(%dma_start3A_829 : memref<16x64xf32, #tpu.memory_space<vmem>>) offsets(%get3A_826 : vector<16xi32>) semaphore(%arg17 : memref<!tpu.dma_semaphore, #tpu.memory_space<semaphore_mem>>)
        %mul3A_833 = arith.constant 200 : i32
        %mul3A_834 = arith.muli %add3A_676, %mul3A_833 : i32
        %add3A_835 = arith.constant 184 : i32
        %add3A_836 = arith.addi %mul3A_834, %add3A_835 : i32
        %get3A_837 = arith.index_cast %add3A_836 : i32 to index
        %get3A_838 = tpu.vector_load %arg9[%get3A_837] {strides = array<i32>} : memref<25600xi32, #tpu.memory_space<vmem>>, vector<16xi32>,
        %get3A_839 = vector.shape_cast %get3A_838 : vector<16xi32> to vector<16xi32>
        %dma_start3A_840 = arith.constant 184 : i32
        %dma_start3A_841 = arith.constant 0 : i32
        %dma_start3A_842 = tpu.memref_slice %arg13[%dma_start3A_840, %dma_start3A_841] : memref<208x64xf32, #tpu.memory_space<vmem>> -> memref<16x64xf32, #tpu.memory_space<vmem>>
        %dma_start3A_843 = arith.constant 0 : i32
        %dma_start3A_844 = arith.constant 0 : i32
        %dma_start3A_845 = tpu.memref_slice %arg4[%dma_start3A_843, %dma_start3A_844] : memref<1000000x64xf32, #tpu.memory_space<hbm>> -> memref<1000000x64xf32, #tpu.memory_space<hbm>>
        tpu.enqueue_indirect_dma source(%dma_start3A_845 : memref<1000000x64xf32, #tpu.memory_space<hbm>>) target(%dma_start3A_842 : memref<16x64xf32, #tpu.memory_space<vmem>>) offsets(%get3A_839 : vector<16xi32>) semaphore(%arg17 : memref<!tpu.dma_semaphore, #tpu.memory_space<semaphore_mem>>)
      } else {
      }
      %and3A_517 = arith.constant -16 : i32
      %and3A_518 = arith.andi %add3A_497, %and3A_517 : i32
      %get3A_519 = arith.index_cast %and3A_518 : i32 to index
      %get3A_520 = tpu.vector_load %arg7[%get3A_519] {strides = array<i32>} : memref<144xi32, #tpu.memory_space<vmem>>, vector<16xi32>,
      %get3A_521 = vector.shape_cast %get3A_520 : vector<16xi32> to vector<16xi32>
      %sub3A_522 = arith.subi %add3A_497, %and3A_518 : i32
      %add3A_523 = vector.broadcast %sub3A_522 : i32 to vector<16xi32>
      %add3A_524 = arith.addi %broadcast_in_dim3A_5, %add3A_523 : vector<16xi32>
      %lt3A_525 = arith.constant 0 : i32
      %lt3A_526 = vector.broadcast %lt3A_525 : i32 to vector<16xi32>
      %lt3A_527 = arith.cmpi slt, %add3A_524, %lt3A_526 : vector<16xi32>
      %add3A_528 = arith.constant 16 : i32
      %add3A_529 = vector.broadcast %add3A_528 : i32 to vector<16xi32>
      %add3A_530 = arith.addi %add3A_524, %add3A_529 : vector<16xi32>
      %select_n3A_531 = arith.select %lt3A_527, %add3A_530, %add3A_524 : vector<16xi1>, vector<16xi32>
      %broadcast_in_dim3A_532 = vector.shape_cast %select_n3A_531 : vector<16xi32> to vector<16x1xi32>
      %gather3A_533 = vector.shape_cast %broadcast_in_dim3A_532 : vector<16x1xi32> to vector<16xi32>
      %gather3A_534 = tpu.dynamic_gather %get3A_521[%gather3A_533] in [0] : vector<16xi32>, vector<16xi32> -> vector<16xi32>
      %parallel_loop3A_535 = arith.constant 0 : i32
      %parallel_loop3A_536 = arith.constant 200 : i32
      %parallel_loop3A_537 = arith.constant 1 : i32
      scf.for %parallel_loop3A_671 = %parallel_loop3A_535 to %parallel_loop3A_536 step %parallel_loop3A_537  : i32 {
        %parallel_loop3A_672 = vector.broadcast %parallel_loop3A_671 : i32 to vector<16xi32>
        %parallel_loop3A_673 = arith.addi %broadcast_in_dim3A_5, %parallel_loop3A_672 : vector<16xi32>
        %parallel_loop3A_674 = arith.cmpi slt, %parallel_loop3A_673, %gather3A_534 : vector<16xi32>
        %parallel_loop3A_675 = arith.constant 8.000000e+00 : f32
        %parallel_loop3A_676 = arith.constant 0.000000e+00 : f32
        %parallel_loop3A_677 = vector.broadcast %parallel_loop3A_675 : f32 to vector<16xf32>
        %parallel_loop3A_678 = vector.broadcast %parallel_loop3A_676 : f32 to vector<16xf32>
        %parallel_loop3A_679 = arith.select %parallel_loop3A_674, %parallel_loop3A_677, %parallel_loop3A_678 : vector<16xi1>, vector<16xf32>
        %parallel_loop3A_680 = arith.index_cast %parallel_loop3A_671 : i32 to index
        %parallel_loop3A_681 = arith.constant 0 : index
        %parallel_loop3A_682 = tpu.vector_load %arg11[%parallel_loop3A_680, %parallel_loop3A_681] {strides = array<i32>} : memref<208x64xf32, #tpu.memory_space<vmem>>, vector<1x16xf32>,
        %parallel_loop3A_683 = vector.shape_cast %parallel_loop3A_682 : vector<1x16xf32> to vector<16xf32>
        %parallel_loop3A_684 = arith.index_cast %parallel_loop3A_671 : i32 to index
        %parallel_loop3A_685 = arith.constant 0 : index
        %parallel_loop3A_686 = tpu.vector_load %arg8[%parallel_loop3A_684, %parallel_loop3A_685] {strides = array<i32>} : memref<200x64xf32, #tpu.memory_space<vmem>>, vector<1x16xf32>,
        %parallel_loop3A_687 = vector.shape_cast %parallel_loop3A_686 : vector<1x16xf32> to vector<16xf32>
        %parallel_loop3A_688 = arith.addf %parallel_loop3A_683, %parallel_loop3A_687 : vector<16xf32>
        %parallel_loop3A_689 = arith.mulf %parallel_loop3A_688, %parallel_loop3A_679 : vector<16xf32>
        %parallel_loop3A_690 = arith.index_cast %parallel_loop3A_671 : i32 to index
        %parallel_loop3A_691 = arith.constant 0 : index
        %parallel_loop3A_692 = tpu.vector_load %arg11[%parallel_loop3A_690, %parallel_loop3A_691] {strides = array<i32>} : memref<208x64xf32, #tpu.memory_space<vmem>>, vector<1x16xf32>,
        %parallel_loop3A_693 = vector.shape_cast %parallel_loop3A_692 : vector<1x16xf32> to vector<16xf32>
        %parallel_loop3A_694 = vector.shape_cast %parallel_loop3A_689 : vector<16xf32> to vector<1x16xf32>
        tpu.vector_store %arg11[%parallel_loop3A_690, %parallel_loop3A_691], %parallel_loop3A_694 {strides = array<i32>} : memref<208x64xf32, #tpu.memory_space<vmem>>, vector<1x16xf32>,
        %parallel_loop3A_695 = arith.index_cast %parallel_loop3A_671 : i32 to index
        %parallel_loop3A_696 = arith.constant 16 : index
        %parallel_loop3A_697 = tpu.vector_load %arg11[%parallel_loop3A_695, %parallel_loop3A_696] {strides = array<i32>} : memref<208x64xf32, #tpu.memory_space<vmem>>, vector<1x16xf32>,
        %parallel_loop3A_698 = vector.shape_cast %parallel_loop3A_697 : vector<1x16xf32> to vector<16xf32>
        %parallel_loop3A_699 = arith.index_cast %parallel_loop3A_671 : i32 to index
        %parallel_loop3A_700 = arith.constant 16 : index
        %parallel_loop3A_701 = tpu.vector_load %arg8[%parallel_loop3A_699, %parallel_loop3A_700] {strides = array<i32>} : memref<200x64xf32, #tpu.memory_space<vmem>>, vector<1x16xf32>,
        %parallel_loop3A_702 = vector.shape_cast %parallel_loop3A_701 : vector<1x16xf32> to vector<16xf32>
        %parallel_loop3A_703 = arith.addf %parallel_loop3A_698, %parallel_loop3A_702 : vector<16xf32>
        %parallel_loop3A_704 = arith.mulf %parallel_loop3A_703, %parallel_loop3A_679 : vector<16xf32>
        %parallel_loop3A_705 = arith.index_cast %parallel_loop3A_671 : i32 to index
        %parallel_loop3A_706 = arith.constant 16 : index
        %parallel_loop3A_707 = tpu.vector_load %arg11[%parallel_loop3A_705, %parallel_loop3A_706] {strides = array<i32>} : memref<208x64xf32, #tpu.memory_space<vmem>>, vector<1x16xf32>,
        %parallel_loop3A_708 = vector.shape_cast %parallel_loop3A_707 : vector<1x16xf32> to vector<16xf32>
        %parallel_loop3A_709 = vector.shape_cast %parallel_loop3A_704 : vector<16xf32> to vector<1x16xf32>
        tpu.vector_store %arg11[%parallel_loop3A_705, %parallel_loop3A_706], %parallel_loop3A_709 {strides = array<i32>} : memref<208x64xf32, #tpu.memory_space<vmem>>, vector<1x16xf32>,
        %parallel_loop3A_710 = arith.index_cast %parallel_loop3A_671 : i32 to index
        %parallel_loop3A_711 = arith.constant 32 : index
        %parallel_loop3A_712 = tpu.vector_load %arg11[%parallel_loop3A_710, %parallel_loop3A_711] {strides = array<i32>} : memref<208x64xf32, #tpu.memory_space<vmem>>, vector<1x16xf32>,
        %parallel_loop3A_713 = vector.shape_cast %parallel_loop3A_712 : vector<1x16xf32> to vector<16xf32>
        %parallel_loop3A_714 = arith.index_cast %parallel_loop3A_671 : i32 to index
        %parallel_loop3A_715 = arith.constant 32 : index
        %parallel_loop3A_716 = tpu.vector_load %arg8[%parallel_loop3A_714, %parallel_loop3A_715] {strides = array<i32>} : memref<200x64xf32, #tpu.memory_space<vmem>>, vector<1x16xf32>,
        %parallel_loop3A_717 = vector.shape_cast %parallel_loop3A_716 : vector<1x16xf32> to vector<16xf32>
        %parallel_loop3A_718 = arith.addf %parallel_loop3A_713, %parallel_loop3A_717 : vector<16xf32>
        %parallel_loop3A_719 = arith.mulf %parallel_loop3A_718, %parallel_loop3A_679 : vector<16xf32>
        %parallel_loop3A_720 = arith.index_cast %parallel_loop3A_671 : i32 to index
        %parallel_loop3A_721 = arith.constant 32 : index
        %parallel_loop3A_722 = tpu.vector_load %arg11[%parallel_loop3A_720, %parallel_loop3A_721] {strides = array<i32>} : memref<208x64xf32, #tpu.memory_space<vmem>>, vector<1x16xf32>,
        %parallel_loop3A_723 = vector.shape_cast %parallel_loop3A_722 : vector<1x16xf32> to vector<16xf32>
        %parallel_loop3A_724 = vector.shape_cast %parallel_loop3A_719 : vector<16xf32> to vector<1x16xf32>
        tpu.vector_store %arg11[%parallel_loop3A_720, %parallel_loop3A_721], %parallel_loop3A_724 {strides = array<i32>} : memref<208x64xf32, #tpu.memory_space<vmem>>, vector<1x16xf32>,
        %parallel_loop3A_725 = arith.index_cast %parallel_loop3A_671 : i32 to index
        %parallel_loop3A_726 = arith.constant 48 : index
        %parallel_loop3A_727 = tpu.vector_load %arg11[%parallel_loop3A_725, %parallel_loop3A_726] {strides = array<i32>} : memref<208x64xf32, #tpu.memory_space<vmem>>, vector<1x16xf32>,
        %parallel_loop3A_728 = vector.shape_cast %parallel_loop3A_727 : vector<1x16xf32> to vector<16xf32>
        %parallel_loop3A_729 = arith.index_cast %parallel_loop3A_671 : i32 to index
        %parallel_loop3A_730 = arith.constant 48 : index
        %parallel_loop3A_731 = tpu.vector_load %arg8[%parallel_loop3A_729, %parallel_loop3A_730] {strides = array<i32>} : memref<200x64xf32, #tpu.memory_space<vmem>>, vector<1x16xf32>,
        %parallel_loop3A_732 = vector.shape_cast %parallel_loop3A_731 : vector<1x16xf32> to vector<16xf32>
        %parallel_loop3A_733 = arith.addf %parallel_loop3A_728, %parallel_loop3A_732 : vector<16xf32>
        %parallel_loop3A_734 = arith.mulf %parallel_loop3A_733, %parallel_loop3A_679 : vector<16xf32>
        %parallel_loop3A_735 = arith.index_cast %parallel_loop3A_671 : i32 to index
        %parallel_loop3A_736 = arith.constant 48 : index
        %parallel_loop3A_737 = tpu.vector_load %arg11[%parallel_loop3A_735, %parallel_loop3A_736] {strides = array<i32>} : memref<208x64xf32, #tpu.memory_space<vmem>>, vector<1x16xf32>,
        %parallel_loop3A_738 = vector.shape_cast %parallel_loop3A_737 : vector<1x16xf32> to vector<16xf32>
        %parallel_loop3A_739 = vector.shape_cast %parallel_loop3A_734 : vector<16xf32> to vector<1x16xf32>
        tpu.vector_store %arg11[%parallel_loop3A_735, %parallel_loop3A_736], %parallel_loop3A_739 {strides = array<i32>} : memref<208x64xf32, #tpu.memory_space<vmem>>, vector<1x16xf32>,
      } {sc.loop_unroll_factor = 2 : i64, sc.parallel_access}
      %add3A_538 = arith.addi %mul3A_2, %add3A_497 : i32
      %dma_start3A_539 = arith.constant 0 : i32
      %dma_start3A_540 = arith.constant 0 : i32
      %dma_start3A_541 = tpu.memref_slice %arg11[%dma_start3A_539, %dma_start3A_540] : memref<208x64xf32, #tpu.memory_space<vmem>> -> memref<200x64xf32, #tpu.memory_space<vmem>>
      %dma_start3A_542 = arith.constant 0 : i32
      %dma_start3A_543 = arith.constant 0 : i32
      %dma_start3A_544 = tpu.memref_slice %arg6[%add3A_538, %dma_start3A_542, %dma_start3A_543] : memref<4096x200x64xf32, #tpu.memory_space<hbm>> -> memref<1x200x64xf32, #tpu.memory_space<hbm>>
      %dma_start3A_545 = tpu.memref_squeeze %dma_start3A_544 : memref<1x200x64xf32, #tpu.memory_space<hbm>> -> memref<200x64xf32, #tpu.memory_space<hbm>>
      %dma_start3A_546 = arith.constant 0 : i32
      %dma_start3A_547 = arith.constant 0 : i32
      %dma_start3A_548 = tpu.memref_slice %arg6[%add3A_538, %dma_start3A_546, %dma_start3A_547] : memref<4096x200x64xf32, #tpu.memory_space<hbm>> -> memref<1x200x64xf32, #tpu.memory_space<hbm>>
      %dma_start3A_549 = tpu.memref_squeeze %dma_start3A_548 : memref<1x200x64xf32, #tpu.memory_space<hbm>> -> memref<200x64xf32, #tpu.memory_space<hbm>>
      %dma_start3A_550 = arith.constant 0 : i32
      %dma_start3A_551 = arith.constant 0 : i32
      %dma_start3A_552 = tpu.memref_slice %arg11[%dma_start3A_550, %dma_start3A_551] : memref<208x64xf32, #tpu.memory_space<vmem>> -> memref<200x64xf32, #tpu.memory_space<vmem>>
      tpu.enqueue_dma source(%dma_start3A_552 : memref<200x64xf32, #tpu.memory_space<vmem>>) target(%dma_start3A_549 : memref<200x64xf32, #tpu.memory_space<hbm>>) target_semaphore(%arg19 : memref<!tpu.dma_semaphore, #tpu.memory_space<semaphore_mem>>)
      %mul3A_553 = arith.constant 4 : i32
      %mul3A_554 = arith.muli %mul3A_553, %scan3A_442 : i32
      %add3A_555 = arith.constant 2 : i32
      %add3A_556 = arith.addi %mul3A_554, %add3A_555 : i32
      %dma_wait3A_557 = arith.constant 0 : i32
      %dma_wait3A_558 = arith.constant 0 : i32
      %dma_wait3A_559 = tpu.memref_slice %arg12[%dma_wait3A_557, %dma_wait3A_558] : memref<208x64xf32, #tpu.memory_space<vmem>> -> memref<208x64xf32, #tpu.memory_space<vmem>>
      %dma_wait3A_560 = arith.constant 0 : i32
      %dma_wait3A_561 = arith.constant 0 : i32
      %dma_wait3A_562 = tpu.memref_slice %arg4[%dma_wait3A_560, %dma_wait3A_561] : memref<1000000x64xf32, #tpu.memory_space<hbm>> -> memref<208x64xf32, #tpu.memory_space<hbm>>
      %dma_wait3A_563 = arith.constant 0 : i32
      %dma_wait3A_564 = arith.constant 0 : i32
      %dma_wait3A_565 = tpu.memref_slice %arg12[%dma_wait3A_563, %dma_wait3A_564] : memref<208x64xf32, #tpu.memory_space<vmem>> -> memref<208x64xf32, #tpu.memory_space<vmem>>
      %dma_wait3A_566 = arith.constant 0 : i32
      %dma_wait3A_567 = arith.constant 0 : i32
      %dma_wait3A_568 = tpu.memref_slice %arg4[%dma_wait3A_566, %dma_wait3A_567] : memref<1000000x64xf32, #tpu.memory_space<hbm>> -> memref<208x64xf32, #tpu.memory_space<hbm>>
      tpu.wait_dma2 semaphore(%arg16 : memref<!tpu.dma_semaphore, #tpu.memory_space<semaphore_mem>>) src(%dma_wait3A_568 : memref<208x64xf32, #tpu.memory_space<hbm>>) dst(%dma_wait3A_565 : memref<208x64xf32, #tpu.memory_space<vmem>>)
      %add3A_569 = arith.constant 2 : i32
      %add3A_570 = arith.addi %add3A_556, %add3A_569 : i32
      %lt3A_571 = arith.constant 128 : i32
      %lt3A_572 = arith.cmpi slt, %add3A_570, %lt3A_571 : i32
      %convert_element_type3A_573 = arith.extui %lt3A_572 : i1 to i32
      %cond3A_574 = arith.constant 0 : i32
      %cond3A_575 = arith.cmpi ne, %convert_element_type3A_573, %cond3A_574 : i32
      scf.if %cond3A_575 {
        %ge3A = arith.constant 2 : i32
        %ge3A_671 = arith.cmpi sge, %add3A_556, %ge3A : i32
        %convert_element_type3A_672 = arith.extui %ge3A_671 : i1 to i32
        %cond3A_673 = arith.constant 0 : i32
        %cond3A_674 = arith.cmpi ne, %convert_element_type3A_672, %cond3A_673 : i32
        scf.if %cond3A_674 {
          %add3A_846 = arith.constant 2 : i32
          %add3A_847 = arith.addi %add3A_556, %add3A_846 : i32
          %sub3A_848 = arith.constant 4 : i32
          %sub3A_849 = arith.subi %add3A_847, %sub3A_848 : i32
          %add3A_850 = arith.addi %mul3A_2, %sub3A_849 : i32
          %dma_wait3A_851 = arith.constant 0 : i32
          %dma_wait3A_852 = arith.constant 0 : i32
          %dma_wait3A_853 = tpu.memref_slice %arg10[%dma_wait3A_851, %dma_wait3A_852] : memref<208x64xf32, #tpu.memory_space<vmem>> -> memref<200x64xf32, #tpu.memory_space<vmem>>
          %dma_wait3A_854 = arith.constant 0 : i32
          %dma_wait3A_855 = arith.constant 0 : i32
          %dma_wait3A_856 = tpu.memref_slice %arg6[%add3A_850, %dma_wait3A_854, %dma_wait3A_855] : memref<4096x200x64xf32, #tpu.memory_space<hbm>> -> memref<1x200x64xf32, #tpu.memory_space<hbm>>
          %dma_wait3A_857 = tpu.memref_squeeze %dma_wait3A_856 : memref<1x200x64xf32, #tpu.memory_space<hbm>> -> memref<200x64xf32, #tpu.memory_space<hbm>>
          %dma_wait3A_858 = arith.constant 0 : i32
          %dma_wait3A_859 = arith.constant 0 : i32
          %dma_wait3A_860 = tpu.memref_slice %arg6[%add3A_850, %dma_wait3A_858, %dma_wait3A_859] : memref<4096x200x64xf32, #tpu.memory_space<hbm>> -> memref<1x200x64xf32, #tpu.memory_space<hbm>>
          %dma_wait3A_861 = tpu.memref_squeeze %dma_wait3A_860 : memref<1x200x64xf32, #tpu.memory_space<hbm>> -> memref<200x64xf32, #tpu.memory_space<hbm>>
          %dma_wait3A_862 = arith.constant 0 : i32
          %dma_wait3A_863 = arith.constant 0 : i32
          %dma_wait3A_864 = tpu.memref_slice %arg10[%dma_wait3A_862, %dma_wait3A_863] : memref<208x64xf32, #tpu.memory_space<vmem>> -> memref<200x64xf32, #tpu.memory_space<vmem>>
          tpu.wait_dma2 semaphore(%arg18 : memref<!tpu.dma_semaphore, #tpu.memory_space<semaphore_mem>>) src(%dma_wait3A_864 : memref<200x64xf32, #tpu.memory_space<vmem>>) dst(%dma_wait3A_861 : memref<200x64xf32, #tpu.memory_space<hbm>>)
        } else {
        }
        %add3A_675 = arith.constant 2 : i32
        %add3A_676 = arith.addi %add3A_556, %add3A_675 : i32
        %mul3A_677 = arith.constant 200 : i32
        %mul3A_678 = arith.muli %add3A_676, %mul3A_677 : i32
        %add3A_679 = arith.constant 0 : i32
        %add3A_680 = arith.addi %mul3A_678, %add3A_679 : i32
        %get3A_681 = arith.index_cast %add3A_680 : i32 to index
        %get3A_682 = tpu.vector_load %arg9[%get3A_681] {strides = array<i32>} : memref<25600xi32, #tpu.memory_space<vmem>>, vector<16xi32>,
        %get3A_683 = vector.shape_cast %get3A_682 : vector<16xi32> to vector<16xi32>
        %dma_start3A_684 = arith.constant 0 : i32
        %dma_start3A_685 = arith.constant 0 : i32
        %dma_start3A_686 = tpu.memref_slice %arg10[%dma_start3A_684, %dma_start3A_685] : memref<208x64xf32, #tpu.memory_space<vmem>> -> memref<16x64xf32, #tpu.memory_space<vmem>>
        %dma_start3A_687 = arith.constant 0 : i32
        %dma_start3A_688 = arith.constant 0 : i32
        %dma_start3A_689 = tpu.memref_slice %arg4[%dma_start3A_687, %dma_start3A_688] : memref<1000000x64xf32, #tpu.memory_space<hbm>> -> memref<1000000x64xf32, #tpu.memory_space<hbm>>
        tpu.enqueue_indirect_dma source(%dma_start3A_689 : memref<1000000x64xf32, #tpu.memory_space<hbm>>) target(%dma_start3A_686 : memref<16x64xf32, #tpu.memory_space<vmem>>) offsets(%get3A_683 : vector<16xi32>) semaphore(%arg14 : memref<!tpu.dma_semaphore, #tpu.memory_space<semaphore_mem>>)
        %mul3A_690 = arith.constant 200 : i32
        %mul3A_691 = arith.muli %add3A_676, %mul3A_690 : i32
        %add3A_692 = arith.constant 16 : i32
        %add3A_693 = arith.addi %mul3A_691, %add3A_692 : i32
        %get3A_694 = arith.index_cast %add3A_693 : i32 to index
        %get3A_695 = tpu.vector_load %arg9[%get3A_694] {strides = array<i32>} : memref<25600xi32, #tpu.memory_space<vmem>>, vector<16xi32>,
        %get3A_696 = vector.shape_cast %get3A_695 : vector<16xi32> to vector<16xi32>
        %dma_start3A_697 = arith.constant 16 : i32
        %dma_start3A_698 = arith.constant 0 : i32
        %dma_start3A_699 = tpu.memref_slice %arg10[%dma_start3A_697, %dma_start3A_698] : memref<208x64xf32, #tpu.memory_space<vmem>> -> memref<16x64xf32, #tpu.memory_space<vmem>>
        %dma_start3A_700 = arith.constant 0 : i32
        %dma_start3A_701 = arith.constant 0 : i32
        %dma_start3A_702 = tpu.memref_slice %arg4[%dma_start3A_700, %dma_start3A_701] : memref<1000000x64xf32, #tpu.memory_space<hbm>> -> memref<1000000x64xf32, #tpu.memory_space<hbm>>
        tpu.enqueue_indirect_dma source(%dma_start3A_702 : memref<1000000x64xf32, #tpu.memory_space<hbm>>) target(%dma_start3A_699 : memref<16x64xf32, #tpu.memory_space<vmem>>) offsets(%get3A_696 : vector<16xi32>) semaphore(%arg14 : memref<!tpu.dma_semaphore, #tpu.memory_space<semaphore_mem>>)
        %mul3A_703 = arith.constant 200 : i32
        %mul3A_704 = arith.muli %add3A_676, %mul3A_703 : i32
        %add3A_705 = arith.constant 32 : i32
        %add3A_706 = arith.addi %mul3A_704, %add3A_705 : i32
        %get3A_707 = arith.index_cast %add3A_706 : i32 to index
        %get3A_708 = tpu.vector_load %arg9[%get3A_707] {strides = array<i32>} : memref<25600xi32, #tpu.memory_space<vmem>>, vector<16xi32>,
        %get3A_709 = vector.shape_cast %get3A_708 : vector<16xi32> to vector<16xi32>
        %dma_start3A_710 = arith.constant 32 : i32
        %dma_start3A_711 = arith.constant 0 : i32
        %dma_start3A_712 = tpu.memref_slice %arg10[%dma_start3A_710, %dma_start3A_711] : memref<208x64xf32, #tpu.memory_space<vmem>> -> memref<16x64xf32, #tpu.memory_space<vmem>>
        %dma_start3A_713 = arith.constant 0 : i32
        %dma_start3A_714 = arith.constant 0 : i32
        %dma_start3A_715 = tpu.memref_slice %arg4[%dma_start3A_713, %dma_start3A_714] : memref<1000000x64xf32, #tpu.memory_space<hbm>> -> memref<1000000x64xf32, #tpu.memory_space<hbm>>
        tpu.enqueue_indirect_dma source(%dma_start3A_715 : memref<1000000x64xf32, #tpu.memory_space<hbm>>) target(%dma_start3A_712 : memref<16x64xf32, #tpu.memory_space<vmem>>) offsets(%get3A_709 : vector<16xi32>) semaphore(%arg14 : memref<!tpu.dma_semaphore, #tpu.memory_space<semaphore_mem>>)
        %mul3A_716 = arith.constant 200 : i32
        %mul3A_717 = arith.muli %add3A_676, %mul3A_716 : i32
        %add3A_718 = arith.constant 48 : i32
        %add3A_719 = arith.addi %mul3A_717, %add3A_718 : i32
        %get3A_720 = arith.index_cast %add3A_719 : i32 to index
        %get3A_721 = tpu.vector_load %arg9[%get3A_720] {strides = array<i32>} : memref<25600xi32, #tpu.memory_space<vmem>>, vector<16xi32>,
        %get3A_722 = vector.shape_cast %get3A_721 : vector<16xi32> to vector<16xi32>
        %dma_start3A_723 = arith.constant 48 : i32
        %dma_start3A_724 = arith.constant 0 : i32
        %dma_start3A_725 = tpu.memref_slice %arg10[%dma_start3A_723, %dma_start3A_724] : memref<208x64xf32, #tpu.memory_space<vmem>> -> memref<16x64xf32, #tpu.memory_space<vmem>>
        %dma_start3A_726 = arith.constant 0 : i32
        %dma_start3A_727 = arith.constant 0 : i32
        %dma_start3A_728 = tpu.memref_slice %arg4[%dma_start3A_726, %dma_start3A_727] : memref<1000000x64xf32, #tpu.memory_space<hbm>> -> memref<1000000x64xf32, #tpu.memory_space<hbm>>
        tpu.enqueue_indirect_dma source(%dma_start3A_728 : memref<1000000x64xf32, #tpu.memory_space<hbm>>) target(%dma_start3A_725 : memref<16x64xf32, #tpu.memory_space<vmem>>) offsets(%get3A_722 : vector<16xi32>) semaphore(%arg14 : memref<!tpu.dma_semaphore, #tpu.memory_space<semaphore_mem>>)
        %mul3A_729 = arith.constant 200 : i32
        %mul3A_730 = arith.muli %add3A_676, %mul3A_729 : i32
        %add3A_731 = arith.constant 64 : i32
        %add3A_732 = arith.addi %mul3A_730, %add3A_731 : i32
        %get3A_733 = arith.index_cast %add3A_732 : i32 to index
        %get3A_734 = tpu.vector_load %arg9[%get3A_733] {strides = array<i32>} : memref<25600xi32, #tpu.memory_space<vmem>>, vector<16xi32>,
        %get3A_735 = vector.shape_cast %get3A_734 : vector<16xi32> to vector<16xi32>
        %dma_start3A_736 = arith.constant 64 : i32
        %dma_start3A_737 = arith.constant 0 : i32
        %dma_start3A_738 = tpu.memref_slice %arg10[%dma_start3A_736, %dma_start3A_737] : memref<208x64xf32, #tpu.memory_space<vmem>> -> memref<16x64xf32, #tpu.memory_space<vmem>>
        %dma_start3A_739 = arith.constant 0 : i32
        %dma_start3A_740 = arith.constant 0 : i32
        %dma_start3A_741 = tpu.memref_slice %arg4[%dma_start3A_739, %dma_start3A_740] : memref<1000000x64xf32, #tpu.memory_space<hbm>> -> memref<1000000x64xf32, #tpu.memory_space<hbm>>
        tpu.enqueue_indirect_dma source(%dma_start3A_741 : memref<1000000x64xf32, #tpu.memory_space<hbm>>) target(%dma_start3A_738 : memref<16x64xf32, #tpu.memory_space<vmem>>) offsets(%get3A_735 : vector<16xi32>) semaphore(%arg14 : memref<!tpu.dma_semaphore, #tpu.memory_space<semaphore_mem>>)
        %mul3A_742 = arith.constant 200 : i32
        %mul3A_743 = arith.muli %add3A_676, %mul3A_742 : i32
        %add3A_744 = arith.constant 80 : i32
        %add3A_745 = arith.addi %mul3A_743, %add3A_744 : i32
        %get3A_746 = arith.index_cast %add3A_745 : i32 to index
        %get3A_747 = tpu.vector_load %arg9[%get3A_746] {strides = array<i32>} : memref<25600xi32, #tpu.memory_space<vmem>>, vector<16xi32>,
        %get3A_748 = vector.shape_cast %get3A_747 : vector<16xi32> to vector<16xi32>
        %dma_start3A_749 = arith.constant 80 : i32
        %dma_start3A_750 = arith.constant 0 : i32
        %dma_start3A_751 = tpu.memref_slice %arg10[%dma_start3A_749, %dma_start3A_750] : memref<208x64xf32, #tpu.memory_space<vmem>> -> memref<16x64xf32, #tpu.memory_space<vmem>>
        %dma_start3A_752 = arith.constant 0 : i32
        %dma_start3A_753 = arith.constant 0 : i32
        %dma_start3A_754 = tpu.memref_slice %arg4[%dma_start3A_752, %dma_start3A_753] : memref<1000000x64xf32, #tpu.memory_space<hbm>> -> memref<1000000x64xf32, #tpu.memory_space<hbm>>
        tpu.enqueue_indirect_dma source(%dma_start3A_754 : memref<1000000x64xf32, #tpu.memory_space<hbm>>) target(%dma_start3A_751 : memref<16x64xf32, #tpu.memory_space<vmem>>) offsets(%get3A_748 : vector<16xi32>) semaphore(%arg14 : memref<!tpu.dma_semaphore, #tpu.memory_space<semaphore_mem>>)
        %mul3A_755 = arith.constant 200 : i32
        %mul3A_756 = arith.muli %add3A_676, %mul3A_755 : i32
        %add3A_757 = arith.constant 96 : i32
        %add3A_758 = arith.addi %mul3A_756, %add3A_757 : i32
        %get3A_759 = arith.index_cast %add3A_758 : i32 to index
        %get3A_760 = tpu.vector_load %arg9[%get3A_759] {strides = array<i32>} : memref<25600xi32, #tpu.memory_space<vmem>>, vector<16xi32>,
        %get3A_761 = vector.shape_cast %get3A_760 : vector<16xi32> to vector<16xi32>
        %dma_start3A_762 = arith.constant 96 : i32
        %dma_start3A_763 = arith.constant 0 : i32
        %dma_start3A_764 = tpu.memref_slice %arg10[%dma_start3A_762, %dma_start3A_763] : memref<208x64xf32, #tpu.memory_space<vmem>> -> memref<16x64xf32, #tpu.memory_space<vmem>>
        %dma_start3A_765 = arith.constant 0 : i32
        %dma_start3A_766 = arith.constant 0 : i32
        %dma_start3A_767 = tpu.memref_slice %arg4[%dma_start3A_765, %dma_start3A_766] : memref<1000000x64xf32, #tpu.memory_space<hbm>> -> memref<1000000x64xf32, #tpu.memory_space<hbm>>
        tpu.enqueue_indirect_dma source(%dma_start3A_767 : memref<1000000x64xf32, #tpu.memory_space<hbm>>) target(%dma_start3A_764 : memref<16x64xf32, #tpu.memory_space<vmem>>) offsets(%get3A_761 : vector<16xi32>) semaphore(%arg14 : memref<!tpu.dma_semaphore, #tpu.memory_space<semaphore_mem>>)
        %mul3A_768 = arith.constant 200 : i32
        %mul3A_769 = arith.muli %add3A_676, %mul3A_768 : i32
        %add3A_770 = arith.constant 112 : i32
        %add3A_771 = arith.addi %mul3A_769, %add3A_770 : i32
        %get3A_772 = arith.index_cast %add3A_771 : i32 to index
        %get3A_773 = tpu.vector_load %arg9[%get3A_772] {strides = array<i32>} : memref<25600xi32, #tpu.memory_space<vmem>>, vector<16xi32>,
        %get3A_774 = vector.shape_cast %get3A_773 : vector<16xi32> to vector<16xi32>
        %dma_start3A_775 = arith.constant 112 : i32
        %dma_start3A_776 = arith.constant 0 : i32
        %dma_start3A_777 = tpu.memref_slice %arg10[%dma_start3A_775, %dma_start3A_776] : memref<208x64xf32, #tpu.memory_space<vmem>> -> memref<16x64xf32, #tpu.memory_space<vmem>>
        %dma_start3A_778 = arith.constant 0 : i32
        %dma_start3A_779 = arith.constant 0 : i32
        %dma_start3A_780 = tpu.memref_slice %arg4[%dma_start3A_778, %dma_start3A_779] : memref<1000000x64xf32, #tpu.memory_space<hbm>> -> memref<1000000x64xf32, #tpu.memory_space<hbm>>
        tpu.enqueue_indirect_dma source(%dma_start3A_780 : memref<1000000x64xf32, #tpu.memory_space<hbm>>) target(%dma_start3A_777 : memref<16x64xf32, #tpu.memory_space<vmem>>) offsets(%get3A_774 : vector<16xi32>) semaphore(%arg14 : memref<!tpu.dma_semaphore, #tpu.memory_space<semaphore_mem>>)
        %mul3A_781 = arith.constant 200 : i32
        %mul3A_782 = arith.muli %add3A_676, %mul3A_781 : i32
        %add3A_783 = arith.constant 128 : i32
        %add3A_784 = arith.addi %mul3A_782, %add3A_783 : i32
        %get3A_785 = arith.index_cast %add3A_784 : i32 to index
        %get3A_786 = tpu.vector_load %arg9[%get3A_785] {strides = array<i32>} : memref<25600xi32, #tpu.memory_space<vmem>>, vector<16xi32>,
        %get3A_787 = vector.shape_cast %get3A_786 : vector<16xi32> to vector<16xi32>
        %dma_start3A_788 = arith.constant 128 : i32
        %dma_start3A_789 = arith.constant 0 : i32
        %dma_start3A_790 = tpu.memref_slice %arg10[%dma_start3A_788, %dma_start3A_789] : memref<208x64xf32, #tpu.memory_space<vmem>> -> memref<16x64xf32, #tpu.memory_space<vmem>>
        %dma_start3A_791 = arith.constant 0 : i32
        %dma_start3A_792 = arith.constant 0 : i32
        %dma_start3A_793 = tpu.memref_slice %arg4[%dma_start3A_791, %dma_start3A_792] : memref<1000000x64xf32, #tpu.memory_space<hbm>> -> memref<1000000x64xf32, #tpu.memory_space<hbm>>
        tpu.enqueue_indirect_dma source(%dma_start3A_793 : memref<1000000x64xf32, #tpu.memory_space<hbm>>) target(%dma_start3A_790 : memref<16x64xf32, #tpu.memory_space<vmem>>) offsets(%get3A_787 : vector<16xi32>) semaphore(%arg14 : memref<!tpu.dma_semaphore, #tpu.memory_space<semaphore_mem>>)
        %mul3A_794 = arith.constant 200 : i32
        %mul3A_795 = arith.muli %add3A_676, %mul3A_794 : i32
        %add3A_796 = arith.constant 144 : i32
        %add3A_797 = arith.addi %mul3A_795, %add3A_796 : i32
        %get3A_798 = arith.index_cast %add3A_797 : i32 to index
        %get3A_799 = tpu.vector_load %arg9[%get3A_798] {strides = array<i32>} : memref<25600xi32, #tpu.memory_space<vmem>>, vector<16xi32>,
        %get3A_800 = vector.shape_cast %get3A_799 : vector<16xi32> to vector<16xi32>
        %dma_start3A_801 = arith.constant 144 : i32
        %dma_start3A_802 = arith.constant 0 : i32
        %dma_start3A_803 = tpu.memref_slice %arg10[%dma_start3A_801, %dma_start3A_802] : memref<208x64xf32, #tpu.memory_space<vmem>> -> memref<16x64xf32, #tpu.memory_space<vmem>>
        %dma_start3A_804 = arith.constant 0 : i32
        %dma_start3A_805 = arith.constant 0 : i32
        %dma_start3A_806 = tpu.memref_slice %arg4[%dma_start3A_804, %dma_start3A_805] : memref<1000000x64xf32, #tpu.memory_space<hbm>> -> memref<1000000x64xf32, #tpu.memory_space<hbm>>
        tpu.enqueue_indirect_dma source(%dma_start3A_806 : memref<1000000x64xf32, #tpu.memory_space<hbm>>) target(%dma_start3A_803 : memref<16x64xf32, #tpu.memory_space<vmem>>) offsets(%get3A_800 : vector<16xi32>) semaphore(%arg14 : memref<!tpu.dma_semaphore, #tpu.memory_space<semaphore_mem>>)
        %mul3A_807 = arith.constant 200 : i32
        %mul3A_808 = arith.muli %add3A_676, %mul3A_807 : i32
        %add3A_809 = arith.constant 160 : i32
        %add3A_810 = arith.addi %mul3A_808, %add3A_809 : i32
        %get3A_811 = arith.index_cast %add3A_810 : i32 to index
        %get3A_812 = tpu.vector_load %arg9[%get3A_811] {strides = array<i32>} : memref<25600xi32, #tpu.memory_space<vmem>>, vector<16xi32>,
        %get3A_813 = vector.shape_cast %get3A_812 : vector<16xi32> to vector<16xi32>
        %dma_start3A_814 = arith.constant 160 : i32
        %dma_start3A_815 = arith.constant 0 : i32
        %dma_start3A_816 = tpu.memref_slice %arg10[%dma_start3A_814, %dma_start3A_815] : memref<208x64xf32, #tpu.memory_space<vmem>> -> memref<16x64xf32, #tpu.memory_space<vmem>>
        %dma_start3A_817 = arith.constant 0 : i32
        %dma_start3A_818 = arith.constant 0 : i32
        %dma_start3A_819 = tpu.memref_slice %arg4[%dma_start3A_817, %dma_start3A_818] : memref<1000000x64xf32, #tpu.memory_space<hbm>> -> memref<1000000x64xf32, #tpu.memory_space<hbm>>
        tpu.enqueue_indirect_dma source(%dma_start3A_819 : memref<1000000x64xf32, #tpu.memory_space<hbm>>) target(%dma_start3A_816 : memref<16x64xf32, #tpu.memory_space<vmem>>) offsets(%get3A_813 : vector<16xi32>) semaphore(%arg14 : memref<!tpu.dma_semaphore, #tpu.memory_space<semaphore_mem>>)
        %mul3A_820 = arith.constant 200 : i32
        %mul3A_821 = arith.muli %add3A_676, %mul3A_820 : i32
        %add3A_822 = arith.constant 176 : i32
        %add3A_823 = arith.addi %mul3A_821, %add3A_822 : i32
        %get3A_824 = arith.index_cast %add3A_823 : i32 to index
        %get3A_825 = tpu.vector_load %arg9[%get3A_824] {strides = array<i32>} : memref<25600xi32, #tpu.memory_space<vmem>>, vector<16xi32>,
        %get3A_826 = vector.shape_cast %get3A_825 : vector<16xi32> to vector<16xi32>
        %dma_start3A_827 = arith.constant 176 : i32
        %dma_start3A_828 = arith.constant 0 : i32
        %dma_start3A_829 = tpu.memref_slice %arg10[%dma_start3A_827, %dma_start3A_828] : memref<208x64xf32, #tpu.memory_space<vmem>> -> memref<16x64xf32, #tpu.memory_space<vmem>>
        %dma_start3A_830 = arith.constant 0 : i32
        %dma_start3A_831 = arith.constant 0 : i32
        %dma_start3A_832 = tpu.memref_slice %arg4[%dma_start3A_830, %dma_start3A_831] : memref<1000000x64xf32, #tpu.memory_space<hbm>> -> memref<1000000x64xf32, #tpu.memory_space<hbm>>
        tpu.enqueue_indirect_dma source(%dma_start3A_832 : memref<1000000x64xf32, #tpu.memory_space<hbm>>) target(%dma_start3A_829 : memref<16x64xf32, #tpu.memory_space<vmem>>) offsets(%get3A_826 : vector<16xi32>) semaphore(%arg14 : memref<!tpu.dma_semaphore, #tpu.memory_space<semaphore_mem>>)
        %mul3A_833 = arith.constant 200 : i32
        %mul3A_834 = arith.muli %add3A_676, %mul3A_833 : i32
        %add3A_835 = arith.constant 184 : i32
        %add3A_836 = arith.addi %mul3A_834, %add3A_835 : i32
        %get3A_837 = arith.index_cast %add3A_836 : i32 to index
        %get3A_838 = tpu.vector_load %arg9[%get3A_837] {strides = array<i32>} : memref<25600xi32, #tpu.memory_space<vmem>>, vector<16xi32>,
        %get3A_839 = vector.shape_cast %get3A_838 : vector<16xi32> to vector<16xi32>
        %dma_start3A_840 = arith.constant 184 : i32
        %dma_start3A_841 = arith.constant 0 : i32
        %dma_start3A_842 = tpu.memref_slice %arg10[%dma_start3A_840, %dma_start3A_841] : memref<208x64xf32, #tpu.memory_space<vmem>> -> memref<16x64xf32, #tpu.memory_space<vmem>>
        %dma_start3A_843 = arith.constant 0 : i32
        %dma_start3A_844 = arith.constant 0 : i32
        %dma_start3A_845 = tpu.memref_slice %arg4[%dma_start3A_843, %dma_start3A_844] : memref<1000000x64xf32, #tpu.memory_space<hbm>> -> memref<1000000x64xf32, #tpu.memory_space<hbm>>
        tpu.enqueue_indirect_dma source(%dma_start3A_845 : memref<1000000x64xf32, #tpu.memory_space<hbm>>) target(%dma_start3A_842 : memref<16x64xf32, #tpu.memory_space<vmem>>) offsets(%get3A_839 : vector<16xi32>) semaphore(%arg14 : memref<!tpu.dma_semaphore, #tpu.memory_space<semaphore_mem>>)
      } else {
      }
      %and3A_576 = arith.constant -16 : i32
      %and3A_577 = arith.andi %add3A_556, %and3A_576 : i32
      %get3A_578 = arith.index_cast %and3A_577 : i32 to index
      %get3A_579 = tpu.vector_load %arg7[%get3A_578] {strides = array<i32>} : memref<144xi32, #tpu.memory_space<vmem>>, vector<16xi32>,
      %get3A_580 = vector.shape_cast %get3A_579 : vector<16xi32> to vector<16xi32>
      %sub3A_581 = arith.subi %add3A_556, %and3A_577 : i32
      %add3A_582 = vector.broadcast %sub3A_581 : i32 to vector<16xi32>
      %add3A_583 = arith.addi %broadcast_in_dim3A_5, %add3A_582 : vector<16xi32>
      %lt3A_584 = arith.constant 0 : i32
      %lt3A_585 = vector.broadcast %lt3A_584 : i32 to vector<16xi32>
      %lt3A_586 = arith.cmpi slt, %add3A_583, %lt3A_585 : vector<16xi32>
      %add3A_587 = arith.constant 16 : i32
      %add3A_588 = vector.broadcast %add3A_587 : i32 to vector<16xi32>
      %add3A_589 = arith.addi %add3A_583, %add3A_588 : vector<16xi32>
      %select_n3A_590 = arith.select %lt3A_586, %add3A_589, %add3A_583 : vector<16xi1>, vector<16xi32>
      %broadcast_in_dim3A_591 = vector.shape_cast %select_n3A_590 : vector<16xi32> to vector<16x1xi32>
      %gather3A_592 = vector.shape_cast %broadcast_in_dim3A_591 : vector<16x1xi32> to vector<16xi32>
      %gather3A_593 = tpu.dynamic_gather %get3A_580[%gather3A_592] in [0] : vector<16xi32>, vector<16xi32> -> vector<16xi32>
      %parallel_loop3A_594 = arith.constant 0 : i32
      %parallel_loop3A_595 = arith.constant 200 : i32
      %parallel_loop3A_596 = arith.constant 1 : i32
      scf.for %parallel_loop3A_671 = %parallel_loop3A_594 to %parallel_loop3A_595 step %parallel_loop3A_596  : i32 {
        %parallel_loop3A_672 = vector.broadcast %parallel_loop3A_671 : i32 to vector<16xi32>
        %parallel_loop3A_673 = arith.addi %broadcast_in_dim3A_5, %parallel_loop3A_672 : vector<16xi32>
        %parallel_loop3A_674 = arith.cmpi slt, %parallel_loop3A_673, %gather3A_593 : vector<16xi32>
        %parallel_loop3A_675 = arith.constant 8.000000e+00 : f32
        %parallel_loop3A_676 = arith.constant 0.000000e+00 : f32
        %parallel_loop3A_677 = vector.broadcast %parallel_loop3A_675 : f32 to vector<16xf32>
        %parallel_loop3A_678 = vector.broadcast %parallel_loop3A_676 : f32 to vector<16xf32>
        %parallel_loop3A_679 = arith.select %parallel_loop3A_674, %parallel_loop3A_677, %parallel_loop3A_678 : vector<16xi1>, vector<16xf32>
        %parallel_loop3A_680 = arith.index_cast %parallel_loop3A_671 : i32 to index
        %parallel_loop3A_681 = arith.constant 0 : index
        %parallel_loop3A_682 = tpu.vector_load %arg12[%parallel_loop3A_680, %parallel_loop3A_681] {strides = array<i32>} : memref<208x64xf32, #tpu.memory_space<vmem>>, vector<1x16xf32>,
        %parallel_loop3A_683 = vector.shape_cast %parallel_loop3A_682 : vector<1x16xf32> to vector<16xf32>
        %parallel_loop3A_684 = arith.index_cast %parallel_loop3A_671 : i32 to index
        %parallel_loop3A_685 = arith.constant 0 : index
        %parallel_loop3A_686 = tpu.vector_load %arg8[%parallel_loop3A_684, %parallel_loop3A_685] {strides = array<i32>} : memref<200x64xf32, #tpu.memory_space<vmem>>, vector<1x16xf32>,
        %parallel_loop3A_687 = vector.shape_cast %parallel_loop3A_686 : vector<1x16xf32> to vector<16xf32>
        %parallel_loop3A_688 = arith.addf %parallel_loop3A_683, %parallel_loop3A_687 : vector<16xf32>
        %parallel_loop3A_689 = arith.mulf %parallel_loop3A_688, %parallel_loop3A_679 : vector<16xf32>
        %parallel_loop3A_690 = arith.index_cast %parallel_loop3A_671 : i32 to index
        %parallel_loop3A_691 = arith.constant 0 : index
        %parallel_loop3A_692 = tpu.vector_load %arg12[%parallel_loop3A_690, %parallel_loop3A_691] {strides = array<i32>} : memref<208x64xf32, #tpu.memory_space<vmem>>, vector<1x16xf32>,
        %parallel_loop3A_693 = vector.shape_cast %parallel_loop3A_692 : vector<1x16xf32> to vector<16xf32>
        %parallel_loop3A_694 = vector.shape_cast %parallel_loop3A_689 : vector<16xf32> to vector<1x16xf32>
        tpu.vector_store %arg12[%parallel_loop3A_690, %parallel_loop3A_691], %parallel_loop3A_694 {strides = array<i32>} : memref<208x64xf32, #tpu.memory_space<vmem>>, vector<1x16xf32>,
        %parallel_loop3A_695 = arith.index_cast %parallel_loop3A_671 : i32 to index
        %parallel_loop3A_696 = arith.constant 16 : index
        %parallel_loop3A_697 = tpu.vector_load %arg12[%parallel_loop3A_695, %parallel_loop3A_696] {strides = array<i32>} : memref<208x64xf32, #tpu.memory_space<vmem>>, vector<1x16xf32>,
        %parallel_loop3A_698 = vector.shape_cast %parallel_loop3A_697 : vector<1x16xf32> to vector<16xf32>
        %parallel_loop3A_699 = arith.index_cast %parallel_loop3A_671 : i32 to index
        %parallel_loop3A_700 = arith.constant 16 : index
        %parallel_loop3A_701 = tpu.vector_load %arg8[%parallel_loop3A_699, %parallel_loop3A_700] {strides = array<i32>} : memref<200x64xf32, #tpu.memory_space<vmem>>, vector<1x16xf32>,
        %parallel_loop3A_702 = vector.shape_cast %parallel_loop3A_701 : vector<1x16xf32> to vector<16xf32>
        %parallel_loop3A_703 = arith.addf %parallel_loop3A_698, %parallel_loop3A_702 : vector<16xf32>
        %parallel_loop3A_704 = arith.mulf %parallel_loop3A_703, %parallel_loop3A_679 : vector<16xf32>
        %parallel_loop3A_705 = arith.index_cast %parallel_loop3A_671 : i32 to index
        %parallel_loop3A_706 = arith.constant 16 : index
        %parallel_loop3A_707 = tpu.vector_load %arg12[%parallel_loop3A_705, %parallel_loop3A_706] {strides = array<i32>} : memref<208x64xf32, #tpu.memory_space<vmem>>, vector<1x16xf32>,
        %parallel_loop3A_708 = vector.shape_cast %parallel_loop3A_707 : vector<1x16xf32> to vector<16xf32>
        %parallel_loop3A_709 = vector.shape_cast %parallel_loop3A_704 : vector<16xf32> to vector<1x16xf32>
        tpu.vector_store %arg12[%parallel_loop3A_705, %parallel_loop3A_706], %parallel_loop3A_709 {strides = array<i32>} : memref<208x64xf32, #tpu.memory_space<vmem>>, vector<1x16xf32>,
        %parallel_loop3A_710 = arith.index_cast %parallel_loop3A_671 : i32 to index
        %parallel_loop3A_711 = arith.constant 32 : index
        %parallel_loop3A_712 = tpu.vector_load %arg12[%parallel_loop3A_710, %parallel_loop3A_711] {strides = array<i32>} : memref<208x64xf32, #tpu.memory_space<vmem>>, vector<1x16xf32>,
        %parallel_loop3A_713 = vector.shape_cast %parallel_loop3A_712 : vector<1x16xf32> to vector<16xf32>
        %parallel_loop3A_714 = arith.index_cast %parallel_loop3A_671 : i32 to index
        %parallel_loop3A_715 = arith.constant 32 : index
        %parallel_loop3A_716 = tpu.vector_load %arg8[%parallel_loop3A_714, %parallel_loop3A_715] {strides = array<i32>} : memref<200x64xf32, #tpu.memory_space<vmem>>, vector<1x16xf32>,
        %parallel_loop3A_717 = vector.shape_cast %parallel_loop3A_716 : vector<1x16xf32> to vector<16xf32>
        %parallel_loop3A_718 = arith.addf %parallel_loop3A_713, %parallel_loop3A_717 : vector<16xf32>
        %parallel_loop3A_719 = arith.mulf %parallel_loop3A_718, %parallel_loop3A_679 : vector<16xf32>
        %parallel_loop3A_720 = arith.index_cast %parallel_loop3A_671 : i32 to index
        %parallel_loop3A_721 = arith.constant 32 : index
        %parallel_loop3A_722 = tpu.vector_load %arg12[%parallel_loop3A_720, %parallel_loop3A_721] {strides = array<i32>} : memref<208x64xf32, #tpu.memory_space<vmem>>, vector<1x16xf32>,
        %parallel_loop3A_723 = vector.shape_cast %parallel_loop3A_722 : vector<1x16xf32> to vector<16xf32>
        %parallel_loop3A_724 = vector.shape_cast %parallel_loop3A_719 : vector<16xf32> to vector<1x16xf32>
        tpu.vector_store %arg12[%parallel_loop3A_720, %parallel_loop3A_721], %parallel_loop3A_724 {strides = array<i32>} : memref<208x64xf32, #tpu.memory_space<vmem>>, vector<1x16xf32>,
        %parallel_loop3A_725 = arith.index_cast %parallel_loop3A_671 : i32 to index
        %parallel_loop3A_726 = arith.constant 48 : index
        %parallel_loop3A_727 = tpu.vector_load %arg12[%parallel_loop3A_725, %parallel_loop3A_726] {strides = array<i32>} : memref<208x64xf32, #tpu.memory_space<vmem>>, vector<1x16xf32>,
        %parallel_loop3A_728 = vector.shape_cast %parallel_loop3A_727 : vector<1x16xf32> to vector<16xf32>
        %parallel_loop3A_729 = arith.index_cast %parallel_loop3A_671 : i32 to index
        %parallel_loop3A_730 = arith.constant 48 : index
        %parallel_loop3A_731 = tpu.vector_load %arg8[%parallel_loop3A_729, %parallel_loop3A_730] {strides = array<i32>} : memref<200x64xf32, #tpu.memory_space<vmem>>, vector<1x16xf32>,
        %parallel_loop3A_732 = vector.shape_cast %parallel_loop3A_731 : vector<1x16xf32> to vector<16xf32>
        %parallel_loop3A_733 = arith.addf %parallel_loop3A_728, %parallel_loop3A_732 : vector<16xf32>
        %parallel_loop3A_734 = arith.mulf %parallel_loop3A_733, %parallel_loop3A_679 : vector<16xf32>
        %parallel_loop3A_735 = arith.index_cast %parallel_loop3A_671 : i32 to index
        %parallel_loop3A_736 = arith.constant 48 : index
        %parallel_loop3A_737 = tpu.vector_load %arg12[%parallel_loop3A_735, %parallel_loop3A_736] {strides = array<i32>} : memref<208x64xf32, #tpu.memory_space<vmem>>, vector<1x16xf32>,
        %parallel_loop3A_738 = vector.shape_cast %parallel_loop3A_737 : vector<1x16xf32> to vector<16xf32>
        %parallel_loop3A_739 = vector.shape_cast %parallel_loop3A_734 : vector<16xf32> to vector<1x16xf32>
        tpu.vector_store %arg12[%parallel_loop3A_735, %parallel_loop3A_736], %parallel_loop3A_739 {strides = array<i32>} : memref<208x64xf32, #tpu.memory_space<vmem>>, vector<1x16xf32>,
      } {sc.loop_unroll_factor = 2 : i64, sc.parallel_access}
      %add3A_597 = arith.addi %mul3A_2, %add3A_556 : i32
      %dma_start3A_598 = arith.constant 0 : i32
      %dma_start3A_599 = arith.constant 0 : i32
      %dma_start3A_600 = tpu.memref_slice %arg12[%dma_start3A_598, %dma_start3A_599] : memref<208x64xf32, #tpu.memory_space<vmem>> -> memref<200x64xf32, #tpu.memory_space<vmem>>
      %dma_start3A_601 = arith.constant 0 : i32
      %dma_start3A_602 = arith.constant 0 : i32
      %dma_start3A_603 = tpu.memref_slice %arg6[%add3A_597, %dma_start3A_601, %dma_start3A_602] : memref<4096x200x64xf32, #tpu.memory_space<hbm>> -> memref<1x200x64xf32, #tpu.memory_space<hbm>>
      %dma_start3A_604 = tpu.memref_squeeze %dma_start3A_603 : memref<1x200x64xf32, #tpu.memory_space<hbm>> -> memref<200x64xf32, #tpu.memory_space<hbm>>
      %dma_start3A_605 = arith.constant 0 : i32
      %dma_start3A_606 = arith.constant 0 : i32
      %dma_start3A_607 = tpu.memref_slice %arg6[%add3A_597, %dma_start3A_605, %dma_start3A_606] : memref<4096x200x64xf32, #tpu.memory_space<hbm>> -> memref<1x200x64xf32, #tpu.memory_space<hbm>>
      %dma_start3A_608 = tpu.memref_squeeze %dma_start3A_607 : memref<1x200x64xf32, #tpu.memory_space<hbm>> -> memref<200x64xf32, #tpu.memory_space<hbm>>
      %dma_start3A_609 = arith.constant 0 : i32
      %dma_start3A_610 = arith.constant 0 : i32
      %dma_start3A_611 = tpu.memref_slice %arg12[%dma_start3A_609, %dma_start3A_610] : memref<208x64xf32, #tpu.memory_space<vmem>> -> memref<200x64xf32, #tpu.memory_space<vmem>>
      tpu.enqueue_dma source(%dma_start3A_611 : memref<200x64xf32, #tpu.memory_space<vmem>>) target(%dma_start3A_608 : memref<200x64xf32, #tpu.memory_space<hbm>>) target_semaphore(%arg20 : memref<!tpu.dma_semaphore, #tpu.memory_space<semaphore_mem>>)
      %mul3A_612 = arith.constant 4 : i32
      %mul3A_613 = arith.muli %mul3A_612, %scan3A_442 : i32
      %add3A_614 = arith.constant 3 : i32
      %add3A_615 = arith.addi %mul3A_613, %add3A_614 : i32
      %dma_wait3A_616 = arith.constant 0 : i32
      %dma_wait3A_617 = arith.constant 0 : i32
      %dma_wait3A_618 = tpu.memref_slice %arg13[%dma_wait3A_616, %dma_wait3A_617] : memref<208x64xf32, #tpu.memory_space<vmem>> -> memref<208x64xf32, #tpu.memory_space<vmem>>
      %dma_wait3A_619 = arith.constant 0 : i32
      %dma_wait3A_620 = arith.constant 0 : i32
      %dma_wait3A_621 = tpu.memref_slice %arg4[%dma_wait3A_619, %dma_wait3A_620] : memref<1000000x64xf32, #tpu.memory_space<hbm>> -> memref<208x64xf32, #tpu.memory_space<hbm>>
      %dma_wait3A_622 = arith.constant 0 : i32
      %dma_wait3A_623 = arith.constant 0 : i32
      %dma_wait3A_624 = tpu.memref_slice %arg13[%dma_wait3A_622, %dma_wait3A_623] : memref<208x64xf32, #tpu.memory_space<vmem>> -> memref<208x64xf32, #tpu.memory_space<vmem>>
      %dma_wait3A_625 = arith.constant 0 : i32
      %dma_wait3A_626 = arith.constant 0 : i32
      %dma_wait3A_627 = tpu.memref_slice %arg4[%dma_wait3A_625, %dma_wait3A_626] : memref<1000000x64xf32, #tpu.memory_space<hbm>> -> memref<208x64xf32, #tpu.memory_space<hbm>>
      tpu.wait_dma2 semaphore(%arg17 : memref<!tpu.dma_semaphore, #tpu.memory_space<semaphore_mem>>) src(%dma_wait3A_627 : memref<208x64xf32, #tpu.memory_space<hbm>>) dst(%dma_wait3A_624 : memref<208x64xf32, #tpu.memory_space<vmem>>)
      %add3A_628 = arith.constant 2 : i32
      %add3A_629 = arith.addi %add3A_615, %add3A_628 : i32
      %lt3A_630 = arith.constant 128 : i32
      %lt3A_631 = arith.cmpi slt, %add3A_629, %lt3A_630 : i32
      %convert_element_type3A_632 = arith.extui %lt3A_631 : i1 to i32
      %cond3A_633 = arith.constant 0 : i32
      %cond3A_634 = arith.cmpi ne, %convert_element_type3A_632, %cond3A_633 : i32
      scf.if %cond3A_634 {
        %ge3A = arith.constant 2 : i32
        %ge3A_671 = arith.cmpi sge, %add3A_615, %ge3A : i32
        %convert_element_type3A_672 = arith.extui %ge3A_671 : i1 to i32
        %cond3A_673 = arith.constant 0 : i32
        %cond3A_674 = arith.cmpi ne, %convert_element_type3A_672, %cond3A_673 : i32
        scf.if %cond3A_674 {
          %add3A_846 = arith.constant 2 : i32
          %add3A_847 = arith.addi %add3A_615, %add3A_846 : i32
          %sub3A_848 = arith.constant 4 : i32
          %sub3A_849 = arith.subi %add3A_847, %sub3A_848 : i32
          %add3A_850 = arith.addi %mul3A_2, %sub3A_849 : i32
          %dma_wait3A_851 = arith.constant 0 : i32
          %dma_wait3A_852 = arith.constant 0 : i32
          %dma_wait3A_853 = tpu.memref_slice %arg11[%dma_wait3A_851, %dma_wait3A_852] : memref<208x64xf32, #tpu.memory_space<vmem>> -> memref<200x64xf32, #tpu.memory_space<vmem>>
          %dma_wait3A_854 = arith.constant 0 : i32
          %dma_wait3A_855 = arith.constant 0 : i32
          %dma_wait3A_856 = tpu.memref_slice %arg6[%add3A_850, %dma_wait3A_854, %dma_wait3A_855] : memref<4096x200x64xf32, #tpu.memory_space<hbm>> -> memref<1x200x64xf32, #tpu.memory_space<hbm>>
          %dma_wait3A_857 = tpu.memref_squeeze %dma_wait3A_856 : memref<1x200x64xf32, #tpu.memory_space<hbm>> -> memref<200x64xf32, #tpu.memory_space<hbm>>
          %dma_wait3A_858 = arith.constant 0 : i32
          %dma_wait3A_859 = arith.constant 0 : i32
          %dma_wait3A_860 = tpu.memref_slice %arg6[%add3A_850, %dma_wait3A_858, %dma_wait3A_859] : memref<4096x200x64xf32, #tpu.memory_space<hbm>> -> memref<1x200x64xf32, #tpu.memory_space<hbm>>
          %dma_wait3A_861 = tpu.memref_squeeze %dma_wait3A_860 : memref<1x200x64xf32, #tpu.memory_space<hbm>> -> memref<200x64xf32, #tpu.memory_space<hbm>>
          %dma_wait3A_862 = arith.constant 0 : i32
          %dma_wait3A_863 = arith.constant 0 : i32
          %dma_wait3A_864 = tpu.memref_slice %arg11[%dma_wait3A_862, %dma_wait3A_863] : memref<208x64xf32, #tpu.memory_space<vmem>> -> memref<200x64xf32, #tpu.memory_space<vmem>>
          tpu.wait_dma2 semaphore(%arg19 : memref<!tpu.dma_semaphore, #tpu.memory_space<semaphore_mem>>) src(%dma_wait3A_864 : memref<200x64xf32, #tpu.memory_space<vmem>>) dst(%dma_wait3A_861 : memref<200x64xf32, #tpu.memory_space<hbm>>)
        } else {
        }
        %add3A_675 = arith.constant 2 : i32
        %add3A_676 = arith.addi %add3A_615, %add3A_675 : i32
        %mul3A_677 = arith.constant 200 : i32
        %mul3A_678 = arith.muli %add3A_676, %mul3A_677 : i32
        %add3A_679 = arith.constant 0 : i32
        %add3A_680 = arith.addi %mul3A_678, %add3A_679 : i32
        %get3A_681 = arith.index_cast %add3A_680 : i32 to index
        %get3A_682 = tpu.vector_load %arg9[%get3A_681] {strides = array<i32>} : memref<25600xi32, #tpu.memory_space<vmem>>, vector<16xi32>,
        %get3A_683 = vector.shape_cast %get3A_682 : vector<16xi32> to vector<16xi32>
        %dma_start3A_684 = arith.constant 0 : i32
        %dma_start3A_685 = arith.constant 0 : i32
        %dma_start3A_686 = tpu.memref_slice %arg11[%dma_start3A_684, %dma_start3A_685] : memref<208x64xf32, #tpu.memory_space<vmem>> -> memref<16x64xf32, #tpu.memory_space<vmem>>
        %dma_start3A_687 = arith.constant 0 : i32
        %dma_start3A_688 = arith.constant 0 : i32
        %dma_start3A_689 = tpu.memref_slice %arg4[%dma_start3A_687, %dma_start3A_688] : memref<1000000x64xf32, #tpu.memory_space<hbm>> -> memref<1000000x64xf32, #tpu.memory_space<hbm>>
        tpu.enqueue_indirect_dma source(%dma_start3A_689 : memref<1000000x64xf32, #tpu.memory_space<hbm>>) target(%dma_start3A_686 : memref<16x64xf32, #tpu.memory_space<vmem>>) offsets(%get3A_683 : vector<16xi32>) semaphore(%arg15 : memref<!tpu.dma_semaphore, #tpu.memory_space<semaphore_mem>>)
        %mul3A_690 = arith.constant 200 : i32
        %mul3A_691 = arith.muli %add3A_676, %mul3A_690 : i32
        %add3A_692 = arith.constant 16 : i32
        %add3A_693 = arith.addi %mul3A_691, %add3A_692 : i32
        %get3A_694 = arith.index_cast %add3A_693 : i32 to index
        %get3A_695 = tpu.vector_load %arg9[%get3A_694] {strides = array<i32>} : memref<25600xi32, #tpu.memory_space<vmem>>, vector<16xi32>,
        %get3A_696 = vector.shape_cast %get3A_695 : vector<16xi32> to vector<16xi32>
        %dma_start3A_697 = arith.constant 16 : i32
        %dma_start3A_698 = arith.constant 0 : i32
        %dma_start3A_699 = tpu.memref_slice %arg11[%dma_start3A_697, %dma_start3A_698] : memref<208x64xf32, #tpu.memory_space<vmem>> -> memref<16x64xf32, #tpu.memory_space<vmem>>
        %dma_start3A_700 = arith.constant 0 : i32
        %dma_start3A_701 = arith.constant 0 : i32
        %dma_start3A_702 = tpu.memref_slice %arg4[%dma_start3A_700, %dma_start3A_701] : memref<1000000x64xf32, #tpu.memory_space<hbm>> -> memref<1000000x64xf32, #tpu.memory_space<hbm>>
        tpu.enqueue_indirect_dma source(%dma_start3A_702 : memref<1000000x64xf32, #tpu.memory_space<hbm>>) target(%dma_start3A_699 : memref<16x64xf32, #tpu.memory_space<vmem>>) offsets(%get3A_696 : vector<16xi32>) semaphore(%arg15 : memref<!tpu.dma_semaphore, #tpu.memory_space<semaphore_mem>>)
        %mul3A_703 = arith.constant 200 : i32
        %mul3A_704 = arith.muli %add3A_676, %mul3A_703 : i32
        %add3A_705 = arith.constant 32 : i32
        %add3A_706 = arith.addi %mul3A_704, %add3A_705 : i32
        %get3A_707 = arith.index_cast %add3A_706 : i32 to index
        %get3A_708 = tpu.vector_load %arg9[%get3A_707] {strides = array<i32>} : memref<25600xi32, #tpu.memory_space<vmem>>, vector<16xi32>,
        %get3A_709 = vector.shape_cast %get3A_708 : vector<16xi32> to vector<16xi32>
        %dma_start3A_710 = arith.constant 32 : i32
        %dma_start3A_711 = arith.constant 0 : i32
        %dma_start3A_712 = tpu.memref_slice %arg11[%dma_start3A_710, %dma_start3A_711] : memref<208x64xf32, #tpu.memory_space<vmem>> -> memref<16x64xf32, #tpu.memory_space<vmem>>
        %dma_start3A_713 = arith.constant 0 : i32
        %dma_start3A_714 = arith.constant 0 : i32
        %dma_start3A_715 = tpu.memref_slice %arg4[%dma_start3A_713, %dma_start3A_714] : memref<1000000x64xf32, #tpu.memory_space<hbm>> -> memref<1000000x64xf32, #tpu.memory_space<hbm>>
        tpu.enqueue_indirect_dma source(%dma_start3A_715 : memref<1000000x64xf32, #tpu.memory_space<hbm>>) target(%dma_start3A_712 : memref<16x64xf32, #tpu.memory_space<vmem>>) offsets(%get3A_709 : vector<16xi32>) semaphore(%arg15 : memref<!tpu.dma_semaphore, #tpu.memory_space<semaphore_mem>>)
        %mul3A_716 = arith.constant 200 : i32
        %mul3A_717 = arith.muli %add3A_676, %mul3A_716 : i32
        %add3A_718 = arith.constant 48 : i32
        %add3A_719 = arith.addi %mul3A_717, %add3A_718 : i32
        %get3A_720 = arith.index_cast %add3A_719 : i32 to index
        %get3A_721 = tpu.vector_load %arg9[%get3A_720] {strides = array<i32>} : memref<25600xi32, #tpu.memory_space<vmem>>, vector<16xi32>,
        %get3A_722 = vector.shape_cast %get3A_721 : vector<16xi32> to vector<16xi32>
        %dma_start3A_723 = arith.constant 48 : i32
        %dma_start3A_724 = arith.constant 0 : i32
        %dma_start3A_725 = tpu.memref_slice %arg11[%dma_start3A_723, %dma_start3A_724] : memref<208x64xf32, #tpu.memory_space<vmem>> -> memref<16x64xf32, #tpu.memory_space<vmem>>
        %dma_start3A_726 = arith.constant 0 : i32
        %dma_start3A_727 = arith.constant 0 : i32
        %dma_start3A_728 = tpu.memref_slice %arg4[%dma_start3A_726, %dma_start3A_727] : memref<1000000x64xf32, #tpu.memory_space<hbm>> -> memref<1000000x64xf32, #tpu.memory_space<hbm>>
        tpu.enqueue_indirect_dma source(%dma_start3A_728 : memref<1000000x64xf32, #tpu.memory_space<hbm>>) target(%dma_start3A_725 : memref<16x64xf32, #tpu.memory_space<vmem>>) offsets(%get3A_722 : vector<16xi32>) semaphore(%arg15 : memref<!tpu.dma_semaphore, #tpu.memory_space<semaphore_mem>>)
        %mul3A_729 = arith.constant 200 : i32
        %mul3A_730 = arith.muli %add3A_676, %mul3A_729 : i32
        %add3A_731 = arith.constant 64 : i32
        %add3A_732 = arith.addi %mul3A_730, %add3A_731 : i32
        %get3A_733 = arith.index_cast %add3A_732 : i32 to index
        %get3A_734 = tpu.vector_load %arg9[%get3A_733] {strides = array<i32>} : memref<25600xi32, #tpu.memory_space<vmem>>, vector<16xi32>,
        %get3A_735 = vector.shape_cast %get3A_734 : vector<16xi32> to vector<16xi32>
        %dma_start3A_736 = arith.constant 64 : i32
        %dma_start3A_737 = arith.constant 0 : i32
        %dma_start3A_738 = tpu.memref_slice %arg11[%dma_start3A_736, %dma_start3A_737] : memref<208x64xf32, #tpu.memory_space<vmem>> -> memref<16x64xf32, #tpu.memory_space<vmem>>
        %dma_start3A_739 = arith.constant 0 : i32
        %dma_start3A_740 = arith.constant 0 : i32
        %dma_start3A_741 = tpu.memref_slice %arg4[%dma_start3A_739, %dma_start3A_740] : memref<1000000x64xf32, #tpu.memory_space<hbm>> -> memref<1000000x64xf32, #tpu.memory_space<hbm>>
        tpu.enqueue_indirect_dma source(%dma_start3A_741 : memref<1000000x64xf32, #tpu.memory_space<hbm>>) target(%dma_start3A_738 : memref<16x64xf32, #tpu.memory_space<vmem>>) offsets(%get3A_735 : vector<16xi32>) semaphore(%arg15 : memref<!tpu.dma_semaphore, #tpu.memory_space<semaphore_mem>>)
        %mul3A_742 = arith.constant 200 : i32
        %mul3A_743 = arith.muli %add3A_676, %mul3A_742 : i32
        %add3A_744 = arith.constant 80 : i32
        %add3A_745 = arith.addi %mul3A_743, %add3A_744 : i32
        %get3A_746 = arith.index_cast %add3A_745 : i32 to index
        %get3A_747 = tpu.vector_load %arg9[%get3A_746] {strides = array<i32>} : memref<25600xi32, #tpu.memory_space<vmem>>, vector<16xi32>,
        %get3A_748 = vector.shape_cast %get3A_747 : vector<16xi32> to vector<16xi32>
        %dma_start3A_749 = arith.constant 80 : i32
        %dma_start3A_750 = arith.constant 0 : i32
        %dma_start3A_751 = tpu.memref_slice %arg11[%dma_start3A_749, %dma_start3A_750] : memref<208x64xf32, #tpu.memory_space<vmem>> -> memref<16x64xf32, #tpu.memory_space<vmem>>
        %dma_start3A_752 = arith.constant 0 : i32
        %dma_start3A_753 = arith.constant 0 : i32
        %dma_start3A_754 = tpu.memref_slice %arg4[%dma_start3A_752, %dma_start3A_753] : memref<1000000x64xf32, #tpu.memory_space<hbm>> -> memref<1000000x64xf32, #tpu.memory_space<hbm>>
        tpu.enqueue_indirect_dma source(%dma_start3A_754 : memref<1000000x64xf32, #tpu.memory_space<hbm>>) target(%dma_start3A_751 : memref<16x64xf32, #tpu.memory_space<vmem>>) offsets(%get3A_748 : vector<16xi32>) semaphore(%arg15 : memref<!tpu.dma_semaphore, #tpu.memory_space<semaphore_mem>>)
        %mul3A_755 = arith.constant 200 : i32
        %mul3A_756 = arith.muli %add3A_676, %mul3A_755 : i32
        %add3A_757 = arith.constant 96 : i32
        %add3A_758 = arith.addi %mul3A_756, %add3A_757 : i32
        %get3A_759 = arith.index_cast %add3A_758 : i32 to index
        %get3A_760 = tpu.vector_load %arg9[%get3A_759] {strides = array<i32>} : memref<25600xi32, #tpu.memory_space<vmem>>, vector<16xi32>,
        %get3A_761 = vector.shape_cast %get3A_760 : vector<16xi32> to vector<16xi32>
        %dma_start3A_762 = arith.constant 96 : i32
        %dma_start3A_763 = arith.constant 0 : i32
        %dma_start3A_764 = tpu.memref_slice %arg11[%dma_start3A_762, %dma_start3A_763] : memref<208x64xf32, #tpu.memory_space<vmem>> -> memref<16x64xf32, #tpu.memory_space<vmem>>
        %dma_start3A_765 = arith.constant 0 : i32
        %dma_start3A_766 = arith.constant 0 : i32
        %dma_start3A_767 = tpu.memref_slice %arg4[%dma_start3A_765, %dma_start3A_766] : memref<1000000x64xf32, #tpu.memory_space<hbm>> -> memref<1000000x64xf32, #tpu.memory_space<hbm>>
        tpu.enqueue_indirect_dma source(%dma_start3A_767 : memref<1000000x64xf32, #tpu.memory_space<hbm>>) target(%dma_start3A_764 : memref<16x64xf32, #tpu.memory_space<vmem>>) offsets(%get3A_761 : vector<16xi32>) semaphore(%arg15 : memref<!tpu.dma_semaphore, #tpu.memory_space<semaphore_mem>>)
        %mul3A_768 = arith.constant 200 : i32
        %mul3A_769 = arith.muli %add3A_676, %mul3A_768 : i32
        %add3A_770 = arith.constant 112 : i32
        %add3A_771 = arith.addi %mul3A_769, %add3A_770 : i32
        %get3A_772 = arith.index_cast %add3A_771 : i32 to index
        %get3A_773 = tpu.vector_load %arg9[%get3A_772] {strides = array<i32>} : memref<25600xi32, #tpu.memory_space<vmem>>, vector<16xi32>,
        %get3A_774 = vector.shape_cast %get3A_773 : vector<16xi32> to vector<16xi32>
        %dma_start3A_775 = arith.constant 112 : i32
        %dma_start3A_776 = arith.constant 0 : i32
        %dma_start3A_777 = tpu.memref_slice %arg11[%dma_start3A_775, %dma_start3A_776] : memref<208x64xf32, #tpu.memory_space<vmem>> -> memref<16x64xf32, #tpu.memory_space<vmem>>
        %dma_start3A_778 = arith.constant 0 : i32
        %dma_start3A_779 = arith.constant 0 : i32
        %dma_start3A_780 = tpu.memref_slice %arg4[%dma_start3A_778, %dma_start3A_779] : memref<1000000x64xf32, #tpu.memory_space<hbm>> -> memref<1000000x64xf32, #tpu.memory_space<hbm>>
        tpu.enqueue_indirect_dma source(%dma_start3A_780 : memref<1000000x64xf32, #tpu.memory_space<hbm>>) target(%dma_start3A_777 : memref<16x64xf32, #tpu.memory_space<vmem>>) offsets(%get3A_774 : vector<16xi32>) semaphore(%arg15 : memref<!tpu.dma_semaphore, #tpu.memory_space<semaphore_mem>>)
        %mul3A_781 = arith.constant 200 : i32
        %mul3A_782 = arith.muli %add3A_676, %mul3A_781 : i32
        %add3A_783 = arith.constant 128 : i32
        %add3A_784 = arith.addi %mul3A_782, %add3A_783 : i32
        %get3A_785 = arith.index_cast %add3A_784 : i32 to index
        %get3A_786 = tpu.vector_load %arg9[%get3A_785] {strides = array<i32>} : memref<25600xi32, #tpu.memory_space<vmem>>, vector<16xi32>,
        %get3A_787 = vector.shape_cast %get3A_786 : vector<16xi32> to vector<16xi32>
        %dma_start3A_788 = arith.constant 128 : i32
        %dma_start3A_789 = arith.constant 0 : i32
        %dma_start3A_790 = tpu.memref_slice %arg11[%dma_start3A_788, %dma_start3A_789] : memref<208x64xf32, #tpu.memory_space<vmem>> -> memref<16x64xf32, #tpu.memory_space<vmem>>
        %dma_start3A_791 = arith.constant 0 : i32
        %dma_start3A_792 = arith.constant 0 : i32
        %dma_start3A_793 = tpu.memref_slice %arg4[%dma_start3A_791, %dma_start3A_792] : memref<1000000x64xf32, #tpu.memory_space<hbm>> -> memref<1000000x64xf32, #tpu.memory_space<hbm>>
        tpu.enqueue_indirect_dma source(%dma_start3A_793 : memref<1000000x64xf32, #tpu.memory_space<hbm>>) target(%dma_start3A_790 : memref<16x64xf32, #tpu.memory_space<vmem>>) offsets(%get3A_787 : vector<16xi32>) semaphore(%arg15 : memref<!tpu.dma_semaphore, #tpu.memory_space<semaphore_mem>>)
        %mul3A_794 = arith.constant 200 : i32
        %mul3A_795 = arith.muli %add3A_676, %mul3A_794 : i32
        %add3A_796 = arith.constant 144 : i32
        %add3A_797 = arith.addi %mul3A_795, %add3A_796 : i32
        %get3A_798 = arith.index_cast %add3A_797 : i32 to index
        %get3A_799 = tpu.vector_load %arg9[%get3A_798] {strides = array<i32>} : memref<25600xi32, #tpu.memory_space<vmem>>, vector<16xi32>,
        %get3A_800 = vector.shape_cast %get3A_799 : vector<16xi32> to vector<16xi32>
        %dma_start3A_801 = arith.constant 144 : i32
        %dma_start3A_802 = arith.constant 0 : i32
        %dma_start3A_803 = tpu.memref_slice %arg11[%dma_start3A_801, %dma_start3A_802] : memref<208x64xf32, #tpu.memory_space<vmem>> -> memref<16x64xf32, #tpu.memory_space<vmem>>
        %dma_start3A_804 = arith.constant 0 : i32
        %dma_start3A_805 = arith.constant 0 : i32
        %dma_start3A_806 = tpu.memref_slice %arg4[%dma_start3A_804, %dma_start3A_805] : memref<1000000x64xf32, #tpu.memory_space<hbm>> -> memref<1000000x64xf32, #tpu.memory_space<hbm>>
        tpu.enqueue_indirect_dma source(%dma_start3A_806 : memref<1000000x64xf32, #tpu.memory_space<hbm>>) target(%dma_start3A_803 : memref<16x64xf32, #tpu.memory_space<vmem>>) offsets(%get3A_800 : vector<16xi32>) semaphore(%arg15 : memref<!tpu.dma_semaphore, #tpu.memory_space<semaphore_mem>>)
        %mul3A_807 = arith.constant 200 : i32
        %mul3A_808 = arith.muli %add3A_676, %mul3A_807 : i32
        %add3A_809 = arith.constant 160 : i32
        %add3A_810 = arith.addi %mul3A_808, %add3A_809 : i32
        %get3A_811 = arith.index_cast %add3A_810 : i32 to index
        %get3A_812 = tpu.vector_load %arg9[%get3A_811] {strides = array<i32>} : memref<25600xi32, #tpu.memory_space<vmem>>, vector<16xi32>,
        %get3A_813 = vector.shape_cast %get3A_812 : vector<16xi32> to vector<16xi32>
        %dma_start3A_814 = arith.constant 160 : i32
        %dma_start3A_815 = arith.constant 0 : i32
        %dma_start3A_816 = tpu.memref_slice %arg11[%dma_start3A_814, %dma_start3A_815] : memref<208x64xf32, #tpu.memory_space<vmem>> -> memref<16x64xf32, #tpu.memory_space<vmem>>
        %dma_start3A_817 = arith.constant 0 : i32
        %dma_start3A_818 = arith.constant 0 : i32
        %dma_start3A_819 = tpu.memref_slice %arg4[%dma_start3A_817, %dma_start3A_818] : memref<1000000x64xf32, #tpu.memory_space<hbm>> -> memref<1000000x64xf32, #tpu.memory_space<hbm>>
        tpu.enqueue_indirect_dma source(%dma_start3A_819 : memref<1000000x64xf32, #tpu.memory_space<hbm>>) target(%dma_start3A_816 : memref<16x64xf32, #tpu.memory_space<vmem>>) offsets(%get3A_813 : vector<16xi32>) semaphore(%arg15 : memref<!tpu.dma_semaphore, #tpu.memory_space<semaphore_mem>>)
        %mul3A_820 = arith.constant 200 : i32
        %mul3A_821 = arith.muli %add3A_676, %mul3A_820 : i32
        %add3A_822 = arith.constant 176 : i32
        %add3A_823 = arith.addi %mul3A_821, %add3A_822 : i32
        %get3A_824 = arith.index_cast %add3A_823 : i32 to index
        %get3A_825 = tpu.vector_load %arg9[%get3A_824] {strides = array<i32>} : memref<25600xi32, #tpu.memory_space<vmem>>, vector<16xi32>,
        %get3A_826 = vector.shape_cast %get3A_825 : vector<16xi32> to vector<16xi32>
        %dma_start3A_827 = arith.constant 176 : i32
        %dma_start3A_828 = arith.constant 0 : i32
        %dma_start3A_829 = tpu.memref_slice %arg11[%dma_start3A_827, %dma_start3A_828] : memref<208x64xf32, #tpu.memory_space<vmem>> -> memref<16x64xf32, #tpu.memory_space<vmem>>
        %dma_start3A_830 = arith.constant 0 : i32
        %dma_start3A_831 = arith.constant 0 : i32
        %dma_start3A_832 = tpu.memref_slice %arg4[%dma_start3A_830, %dma_start3A_831] : memref<1000000x64xf32, #tpu.memory_space<hbm>> -> memref<1000000x64xf32, #tpu.memory_space<hbm>>
        tpu.enqueue_indirect_dma source(%dma_start3A_832 : memref<1000000x64xf32, #tpu.memory_space<hbm>>) target(%dma_start3A_829 : memref<16x64xf32, #tpu.memory_space<vmem>>) offsets(%get3A_826 : vector<16xi32>) semaphore(%arg15 : memref<!tpu.dma_semaphore, #tpu.memory_space<semaphore_mem>>)
        %mul3A_833 = arith.constant 200 : i32
        %mul3A_834 = arith.muli %add3A_676, %mul3A_833 : i32
        %add3A_835 = arith.constant 184 : i32
        %add3A_836 = arith.addi %mul3A_834, %add3A_835 : i32
        %get3A_837 = arith.index_cast %add3A_836 : i32 to index
        %get3A_838 = tpu.vector_load %arg9[%get3A_837] {strides = array<i32>} : memref<25600xi32, #tpu.memory_space<vmem>>, vector<16xi32>,
        %get3A_839 = vector.shape_cast %get3A_838 : vector<16xi32> to vector<16xi32>
        %dma_start3A_840 = arith.constant 184 : i32
        %dma_start3A_841 = arith.constant 0 : i32
        %dma_start3A_842 = tpu.memref_slice %arg11[%dma_start3A_840, %dma_start3A_841] : memref<208x64xf32, #tpu.memory_space<vmem>> -> memref<16x64xf32, #tpu.memory_space<vmem>>
        %dma_start3A_843 = arith.constant 0 : i32
        %dma_start3A_844 = arith.constant 0 : i32
        %dma_start3A_845 = tpu.memref_slice %arg4[%dma_start3A_843, %dma_start3A_844] : memref<1000000x64xf32, #tpu.memory_space<hbm>> -> memref<1000000x64xf32, #tpu.memory_space<hbm>>
        tpu.enqueue_indirect_dma source(%dma_start3A_845 : memref<1000000x64xf32, #tpu.memory_space<hbm>>) target(%dma_start3A_842 : memref<16x64xf32, #tpu.memory_space<vmem>>) offsets(%get3A_839 : vector<16xi32>) semaphore(%arg15 : memref<!tpu.dma_semaphore, #tpu.memory_space<semaphore_mem>>)
      } else {
      }
      %and3A_635 = arith.constant -16 : i32
      %and3A_636 = arith.andi %add3A_615, %and3A_635 : i32
      %get3A_637 = arith.index_cast %and3A_636 : i32 to index
      %get3A_638 = tpu.vector_load %arg7[%get3A_637] {strides = array<i32>} : memref<144xi32, #tpu.memory_space<vmem>>, vector<16xi32>,
      %get3A_639 = vector.shape_cast %get3A_638 : vector<16xi32> to vector<16xi32>
      %sub3A_640 = arith.subi %add3A_615, %and3A_636 : i32
      %add3A_641 = vector.broadcast %sub3A_640 : i32 to vector<16xi32>
      %add3A_642 = arith.addi %broadcast_in_dim3A_5, %add3A_641 : vector<16xi32>
      %lt3A_643 = arith.constant 0 : i32
      %lt3A_644 = vector.broadcast %lt3A_643 : i32 to vector<16xi32>
      %lt3A_645 = arith.cmpi slt, %add3A_642, %lt3A_644 : vector<16xi32>
      %add3A_646 = arith.constant 16 : i32
      %add3A_647 = vector.broadcast %add3A_646 : i32 to vector<16xi32>
      %add3A_648 = arith.addi %add3A_642, %add3A_647 : vector<16xi32>
      %select_n3A_649 = arith.select %lt3A_645, %add3A_648, %add3A_642 : vector<16xi1>, vector<16xi32>
      %broadcast_in_dim3A_650 = vector.shape_cast %select_n3A_649 : vector<16xi32> to vector<16x1xi32>
      %gather3A_651 = vector.shape_cast %broadcast_in_dim3A_650 : vector<16x1xi32> to vector<16xi32>
      %gather3A_652 = tpu.dynamic_gather %get3A_639[%gather3A_651] in [0] : vector<16xi32>, vector<16xi32> -> vector<16xi32>
      %parallel_loop3A_653 = arith.constant 0 : i32
      %parallel_loop3A_654 = arith.constant 200 : i32
      %parallel_loop3A_655 = arith.constant 1 : i32
      scf.for %parallel_loop3A_671 = %parallel_loop3A_653 to %parallel_loop3A_654 step %parallel_loop3A_655  : i32 {
        %parallel_loop3A_672 = vector.broadcast %parallel_loop3A_671 : i32 to vector<16xi32>
        %parallel_loop3A_673 = arith.addi %broadcast_in_dim3A_5, %parallel_loop3A_672 : vector<16xi32>
        %parallel_loop3A_674 = arith.cmpi slt, %parallel_loop3A_673, %gather3A_652 : vector<16xi32>
        %parallel_loop3A_675 = arith.constant 8.000000e+00 : f32
        %parallel_loop3A_676 = arith.constant 0.000000e+00 : f32
        %parallel_loop3A_677 = vector.broadcast %parallel_loop3A_675 : f32 to vector<16xf32>
        %parallel_loop3A_678 = vector.broadcast %parallel_loop3A_676 : f32 to vector<16xf32>
        %parallel_loop3A_679 = arith.select %parallel_loop3A_674, %parallel_loop3A_677, %parallel_loop3A_678 : vector<16xi1>, vector<16xf32>
        %parallel_loop3A_680 = arith.index_cast %parallel_loop3A_671 : i32 to index
        %parallel_loop3A_681 = arith.constant 0 : index
        %parallel_loop3A_682 = tpu.vector_load %arg13[%parallel_loop3A_680, %parallel_loop3A_681] {strides = array<i32>} : memref<208x64xf32, #tpu.memory_space<vmem>>, vector<1x16xf32>,
        %parallel_loop3A_683 = vector.shape_cast %parallel_loop3A_682 : vector<1x16xf32> to vector<16xf32>
        %parallel_loop3A_684 = arith.index_cast %parallel_loop3A_671 : i32 to index
        %parallel_loop3A_685 = arith.constant 0 : index
        %parallel_loop3A_686 = tpu.vector_load %arg8[%parallel_loop3A_684, %parallel_loop3A_685] {strides = array<i32>} : memref<200x64xf32, #tpu.memory_space<vmem>>, vector<1x16xf32>,
        %parallel_loop3A_687 = vector.shape_cast %parallel_loop3A_686 : vector<1x16xf32> to vector<16xf32>
        %parallel_loop3A_688 = arith.addf %parallel_loop3A_683, %parallel_loop3A_687 : vector<16xf32>
        %parallel_loop3A_689 = arith.mulf %parallel_loop3A_688, %parallel_loop3A_679 : vector<16xf32>
        %parallel_loop3A_690 = arith.index_cast %parallel_loop3A_671 : i32 to index
        %parallel_loop3A_691 = arith.constant 0 : index
        %parallel_loop3A_692 = tpu.vector_load %arg13[%parallel_loop3A_690, %parallel_loop3A_691] {strides = array<i32>} : memref<208x64xf32, #tpu.memory_space<vmem>>, vector<1x16xf32>,
        %parallel_loop3A_693 = vector.shape_cast %parallel_loop3A_692 : vector<1x16xf32> to vector<16xf32>
        %parallel_loop3A_694 = vector.shape_cast %parallel_loop3A_689 : vector<16xf32> to vector<1x16xf32>
        tpu.vector_store %arg13[%parallel_loop3A_690, %parallel_loop3A_691], %parallel_loop3A_694 {strides = array<i32>} : memref<208x64xf32, #tpu.memory_space<vmem>>, vector<1x16xf32>,
        %parallel_loop3A_695 = arith.index_cast %parallel_loop3A_671 : i32 to index
        %parallel_loop3A_696 = arith.constant 16 : index
        %parallel_loop3A_697 = tpu.vector_load %arg13[%parallel_loop3A_695, %parallel_loop3A_696] {strides = array<i32>} : memref<208x64xf32, #tpu.memory_space<vmem>>, vector<1x16xf32>,
        %parallel_loop3A_698 = vector.shape_cast %parallel_loop3A_697 : vector<1x16xf32> to vector<16xf32>
        %parallel_loop3A_699 = arith.index_cast %parallel_loop3A_671 : i32 to index
        %parallel_loop3A_700 = arith.constant 16 : index
        %parallel_loop3A_701 = tpu.vector_load %arg8[%parallel_loop3A_699, %parallel_loop3A_700] {strides = array<i32>} : memref<200x64xf32, #tpu.memory_space<vmem>>, vector<1x16xf32>,
        %parallel_loop3A_702 = vector.shape_cast %parallel_loop3A_701 : vector<1x16xf32> to vector<16xf32>
        %parallel_loop3A_703 = arith.addf %parallel_loop3A_698, %parallel_loop3A_702 : vector<16xf32>
        %parallel_loop3A_704 = arith.mulf %parallel_loop3A_703, %parallel_loop3A_679 : vector<16xf32>
        %parallel_loop3A_705 = arith.index_cast %parallel_loop3A_671 : i32 to index
        %parallel_loop3A_706 = arith.constant 16 : index
        %parallel_loop3A_707 = tpu.vector_load %arg13[%parallel_loop3A_705, %parallel_loop3A_706] {strides = array<i32>} : memref<208x64xf32, #tpu.memory_space<vmem>>, vector<1x16xf32>,
        %parallel_loop3A_708 = vector.shape_cast %parallel_loop3A_707 : vector<1x16xf32> to vector<16xf32>
        %parallel_loop3A_709 = vector.shape_cast %parallel_loop3A_704 : vector<16xf32> to vector<1x16xf32>
        tpu.vector_store %arg13[%parallel_loop3A_705, %parallel_loop3A_706], %parallel_loop3A_709 {strides = array<i32>} : memref<208x64xf32, #tpu.memory_space<vmem>>, vector<1x16xf32>,
        %parallel_loop3A_710 = arith.index_cast %parallel_loop3A_671 : i32 to index
        %parallel_loop3A_711 = arith.constant 32 : index
        %parallel_loop3A_712 = tpu.vector_load %arg13[%parallel_loop3A_710, %parallel_loop3A_711] {strides = array<i32>} : memref<208x64xf32, #tpu.memory_space<vmem>>, vector<1x16xf32>,
        %parallel_loop3A_713 = vector.shape_cast %parallel_loop3A_712 : vector<1x16xf32> to vector<16xf32>
        %parallel_loop3A_714 = arith.index_cast %parallel_loop3A_671 : i32 to index
        %parallel_loop3A_715 = arith.constant 32 : index
        %parallel_loop3A_716 = tpu.vector_load %arg8[%parallel_loop3A_714, %parallel_loop3A_715] {strides = array<i32>} : memref<200x64xf32, #tpu.memory_space<vmem>>, vector<1x16xf32>,
        %parallel_loop3A_717 = vector.shape_cast %parallel_loop3A_716 : vector<1x16xf32> to vector<16xf32>
        %parallel_loop3A_718 = arith.addf %parallel_loop3A_713, %parallel_loop3A_717 : vector<16xf32>
        %parallel_loop3A_719 = arith.mulf %parallel_loop3A_718, %parallel_loop3A_679 : vector<16xf32>
        %parallel_loop3A_720 = arith.index_cast %parallel_loop3A_671 : i32 to index
        %parallel_loop3A_721 = arith.constant 32 : index
        %parallel_loop3A_722 = tpu.vector_load %arg13[%parallel_loop3A_720, %parallel_loop3A_721] {strides = array<i32>} : memref<208x64xf32, #tpu.memory_space<vmem>>, vector<1x16xf32>,
        %parallel_loop3A_723 = vector.shape_cast %parallel_loop3A_722 : vector<1x16xf32> to vector<16xf32>
        %parallel_loop3A_724 = vector.shape_cast %parallel_loop3A_719 : vector<16xf32> to vector<1x16xf32>
        tpu.vector_store %arg13[%parallel_loop3A_720, %parallel_loop3A_721], %parallel_loop3A_724 {strides = array<i32>} : memref<208x64xf32, #tpu.memory_space<vmem>>, vector<1x16xf32>,
        %parallel_loop3A_725 = arith.index_cast %parallel_loop3A_671 : i32 to index
        %parallel_loop3A_726 = arith.constant 48 : index
        %parallel_loop3A_727 = tpu.vector_load %arg13[%parallel_loop3A_725, %parallel_loop3A_726] {strides = array<i32>} : memref<208x64xf32, #tpu.memory_space<vmem>>, vector<1x16xf32>,
        %parallel_loop3A_728 = vector.shape_cast %parallel_loop3A_727 : vector<1x16xf32> to vector<16xf32>
        %parallel_loop3A_729 = arith.index_cast %parallel_loop3A_671 : i32 to index
        %parallel_loop3A_730 = arith.constant 48 : index
        %parallel_loop3A_731 = tpu.vector_load %arg8[%parallel_loop3A_729, %parallel_loop3A_730] {strides = array<i32>} : memref<200x64xf32, #tpu.memory_space<vmem>>, vector<1x16xf32>,
        %parallel_loop3A_732 = vector.shape_cast %parallel_loop3A_731 : vector<1x16xf32> to vector<16xf32>
        %parallel_loop3A_733 = arith.addf %parallel_loop3A_728, %parallel_loop3A_732 : vector<16xf32>
        %parallel_loop3A_734 = arith.mulf %parallel_loop3A_733, %parallel_loop3A_679 : vector<16xf32>
        %parallel_loop3A_735 = arith.index_cast %parallel_loop3A_671 : i32 to index
        %parallel_loop3A_736 = arith.constant 48 : index
        %parallel_loop3A_737 = tpu.vector_load %arg13[%parallel_loop3A_735, %parallel_loop3A_736] {strides = array<i32>} : memref<208x64xf32, #tpu.memory_space<vmem>>, vector<1x16xf32>,
        %parallel_loop3A_738 = vector.shape_cast %parallel_loop3A_737 : vector<1x16xf32> to vector<16xf32>
        %parallel_loop3A_739 = vector.shape_cast %parallel_loop3A_734 : vector<16xf32> to vector<1x16xf32>
        tpu.vector_store %arg13[%parallel_loop3A_735, %parallel_loop3A_736], %parallel_loop3A_739 {strides = array<i32>} : memref<208x64xf32, #tpu.memory_space<vmem>>, vector<1x16xf32>,
      } {sc.loop_unroll_factor = 2 : i64, sc.parallel_access}
      %add3A_656 = arith.addi %mul3A_2, %add3A_615 : i32
      %dma_start3A_657 = arith.constant 0 : i32
      %dma_start3A_658 = arith.constant 0 : i32
      %dma_start3A_659 = tpu.memref_slice %arg13[%dma_start3A_657, %dma_start3A_658] : memref<208x64xf32, #tpu.memory_space<vmem>> -> memref<200x64xf32, #tpu.memory_space<vmem>>
      %dma_start3A_660 = arith.constant 0 : i32
      %dma_start3A_661 = arith.constant 0 : i32
      %dma_start3A_662 = tpu.memref_slice %arg6[%add3A_656, %dma_start3A_660, %dma_start3A_661] : memref<4096x200x64xf32, #tpu.memory_space<hbm>> -> memref<1x200x64xf32, #tpu.memory_space<hbm>>
      %dma_start3A_663 = tpu.memref_squeeze %dma_start3A_662 : memref<1x200x64xf32, #tpu.memory_space<hbm>> -> memref<200x64xf32, #tpu.memory_space<hbm>>
      %dma_start3A_664 = arith.constant 0 : i32
      %dma_start3A_665 = arith.constant 0 : i32
      %dma_start3A_666 = tpu.memref_slice %arg6[%add3A_656, %dma_start3A_664, %dma_start3A_665] : memref<4096x200x64xf32, #tpu.memory_space<hbm>> -> memref<1x200x64xf32, #tpu.memory_space<hbm>>
      %dma_start3A_667 = tpu.memref_squeeze %dma_start3A_666 : memref<1x200x64xf32, #tpu.memory_space<hbm>> -> memref<200x64xf32, #tpu.memory_space<hbm>>
      %dma_start3A_668 = arith.constant 0 : i32
      %dma_start3A_669 = arith.constant 0 : i32
      %dma_start3A_670 = tpu.memref_slice %arg13[%dma_start3A_668, %dma_start3A_669] : memref<208x64xf32, #tpu.memory_space<vmem>> -> memref<200x64xf32, #tpu.memory_space<vmem>>
      tpu.enqueue_dma source(%dma_start3A_670 : memref<200x64xf32, #tpu.memory_space<vmem>>) target(%dma_start3A_667 : memref<200x64xf32, #tpu.memory_space<hbm>>) target_semaphore(%arg21 : memref<!tpu.dma_semaphore, #tpu.memory_space<semaphore_mem>>)
    }
    %scan3A_378 = arith.constant 32 : i32
    %add3A_379 = arith.constant 124 : i32
    %add3A_380 = arith.addi %mul3A_2, %add3A_379 : i32
    %dma_wait3A = arith.constant 0 : i32
    %dma_wait3A_381 = arith.constant 0 : i32
    %dma_wait3A_382 = tpu.memref_slice %arg10[%dma_wait3A, %dma_wait3A_381] : memref<208x64xf32, #tpu.memory_space<vmem>> -> memref<200x64xf32, #tpu.memory_space<vmem>>
    %dma_wait3A_383 = arith.constant 0 : i32
    %dma_wait3A_384 = arith.constant 0 : i32
    %dma_wait3A_385 = tpu.memref_slice %arg6[%add3A_380, %dma_wait3A_383, %dma_wait3A_384] : memref<4096x200x64xf32, #tpu.memory_space<hbm>> -> memref<1x200x64xf32, #tpu.memory_space<hbm>>
    %dma_wait3A_386 = tpu.memref_squeeze %dma_wait3A_385 : memref<1x200x64xf32, #tpu.memory_space<hbm>> -> memref<200x64xf32, #tpu.memory_space<hbm>>
    %dma_wait3A_387 = arith.constant 0 : i32
    %dma_wait3A_388 = arith.constant 0 : i32
    %dma_wait3A_389 = tpu.memref_slice %arg6[%add3A_380, %dma_wait3A_387, %dma_wait3A_388] : memref<4096x200x64xf32, #tpu.memory_space<hbm>> -> memref<1x200x64xf32, #tpu.memory_space<hbm>>
    %dma_wait3A_390 = tpu.memref_squeeze %dma_wait3A_389 : memref<1x200x64xf32, #tpu.memory_space<hbm>> -> memref<200x64xf32, #tpu.memory_space<hbm>>
    %dma_wait3A_391 = arith.constant 0 : i32
    %dma_wait3A_392 = arith.constant 0 : i32
    %dma_wait3A_393 = tpu.memref_slice %arg10[%dma_wait3A_391, %dma_wait3A_392] : memref<208x64xf32, #tpu.memory_space<vmem>> -> memref<200x64xf32, #tpu.memory_space<vmem>>
    tpu.wait_dma2 semaphore(%arg18 : memref<!tpu.dma_semaphore, #tpu.memory_space<semaphore_mem>>) src(%dma_wait3A_393 : memref<200x64xf32, #tpu.memory_space<vmem>>) dst(%dma_wait3A_390 : memref<200x64xf32, #tpu.memory_space<hbm>>)
    %add3A_394 = arith.constant 125 : i32
    %add3A_395 = arith.addi %mul3A_2, %add3A_394 : i32
    %dma_wait3A_396 = arith.constant 0 : i32
    %dma_wait3A_397 = arith.constant 0 : i32
    %dma_wait3A_398 = tpu.memref_slice %arg11[%dma_wait3A_396, %dma_wait3A_397] : memref<208x64xf32, #tpu.memory_space<vmem>> -> memref<200x64xf32, #tpu.memory_space<vmem>>
    %dma_wait3A_399 = arith.constant 0 : i32
    %dma_wait3A_400 = arith.constant 0 : i32
    %dma_wait3A_401 = tpu.memref_slice %arg6[%add3A_395, %dma_wait3A_399, %dma_wait3A_400] : memref<4096x200x64xf32, #tpu.memory_space<hbm>> -> memref<1x200x64xf32, #tpu.memory_space<hbm>>
    %dma_wait3A_402 = tpu.memref_squeeze %dma_wait3A_401 : memref<1x200x64xf32, #tpu.memory_space<hbm>> -> memref<200x64xf32, #tpu.memory_space<hbm>>
    %dma_wait3A_403 = arith.constant 0 : i32
    %dma_wait3A_404 = arith.constant 0 : i32
    %dma_wait3A_405 = tpu.memref_slice %arg6[%add3A_395, %dma_wait3A_403, %dma_wait3A_404] : memref<4096x200x64xf32, #tpu.memory_space<hbm>> -> memref<1x200x64xf32, #tpu.memory_space<hbm>>
    %dma_wait3A_406 = tpu.memref_squeeze %dma_wait3A_405 : memref<1x200x64xf32, #tpu.memory_space<hbm>> -> memref<200x64xf32, #tpu.memory_space<hbm>>
    %dma_wait3A_407 = arith.constant 0 : i32
    %dma_wait3A_408 = arith.constant 0 : i32
    %dma_wait3A_409 = tpu.memref_slice %arg11[%dma_wait3A_407, %dma_wait3A_408] : memref<208x64xf32, #tpu.memory_space<vmem>> -> memref<200x64xf32, #tpu.memory_space<vmem>>
    tpu.wait_dma2 semaphore(%arg19 : memref<!tpu.dma_semaphore, #tpu.memory_space<semaphore_mem>>) src(%dma_wait3A_409 : memref<200x64xf32, #tpu.memory_space<vmem>>) dst(%dma_wait3A_406 : memref<200x64xf32, #tpu.memory_space<hbm>>)
    %add3A_410 = arith.constant 126 : i32
    %add3A_411 = arith.addi %mul3A_2, %add3A_410 : i32
    %dma_wait3A_412 = arith.constant 0 : i32
    %dma_wait3A_413 = arith.constant 0 : i32
    %dma_wait3A_414 = tpu.memref_slice %arg12[%dma_wait3A_412, %dma_wait3A_413] : memref<208x64xf32, #tpu.memory_space<vmem>> -> memref<200x64xf32, #tpu.memory_space<vmem>>
    %dma_wait3A_415 = arith.constant 0 : i32
    %dma_wait3A_416 = arith.constant 0 : i32
    %dma_wait3A_417 = tpu.memref_slice %arg6[%add3A_411, %dma_wait3A_415, %dma_wait3A_416] : memref<4096x200x64xf32, #tpu.memory_space<hbm>> -> memref<1x200x64xf32, #tpu.memory_space<hbm>>
    %dma_wait3A_418 = tpu.memref_squeeze %dma_wait3A_417 : memref<1x200x64xf32, #tpu.memory_space<hbm>> -> memref<200x64xf32, #tpu.memory_space<hbm>>
    %dma_wait3A_419 = arith.constant 0 : i32
    %dma_wait3A_420 = arith.constant 0 : i32
    %dma_wait3A_421 = tpu.memref_slice %arg6[%add3A_411, %dma_wait3A_419, %dma_wait3A_420] : memref<4096x200x64xf32, #tpu.memory_space<hbm>> -> memref<1x200x64xf32, #tpu.memory_space<hbm>>
    %dma_wait3A_422 = tpu.memref_squeeze %dma_wait3A_421 : memref<1x200x64xf32, #tpu.memory_space<hbm>> -> memref<200x64xf32, #tpu.memory_space<hbm>>
    %dma_wait3A_423 = arith.constant 0 : i32
    %dma_wait3A_424 = arith.constant 0 : i32
    %dma_wait3A_425 = tpu.memref_slice %arg12[%dma_wait3A_423, %dma_wait3A_424] : memref<208x64xf32, #tpu.memory_space<vmem>> -> memref<200x64xf32, #tpu.memory_space<vmem>>
    tpu.wait_dma2 semaphore(%arg20 : memref<!tpu.dma_semaphore, #tpu.memory_space<semaphore_mem>>) src(%dma_wait3A_425 : memref<200x64xf32, #tpu.memory_space<vmem>>) dst(%dma_wait3A_422 : memref<200x64xf32, #tpu.memory_space<hbm>>)
    %add3A_426 = arith.constant 127 : i32
    %add3A_427 = arith.addi %mul3A_2, %add3A_426 : i32
    %dma_wait3A_428 = arith.constant 0 : i32
    %dma_wait3A_429 = arith.constant 0 : i32
    %dma_wait3A_430 = tpu.memref_slice %arg13[%dma_wait3A_428, %dma_wait3A_429] : memref<208x64xf32, #tpu.memory_space<vmem>> -> memref<200x64xf32, #tpu.memory_space<vmem>>
    %dma_wait3A_431 = arith.constant 0 : i32
    %dma_wait3A_432 = arith.constant 0 : i32
    %dma_wait3A_433 = tpu.memref_slice %arg6[%add3A_427, %dma_wait3A_431, %dma_wait3A_432] : memref<4096x200x64xf32, #tpu.memory_space<hbm>> -> memref<1x200x64xf32, #tpu.memory_space<hbm>>
    %dma_wait3A_434 = tpu.memref_squeeze %dma_wait3A_433 : memref<1x200x64xf32, #tpu.memory_space<hbm>> -> memref<200x64xf32, #tpu.memory_space<hbm>>
    %dma_wait3A_435 = arith.constant 0 : i32
    %dma_wait3A_436 = arith.constant 0 : i32
    %dma_wait3A_437 = tpu.memref_slice %arg6[%add3A_427, %dma_wait3A_435, %dma_wait3A_436] : memref<4096x200x64xf32, #tpu.memory_space<hbm>> -> memref<1x200x64xf32, #tpu.memory_space<hbm>>
    %dma_wait3A_438 = tpu.memref_squeeze %dma_wait3A_437 : memref<1x200x64xf32, #tpu.memory_space<hbm>> -> memref<200x64xf32, #tpu.memory_space<hbm>>
    %dma_wait3A_439 = arith.constant 0 : i32
    %dma_wait3A_440 = arith.constant 0 : i32
    %dma_wait3A_441 = tpu.memref_slice %arg13[%dma_wait3A_439, %dma_wait3A_440] : memref<208x64xf32, #tpu.memory_space<vmem>> -> memref<200x64xf32, #tpu.memory_space<vmem>>
    tpu.wait_dma2 semaphore(%arg21 : memref<!tpu.dma_semaphore, #tpu.memory_space<semaphore_mem>>) src(%dma_wait3A_441 : memref<200x64xf32, #tpu.memory_space<vmem>>) dst(%dma_wait3A_438 : memref<200x64xf32, #tpu.memory_space<hbm>>)
    return
  }
}

</mosaic_0001>

<sc_bundles>
// kernel: kernel.3.cloned.1.call-start
scs
__scs_entry_jumppad:
0x0: {  	(pc) =	sbr.rel $0x88, $3  }
0x1: {  	(tag) =	ssettag $0x0;
	lr =	simm.s32 $0x1  }
0x2: {  	[smem:$0x3F9D] =	sst lr;
	_ =	strace $0xD0000000  }
0x3: {  	_ = 	snop  }
0x4: {  	_ = 	snop  }
0x5: {  	_ = 	snop  }
0x6: {  	_ = 	snop  }
0x7: {  	_ = 	snop  }
__scs_overlays_trampoline_lowered:
0x8: {  	[smem:$0x3FAC] =	sst s0  }
0x9: {  	[smem:$0x3FAD] =	sst s1  }
0xa: {  	[smem:$0x3FAE] =	sst s2  }
0xb: {  	[smem:$0x3FAF] =	sst s3  }
0xc: {  	[smem:$0x3FB0] =	sst s4  }
0xd: {  	[smem:$0x3FB1] =	sst s5  }
0xe: {  	[smem:$0x3FB2] =	sst s6  }
0xf: {  	[smem:$0x3FB3] =	sst s7  }
0x10: {  	[smem:$0x3FB4] =	sst s8  }
0x11: {  	[smem:$0x3FB5] =	sst s9;
	s0 =	simm.s32 @!p0 $0x0  }
0x12: {  	s1 =	sld [smem:$0x3F9B];
	s0 =	simm.s32 @p0 $0x1  }
0x13: {  	[smem:$0x3FB6] =	sst s0;
	s0 =	simm.s32 @!p1 $0x0  }
0x14: {  	s2 =	sld [smem:$0x3F9A];
	s0 =	simm.s32 @p1 $0x1  }
0x15: {  	[smem:$0x3FB7] =	sst s0;
	s0 =	simm.s32 @!p2 $0x0  }
0x16: {  	s3 =	sld [smem:$0x3FDB];
	s0 =	simm.s32 @p2 $0x1  }
0x17: {  	s4 =	simm.s32 $0x1BF5;
	[smem:$0x3FB9] =	sst s0  }
0x18: {  	s0 =	sld [smem:$0x3F9C];
	_ =	swait.ge [sflag:s4], $0x0  }
0x19: {  	s7 =	sld [smem:$0x3F9D]  }
0x1a: {  	s8 =	sadd.s32 $0xFFFFE003, lr  }
0x1b: {  	s9 =	sadd.s32 $0xFFFFFEF7, lr;
	s5 =	simm.s32 $0xFFFFFFFF;
	p2 =	slt.u32 s8, $0xFFFFF086  }
0x1c: {  	p1 =	slt.u32 s9, $0xF7A;
	s5 =	simm.s32 @!p2 $0x0  }
0x1d: {  	s5 =	simm.s32 @p1 $0x1;
	p0 =	seq.s32 s7, s2  }
0x1e: {  	s7 =	smul.u32 @!p0 $0xF7A, s2;
	p2 =	seq.s32 @!p0 s5, $0x0  }
0x1f: {  	s9 =	smul.u32 $0xF7A, s1;
	s8 =	simm.s32 @!p0 $0x1BF5;
	p2 =	por !p2, p0  }
0x20: {  	[sflag:s8] =	ssyncset.s32 @!p0 $0xFFFFF086;
	s6 =	sadd.s32 @!p0 s3, s7;
	s7 =	simm.s32 @!p0 $0x108  }
0x21: {  	s3 =	sadd.s32 s3, s9;
	s6 =	sadd.s32 @!p0 $0x88, s6;
	s7 =	simm.s32 @p2 $0x1082  }
0x22: {  	[simem:s7], [sflag:s8] =	dma.local @!p0 [hbm:s6], $0xF7A  }
0x23: {  	s9 =	sor.u32 $0xD0000000, s2;
	s6 =	simm.s32 $0x108;
	_ =	swait.ge @!p0 [sflag:s8], $0x0  }
0x24: {  	s3 =	sadd.s32 $0x88, s3;
	s6 =	simm.s32 @!p1 $0x1082;
	[sflag:s4] =	ssyncset.s32 $0xFFFFF086  }
0x25: {  	[simem:s6], [sflag:s4] =	dma.local [hbm:s3], $0xF7A  }
0x26: {  	[smem:$0x3F9D] =	sst s1;
	(tag) =	ssettag s2;
	_ =	strace s9  }
0x27: {  	s1 =	sld [smem:$0x3FAD]  }
0x28: {  	s2 =	sld [smem:$0x3FAE]  }
0x29: {  	s4 =	sld [smem:$0x3FB0]  }
0x2a: {  	p0 =	seq.s32 s5, $0x0;
	s5 =	sld [smem:$0x3FB1]  }
0x2b: {  	s6 =	sld [smem:$0x3FB2]  }
0x2c: {  	s7 =	sld [smem:$0x3FB3]  }
0x2d: {  	s3 =	simm.s32 $0x108;
	s8 =	sld [smem:$0x3FB4]  }
0x2e: {  	s3 =	simm.s32 @!p0 $0x1082;
	s9 =	sld [smem:$0x3FB5]  }
0x2f: {  	lr =	sadd.s32 s0, s3;
	s0 =	sld [smem:$0x3FAC]  }
0x30: {  	s3 =	sld [smem:$0x3FAF]  }
0x31: {  	[smem:$0x3FB8] =	sst s10  }
0x32: {  	s10 =	sld [smem:$0x3FB6];
	_ =	sdelay $0x3  }
0x33: {  	p0 =	seq.s32 s10, $0x1;
	s10 =	sld [smem:$0x3FB8];
	_ =	sdelay $0x3  }
0x34: {  	[smem:$0x3FB8] =	sst s10  }
0x35: {  	s10 =	sld [smem:$0x3FB7];
	_ =	sdelay $0x3  }
0x36: {  	p1 =	seq.s32 s10, $0x1;
	s10 =	sld [smem:$0x3FB8];
	_ =	sdelay $0x3  }
0x37: {  	[smem:$0x3FB8] =	sst s10  }
0x38: {  	s10 =	sld [smem:$0x3FB9]  }
0x39: {  	_ = 	snop;
	(pc) =	sbr.ind lr, $3  }
0x3a: {  	_ = 	snop  }
0x3b: {  	_ = 	snop  }
0x3c: {  	p2 =	seq.s32 s10, $0x1;
	s10 =	sld [smem:$0x3FB8]  }
0x3d: {  	_ =	shalt  }
0x3e: {  	_ =	shalt  }
0x3f: {  	_ =	shalt  }
0x40: {  	_ =	shalt  }
0x41: {  	_ =	shalt  }
0x42: {  	_ =	shalt  }
0x43: {  	_ =	shalt  }
0x44: {  	_ =	shalt  }
0x45: {  	_ =	shalt  }
0x46: {  	_ =	shalt  }
0x47: {  	_ =	shalt  }
0x48: {  	_ =	shalt  }
0x49: {  	_ =	shalt  }
0x4a: {  	_ =	shalt  }
0x4b: {  	_ =	shalt  }
0x4c: {  	_ =	shalt  }
0x4d: {  	_ =	shalt  }
0x4e: {  	_ =	shalt  }
0x4f: {  	_ =	shalt  }
0x50: {  	_ =	shalt  }
0x51: {  	_ =	shalt  }
0x52: {  	_ =	shalt  }
0x53: {  	_ =	shalt  }
0x54: {  	_ =	shalt  }
0x55: {  	_ =	shalt  }
0x56: {  	_ =	shalt  }
0x57: {  	_ =	shalt  }
0x58: {  	_ =	shalt  }
0x59: {  	_ =	shalt  }
0x5a: {  	_ =	shalt  }
0x5b: {  	_ =	shalt  }
0x5c: {  	_ =	shalt  }
0x5d: {  	_ =	shalt  }
0x5e: {  	_ =	shalt  }
0x5f: {  	_ =	shalt  }
0x60: {  	_ =	shalt  }
0x61: {  	_ =	shalt  }
0x62: {  	_ =	shalt  }
0x63: {  	_ =	shalt  }
0x64: {  	_ =	shalt  }
0x65: {  	_ =	shalt  }
0x66: {  	_ =	shalt  }
0x67: {  	_ =	shalt  }
0x68: {  	_ =	shalt  }
0x69: {  	_ =	shalt  }
0x6a: {  	_ =	shalt  }
0x6b: {  	_ =	shalt  }
0x6c: {  	_ =	shalt  }
0x6d: {  	_ =	shalt  }
0x6e: {  	_ =	shalt  }
0x6f: {  	_ =	shalt  }
0x70: {  	_ =	shalt  }
0x71: {  	_ =	shalt  }
0x72: {  	_ =	shalt  }
0x73: {  	_ =	shalt  }
0x74: {  	_ =	shalt  }
0x75: {  	_ =	shalt  }
0x76: {  	_ =	shalt  }
0x77: {  	_ =	shalt  }
0x78: {  	_ =	shalt  }
0x79: {  	_ =	shalt  }
0x7a: {  	_ =	shalt  }
0x7b: {  	_ =	shalt  }
0x7c: {  	_ =	shalt  }
0x7d: {  	_ =	shalt  }
0x7e: {  	_ =	shalt  }
0x7f: {  	_ =	shalt  }
0x80: {  	_ =	shalt  }
0x81: {  	_ =	shalt  }
0x82: {  	_ =	shalt  }
0x83: {  	_ =	shalt  }
0x84: {  	_ =	shalt  }
0x85: {  	_ =	shalt  }
0x86: {  	_ =	shalt  }
0x87: {  	_ =	shalt  }
.Lfunc_end0:
.L_simem_size_0:
called_computation.1_lowered:
.L_overlay_start_0:
0x88: {  	s2 =	sld [smem:$0x3FD9]  }
0x89: {  	s3 =	sld [smem:$0x3FFE];
	_ =	sdelay $0x1  }
0x8a: {  	s1 =	srdreg.scid  }
0x8b: {  	s0 =	sand.u32 $0x1, s1  }
0x8c: {  	s17 =	sshll.u32 s0, $0xA;
	s2 =	sadd.s32 s3, s2  }
0x8d: {  	s2 =	sadd.s32 s2, s17  }
0x8e: {  	[smem:$0x3FC4] =	sst s2  }
0x8f: {  	_ = 	snop  }
0x90: {  	s2 =	sld [smem:$0x3FC8]  }
0x91: {  	s18 =	sld [smem:$0x3FD0];
	(tm) =	ssettm $0x1  }
0x92: {  	s4 =	sld [smem:$0x3FFB];
	_ =	sdelay $0x3  }
0x93: {  	_ =	strace s4  }
0x94: {  	s4 =	sld [smem:$0x3FFC];
	_ =	sdelay $0x3  }
0x95: {  	_ =	strace s4  }
0x96: {  	s4 =	sld [smem:$0x3FFD];
	_ =	sdelay $0x3  }
0x97: {  	_ =	strace s4  }
0x98: {  	_ =	strace $0x8FFFFFFF  }
0x99: {  	s19 =	sld [smem:$0x3FDB];
	_ =	sdelay $0x1  }
0x9a: {  	s5 =	simm.s32 $_scs_section_size  }
0x9b: {  	s6 =	simm.s32 $_size__tile_overlayer_lowered;
	s7 =	simm.s32 $_tile_overlayer_lowered  }
0x9c: {  	s22 =	simm.s32 $0x1BFF;
	s21 =	sshll.u32 s7, $0x1;
	s4 =	sadd.s32 s5, s19  }
0x9d: {  	s8 =	simm.s32 $0x0;
	s20 =	sshll.u32 s6, $0x1;
	s6 =	sadd.s32 s21, s4  }
0x9e: {  	[timem:s8], [sflag:s22] =	dma.local [hbm:s6], s20  }
0x9f: {  	_ =	swait.ge [sflag:s22], s20  }
0xa0: {  	s5 =	ssub.s32 $0x0, s20;
	[sflag:s22] =	ssyncset.done $0x0  }
0xa1: {  	[sflag:s22] =	ssyncadd.s32 s5;
	_ =	sdelay $0x1  }
0xa2: {  	s23 =	simm.s32 $0x1B8B  }
0xa3: {  	_ =	swait.ge [sflag:s23], $0x1  }
0xa4: {  	[sflag:s23] =	ssyncset.done $0x0  }
0xa5: {  	s25 =	simm.s32 $0x1B8E;
	s24 =	sld [smem:$0x3FFE];
	[sflag:s23] =	ssyncadd.s32 $0xFFFFFFFF  }
0xa6: {  	s26 =	simm.s32 $execute0_lowered;
	[smem:$0x3FD2] =	sst s25  }
0xa7: {  	s6 =	sshll.u32 s26, $0x1;
	_ =	strace $0x80000046;
	[dreg:$0x1] =	wrdreg $0xFFFFFFFF  }
0xa8: {  	s28 =	simm.s32 $_size_execute0_lowered;
	s4 =	sadd.s32 s4, s6;
	[dreg:$0x0] =	wrdreg $0x0  }
0xa9: {  	s6 =	sshll.u32 s28, $0x1;
	[dreg:$0x2] =	wrdreg s4  }
0xaa: {  	[dreg:$0x3] =	wrdreg s6  }
0xab: {  	[dreg:$0x4] =	wrdreg $0xC0  }
0xac: {  	_ =	task [dreg:s8], $0x5FFFF  }
0xad: {  	[dreg:$0x1] =	wrdreg $0xFFFFFFFF  }
0xae: {  	[dreg:$0x0] =	wrdreg $0x60  }
0xaf: {  	[dreg:$0x2] =	wrdreg s24  }
0xb0: {  	[dreg:$0x3] =	wrdreg s2  }
0xb1: {  	[dreg:$0x4] =	wrdreg s18  }
0xb2: {  	[dreg:$0x5] =	wrdreg $0x9  }
0xb3: {  	_ =	task.clear_ibuf [dreg:s8], $0x6FFFF;
	_ =	strace $0x90000046  }
0xb4: {  	s29 =	simm.s32 $0x9;
	_ =	strace $0x80000048  }
0xb5: {  	_ =	swait.ge [sflag:s29], $0x1  }
0xb6: {  	[sflag:s29] =	ssyncadd.s32 $0xFFFFFFFF  }
0xb7: {  	_ =	strace $0x90000048  }
0xb8: {  	_ =	sfence  }
0xb9: {  	s30 =	sld [smem:$0x0];
	_ =	sdelay $0x2  }
0xba: {  	s31 =	sshll.u32 s1, $0xD;
	s1 =	sshrl.u32 s1, $0x2  }
0xbb: {  	s3 =	sand.u32 $0x4000, s31;
	s1 =	sadd.s32 s1, s30  }
0xbc: {  	s0 =	sor.u32 s3, s0;
	s1 =	sshll.u32 s1, $0x11  }
0xbd: {  	s0 =	sor.u32 s1, s0  }
0xbe: {  	s0 =	sadd.s32 $0x8F2B, s0  }
0xbf: {  	[sflag:s0] =	ssyncadd.remote.s32 $0x1  }
0xc0: {  	_ =	sfence.sel $0xFFFF  }
0xc1: {  	[dreg:$0x0] =	wrdreg $0xFFFFFFFF;
	(pc) =	sbr.abs _section_cstart, $3  }
0xc2: {  	[dreg:$0x1] =	wrdreg $0xFFFFFFFF  }
0xc3: {  	_ =	task.clear_ibuf [dreg:s8], $0x2FFFF;
	_ =	strace $0x9FFFFFFF  }
0xc4: {  	(tm) =	ssettm $0x7FFFFFFF  }
0xc5: {  	_ =	shalt  }
tec
execute0_lowered:
.L_overlay_start_1:
0x0: {  	(tag) =	ssettag $0x1  }
0x1: {  	s0 =	rddreg [dreg:$0x0]  }
0x2: {  	s1 =	rddreg [dreg:$0x1]  }
0x3: {  	s3 =	srdreg.scid;
	s4 =	stileid.u32  }
0x4: {  	s2 =	rddreg [dreg:$0x2];
	s26 =	simm.s32 $0xCA90;
	s18 =	simm.s32 $0x1  }
0x5: {  	s19 =	simm.s32 $0xFE90;
	s11 =	simm.s32 $0x2;
	s12 =	simm.s32 $0x13290  }
0x6: {  	s10 =	simm.s32 $0x15690;
	s20 =	simm.s32 $0x15A90;
	s21 =	simm.s32 $0x15E90  }
0x7: {  	s22 =	simm.s32 $0x16090;
	s5 =	sand.u32 $0x1, s3;
	s4 =	sshll.u32 s4, $0x1  }
0x8: {  	s23 =	simm.s32 $0x3;
	s3 =	simm.s32 $0x0;
	s6 =	sor.u32 s5, s4  }
0x9: {  	s24 =	simm.s32 $0x4;
	[smem:$0x7FF] =	sst s3;
	s4 =	smul.u32 $0xC80, s6  }
0xa: {  	s5 =	ssub.s32 $0x2, s5;
	_ =	strace $0x80000047;
	s8 =	sshll.u32 s6, $0x4  }
0xb: {  	s30 =	sshrl.u32 s5, $0x1;
	s1 =	sadd.s32 s1, s8;
	s7 =	sadd.s32 s4, s0  }
0xc: {  	s4 =	sadd.s32 $0xF43000, s0;
	s0 =	sadd.s32 $0x19C00, s0;
	[dreg:$0x5] =	wrdreg s1  }
0xd: {  	[dreg:$0x4] =	wrdreg s0;
	s0 =	ssub.s32 s5, s30;
	s31 =	sadd.s32 $0xC00, s7  }
0xe: {  	s25 =	simm.s32 $0x0;
	[dreg:$0x6] =	wrdreg s31;
	s0 =	smax.u32 s0, $0x1  }
0xf: {  	vm0 =	vmmov $0xffff;
	v0 =	vimm.f32 $0.0e+00;
	s6 =	sshll.u32 s6, $0x7;
	s5 =	simm.s32 $0x0;
	[dreg:$0x7] =	wrdreg s0  }
.LBB2_1:
0x10: {  	[dreg:$0x8] =	wrdreg s5  }
0x11: {  	s0 =	rddreg [dreg:$0x5];
	s1 =	simm.s32 $0x9  }
0x12: {  	[tilespmem:s3], [sflag:$0x9] =	stream.linear.gather [hbm4b:s0+s3], $0x80, $0x38;
	[tilespmem:$0x16690] =	vst v63  }
0x13: {  	_ =	swait.ge [sflag:s1], $0x80  }
0x14: {  	[sflag:s1] =	ssyncset.done $0x0  }
0x15: {  	s29 =	simm.s32 $0x90;
	s28 =	rddreg [dreg:$0x4];
	[sflag:s1] =	ssyncadd.s32 $0xFFFFFF80  }
0x16: {  	[tilespmem:s29], [sflag:$0x9] =	stream.linear.gather [hbm4b:s28+s3], $0x3200, $0x38;
	[tilespmem:$0x16690] =	vst v63  }
0x17: {  	_ =	swait.ge [sflag:s1], $0x3200  }
0x18: {  	[sflag:s1] =	ssyncset.done $0x0  }
0x19: {  	s31 =	simm.s32 $0x3290;
	s30 =	rddreg [dreg:$0x6];
	[sflag:s1] =	ssyncadd.s32 $0xFFFFCE00  }
0x1a: {  	[tilespmem:s31], [sflag:$0x9] =	stream.linear.gather [hbm4b:s30+s3], $0x6400, $0x38;
	[tilespmem:$0x16690] =	vst v63  }
0x1b: {  	_ =	swait.ge [sflag:s1], $0x6400  }
0x1c: {  	[sflag:s1] =	ssyncset.done $0x0  }
0x1d: {  	s0 =	simm.s32 $0x0;
	[sflag:s1] =	ssyncadd.s32 $0xFFFF9C00  }
0x1e: {  	v1 =	vld [tilespmem:s0+$0x90]  }
0x1f: {  	v3 =	vld [tilespmem:s0+$0xA0]  }
0x20: {  	s1 =	simm.s32 $0x100;
	v2 =	vld [tilespmem:s0+$0xB0]  }
.LBB2_2:
0x21: {  	p0 =	sne.s32 s1, $0xC700;
	v4 =	vld [tilespmem:s0+$0xC0];
	_ =	sdelay $0x1  }
0x22: {  	v1 =	vmul.f32 $1.250000000e-01, v1  }
.Ltmp0:
0x23: {  	v3 =	vmul.f32 $1.250000000e-01, v3;
	(pc) =	sbr.rel @p0 .LBB2_2-.Ltmp0, $4  }
0x24: {  	s5 =	sshra.s32 s1, $0x2;
	[tilespmem:s0+$0x90] =	vst v1;
	v2 =	vmul.f32 $1.250000000e-01, v2  }
0x25: {  	v1 =	vld [tilespmem:s5+$0x90];
	[tilespmem:s0+$0xA0] =	vst v3;
	v4 =	vmul.f32 $1.250000000e-01, v4  }
0x26: {  	v3 =	vld [tilespmem:s5+$0xA0];
	[tilespmem:s0+$0xB0] =	vst v2  }
0x27: {  	s1 =	sadd.s32 $0x100, s1;
	v2 =	vld [tilespmem:s5+$0xB0];
	[tilespmem:s0+$0xC0] =	vst v4;
	s0 =	smov.u32 s5  }
0x28: {  	v4 =	vld [tilespmem:s0+$0xC0];
	_ =	sdelay $0x1  }
0x29: {  	v1 =	vmul.f32 $1.250000000e-01, v1  }
0x2a: {  	v3 =	vmul.f32 $1.250000000e-01, v3  }
0x2b: {  	[tilespmem:s0+$0x90] =	vst v1;
	v1 =	vmul.f32 $1.250000000e-01, v2  }
0x2c: {  	[tilespmem:s0+$0xA0] =	vst v3;
	v2 =	vmul.f32 $1.250000000e-01, v4  }
0x2d: {  	[tilespmem:s0+$0xB0] =	vst v1  }
0x2e: {  	[tilespmem:s0+$0xC0] =	vst v2  }
0x2f: {  	v1 =	vld [tilespmem:$0x3290];
	_ =	sdelay $0x6  }
0x30: {  	s5 =	simm.s32 $0x9690  }
0x31: {  	[tilespmem:s5], [sflag:$0x1] =	stream.indirect_vreg.gather [hbm4b:s4+s25], $0x40, v1, vm0, $0xb8;
	[tilespmem:$0x16690] =	vst v63  }
0x32: {  	v1 =	vld [tilespmem:$0x32A0];
	_ =	sdelay $0x6  }
0x33: {  	s7 =	simm.s32 $0x9A90  }
0x34: {  	[tilespmem:s7], [sflag:$0x1] =	stream.indirect_vreg.gather [hbm4b:s4+s25], $0x40, v1, vm0, $0xb8;
	[tilespmem:$0x16690] =	vst v63  }
0x35: {  	v1 =	vld [tilespmem:$0x32B0];
	_ =	sdelay $0x6  }
0x36: {  	s8 =	simm.s32 $0x9E90  }
0x37: {  	[tilespmem:s8], [sflag:$0x1] =	stream.indirect_vreg.gather [hbm4b:s4+s25], $0x40, v1, vm0, $0xb8;
	[tilespmem:$0x16690] =	vst v63  }
0x38: {  	v1 =	vld [tilespmem:$0x32C0];
	_ =	sdelay $0x6  }
0x39: {  	s9 =	simm.s32 $0xA290  }
0x3a: {  	[tilespmem:s9], [sflag:$0x1] =	stream.indirect_vreg.gather [hbm4b:s4+s25], $0x40, v1, vm0, $0xb8;
	[tilespmem:$0x16690] =	vst v63  }
0x3b: {  	v1 =	vld [tilespmem:$0x32D0];
	_ =	sdelay $0x6  }
0x3c: {  	s13 =	simm.s32 $0xA690  }
0x3d: {  	[tilespmem:s13], [sflag:$0x1] =	stream.indirect_vreg.gather [hbm4b:s4+s25], $0x40, v1, vm0, $0xb8;
	[tilespmem:$0x16690] =	vst v63  }
0x3e: {  	v1 =	vld [tilespmem:$0x32E0];
	_ =	sdelay $0x6  }
0x3f: {  	s14 =	simm.s32 $0xAA90  }
0x40: {  	[tilespmem:s14], [sflag:$0x1] =	stream.indirect_vreg.gather [hbm4b:s4+s25], $0x40, v1, vm0, $0xb8;
	[tilespmem:$0x16690] =	vst v63  }
0x41: {  	v1 =	vld [tilespmem:$0x32F0];
	_ =	sdelay $0x6  }
0x42: {  	s15 =	simm.s32 $0xAE90  }
0x43: {  	[tilespmem:s15], [sflag:$0x1] =	stream.indirect_vreg.gather [hbm4b:s4+s25], $0x40, v1, vm0, $0xb8;
	[tilespmem:$0x16690] =	vst v63  }
0x44: {  	v1 =	vld [tilespmem:$0x3300];
	_ =	sdelay $0x6  }
0x45: {  	s16 =	simm.s32 $0xB290  }
0x46: {  	[tilespmem:s16], [sflag:$0x1] =	stream.indirect_vreg.gather [hbm4b:s4+s25], $0x40, v1, vm0, $0xb8;
	[tilespmem:$0x16690] =	vst v63  }
0x47: {  	v1 =	vld [tilespmem:$0x3310];
	_ =	sdelay $0x6  }
0x48: {  	s17 =	simm.s32 $0xB690  }
0x49: {  	[tilespmem:s17], [sflag:$0x1] =	stream.indirect_vreg.gather [hbm4b:s4+s25], $0x40, v1, vm0, $0xb8;
	[tilespmem:$0x16690] =	vst v63  }
0x4a: {  	v1 =	vld [tilespmem:$0x3320];
	_ =	sdelay $0x6  }
0x4b: {  	s29 =	simm.s32 $0xBA90  }
0x4c: {  	[tilespmem:s29], [sflag:$0x1] =	stream.indirect_vreg.gather [hbm4b:s4+s25], $0x40, v1, vm0, $0xb8;
	[tilespmem:$0x16690] =	vst v63  }
0x4d: {  	v1 =	vld [tilespmem:$0x3330];
	_ =	sdelay $0x6  }
0x4e: {  	s30 =	simm.s32 $0xBE90  }
0x4f: {  	[tilespmem:s30], [sflag:$0x1] =	stream.indirect_vreg.gather [hbm4b:s4+s25], $0x40, v1, vm0, $0xb8;
	[tilespmem:$0x16690] =	vst v63  }
0x50: {  	v1 =	vld [tilespmem:$0x3340];
	_ =	sdelay $0x6  }
0x51: {  	s31 =	simm.s32 $0xC290  }
0x52: {  	[tilespmem:s31], [sflag:$0x1] =	stream.indirect_vreg.gather [hbm4b:s4+s25], $0x40, v1, vm0, $0xb8;
	[tilespmem:$0x16690] =	vst v63  }
0x53: {  	v1 =	vld [tilespmem:$0x3348];
	_ =	sdelay $0x6  }
0x54: {  	s1 =	simm.s32 $0xC490  }
0x55: {  	[tilespmem:s1], [sflag:$0x1] =	stream.indirect_vreg.gather [hbm4b:s4+s25], $0x40, v1, vm0, $0xb8;
	[tilespmem:$0x16690] =	vst v63  }
0x56: {  	v1 =	vld [tilespmem:$0x3358];
	_ =	sdelay $0x7  }
0x57: {  	[tilespmem:s26], [sflag:$0x2] =	stream.indirect_vreg.gather [hbm4b:s4+s25], $0x40, v1, vm0, $0xb8;
	[tilespmem:$0x16690] =	vst v63  }
0x58: {  	v1 =	vld [tilespmem:$0x3368];
	_ =	sdelay $0x6  }
0x59: {  	s5 =	simm.s32 $0xCE90  }
0x5a: {  	[tilespmem:s5], [sflag:$0x2] =	stream.indirect_vreg.gather [hbm4b:s4+s25], $0x40, v1, vm0, $0xb8;
	[tilespmem:$0x16690] =	vst v63  }
0x5b: {  	v1 =	vld [tilespmem:$0x3378];
	_ =	sdelay $0x6  }
0x5c: {  	s7 =	simm.s32 $0xD290  }
0x5d: {  	[tilespmem:s7], [sflag:$0x2] =	stream.indirect_vreg.gather [hbm4b:s4+s25], $0x40, v1, vm0, $0xb8;
	[tilespmem:$0x16690] =	vst v63  }
0x5e: {  	v1 =	vld [tilespmem:$0x3388];
	_ =	sdelay $0x6  }
0x5f: {  	s8 =	simm.s32 $0xD690  }
0x60: {  	[tilespmem:s8], [sflag:$0x2] =	stream.indirect_vreg.gather [hbm4b:s4+s25], $0x40, v1, vm0, $0xb8;
	[tilespmem:$0x16690] =	vst v63  }
0x61: {  	v1 =	vld [tilespmem:$0x3398];
	_ =	sdelay $0x6  }
0x62: {  	s9 =	simm.s32 $0xDA90  }
0x63: {  	[tilespmem:s9], [sflag:$0x2] =	stream.indirect_vreg.gather [hbm4b:s4+s25], $0x40, v1, vm0, $0xb8;
	[tilespmem:$0x16690] =	vst v63  }
0x64: {  	v1 =	vld [tilespmem:$0x33A8];
	_ =	sdelay $0x6  }
0x65: {  	s13 =	simm.s32 $0xDE90  }
0x66: {  	[tilespmem:s13], [sflag:$0x2] =	stream.indirect_vreg.gather [hbm4b:s4+s25], $0x40, v1, vm0, $0xb8;
	[tilespmem:$0x16690] =	vst v63  }
0x67: {  	v1 =	vld [tilespmem:$0x33B8];
	_ =	sdelay $0x6  }
0x68: {  	s14 =	simm.s32 $0xE290  }
0x69: {  	[tilespmem:s14], [sflag:$0x2] =	stream.indirect_vreg.gather [hbm4b:s4+s25], $0x40, v1, vm0, $0xb8;
	[tilespmem:$0x16690] =	vst v63  }
0x6a: {  	v1 =	vld [tilespmem:$0x33C8];
	_ =	sdelay $0x6  }
0x6b: {  	s15 =	simm.s32 $0xE690  }
0x6c: {  	[tilespmem:s15], [sflag:$0x2] =	stream.indirect_vreg.gather [hbm4b:s4+s25], $0x40, v1, vm0, $0xb8;
	[tilespmem:$0x16690] =	vst v63  }
0x6d: {  	v1 =	vld [tilespmem:$0x33D8];
	_ =	sdelay $0x6  }
0x6e: {  	s16 =	simm.s32 $0xEA90  }
0x6f: {  	[tilespmem:s16], [sflag:$0x2] =	stream.indirect_vreg.gather [hbm4b:s4+s25], $0x40, v1, vm0, $0xb8;
	[tilespmem:$0x16690] =	vst v63  }
0x70: {  	v1 =	vld [tilespmem:$0x33E8];
	_ =	sdelay $0x6  }
0x71: {  	s17 =	simm.s32 $0xEE90  }
0x72: {  	[tilespmem:s17], [sflag:$0x2] =	stream.indirect_vreg.gather [hbm4b:s4+s25], $0x40, v1, vm0, $0xb8;
	[tilespmem:$0x16690] =	vst v63  }
0x73: {  	v1 =	vld [tilespmem:$0x33F8];
	_ =	sdelay $0x6  }
0x74: {  	s29 =	simm.s32 $0xF290  }
0x75: {  	[tilespmem:s29], [sflag:$0x2] =	stream.indirect_vreg.gather [hbm4b:s4+s25], $0x40, v1, vm0, $0xb8;
	[tilespmem:$0x16690] =	vst v63  }
0x76: {  	v1 =	vld [tilespmem:$0x3408];
	_ =	sdelay $0x6  }
0x77: {  	s30 =	simm.s32 $0xF690  }
0x78: {  	[tilespmem:s30], [sflag:$0x2] =	stream.indirect_vreg.gather [hbm4b:s4+s25], $0x40, v1, vm0, $0xb8;
	[tilespmem:$0x16690] =	vst v63  }
0x79: {  	v1 =	vld [tilespmem:$0x3410];
	_ =	sdelay $0x6  }
0x7a: {  	s28 =	simm.s32 $0x0;
	s31 =	simm.s32 $0xF890  }
0x7b: {  	[tilespmem:s31], [sflag:$0x2] =	stream.indirect_vreg.gather [hbm4b:s4+s25], $0x40, v1, vm0, $0xb8;
	[tilespmem:$0x16690] =	vst v63  }
.LBB2_4:
0x7c: {  	_ =	swait.ge [sflag:s18], $0x3400  }
0x7d: {  	s1 =	sshll.u32 s28, $0x2;
	p0 =	seq.s32 s28, $0x0;
	[sflag:s18] =	ssyncset.done $0x0  }
0x7e: {  	s31 =	sor.u32 $0x2, s1;
	s0 =	simm.s32 @!p0 $0x7;
	[sflag:s18] =	ssyncadd.s32 $0xFFFFCC00  }
0x7f: {  	s5 =	smul.u32 $0x320, s31;
	_ =	swait.ge @!p0 [sflag:s0], $0x3200  }
0x80: {  	[sflag:s0] =	ssyncset.done @!p0 $0x0  }
0x81: {  	[sflag:s0] =	ssyncadd.s32 @!p0 $0xFFFFCE00;
	s0 =	sshra.s32 s5, $0x2  }
0x82: {  	v1 =	vld [tilespmem:s0+$0x3290];
	_ =	sdelay $0x7  }
0x83: {  	[tilespmem:s19], [sflag:$0x3] =	stream.indirect_vreg.gather [hbm4b:s4+s25], $0x40, v1, vm0, $0xb8;
	[tilespmem:$0x16690] =	vst v63  }
0x84: {  	v1 =	vld [tilespmem:s0+$0x32A0];
	_ =	sdelay $0x6  }
0x85: {  	s13 =	simm.s32 $0x10290  }
0x86: {  	[tilespmem:s13], [sflag:$0x3] =	stream.indirect_vreg.gather [hbm4b:s4+s25], $0x40, v1, vm0, $0xb8;
	[tilespmem:$0x16690] =	vst v63  }
0x87: {  	v1 =	vld [tilespmem:s0+$0x32B0];
	_ =	sdelay $0x6  }
0x88: {  	s14 =	simm.s32 $0x10690  }
0x89: {  	[tilespmem:s14], [sflag:$0x3] =	stream.indirect_vreg.gather [hbm4b:s4+s25], $0x40, v1, vm0, $0xb8;
	[tilespmem:$0x16690] =	vst v63  }
0x8a: {  	v1 =	vld [tilespmem:s0+$0x32C0];
	_ =	sdelay $0x6  }
0x8b: {  	s15 =	simm.s32 $0x10A90  }
0x8c: {  	[tilespmem:s15], [sflag:$0x3] =	stream.indirect_vreg.gather [hbm4b:s4+s25], $0x40, v1, vm0, $0xb8;
	[tilespmem:$0x16690] =	vst v63  }
0x8d: {  	v1 =	vld [tilespmem:s0+$0x32D0];
	_ =	sdelay $0x6  }
0x8e: {  	s16 =	simm.s32 $0x10E90  }
0x8f: {  	[tilespmem:s16], [sflag:$0x3] =	stream.indirect_vreg.gather [hbm4b:s4+s25], $0x40, v1, vm0, $0xb8;
	[tilespmem:$0x16690] =	vst v63  }
0x90: {  	v1 =	vld [tilespmem:s0+$0x32E0];
	_ =	sdelay $0x6  }
0x91: {  	s17 =	simm.s32 $0x11290  }
0x92: {  	[tilespmem:s17], [sflag:$0x3] =	stream.indirect_vreg.gather [hbm4b:s4+s25], $0x40, v1, vm0, $0xb8;
	[tilespmem:$0x16690] =	vst v63  }
0x93: {  	v1 =	vld [tilespmem:s0+$0x32F0];
	_ =	sdelay $0x6  }
0x94: {  	s7 =	simm.s32 $0x11690  }
0x95: {  	[tilespmem:s7], [sflag:$0x3] =	stream.indirect_vreg.gather [hbm4b:s4+s25], $0x40, v1, vm0, $0xb8;
	[tilespmem:$0x16690] =	vst v63  }
0x96: {  	v1 =	vld [tilespmem:s0+$0x3300];
	_ =	sdelay $0x6  }
0x97: {  	s8 =	simm.s32 $0x11A90  }
0x98: {  	[tilespmem:s8], [sflag:$0x3] =	stream.indirect_vreg.gather [hbm4b:s4+s25], $0x40, v1, vm0, $0xb8;
	[tilespmem:$0x16690] =	vst v63  }
0x99: {  	v1 =	vld [tilespmem:s0+$0x3310];
	_ =	sdelay $0x6  }
0x9a: {  	s9 =	simm.s32 $0x11E90  }
0x9b: {  	[tilespmem:s9], [sflag:$0x3] =	stream.indirect_vreg.gather [hbm4b:s4+s25], $0x40, v1, vm0, $0xb8;
	[tilespmem:$0x16690] =	vst v63  }
0x9c: {  	v1 =	vld [tilespmem:s0+$0x3320];
	_ =	sdelay $0x6  }
0x9d: {  	s13 =	simm.s32 $0x12290  }
0x9e: {  	[tilespmem:s13], [sflag:$0x3] =	stream.indirect_vreg.gather [hbm4b:s4+s25], $0x40, v1, vm0, $0xb8;
	[tilespmem:$0x16690] =	vst v63  }
0x9f: {  	v1 =	vld [tilespmem:s0+$0x3330];
	_ =	sdelay $0x6  }
0xa0: {  	s14 =	simm.s32 $0x12690  }
0xa1: {  	[tilespmem:s14], [sflag:$0x3] =	stream.indirect_vreg.gather [hbm4b:s4+s25], $0x40, v1, vm0, $0xb8;
	[tilespmem:$0x16690] =	vst v63  }
0xa2: {  	v1 =	vld [tilespmem:s0+$0x3340];
	_ =	sdelay $0x6  }
0xa3: {  	s15 =	simm.s32 $0x12A90  }
0xa4: {  	[tilespmem:s15], [sflag:$0x3] =	stream.indirect_vreg.gather [hbm4b:s4+s25], $0x40, v1, vm0, $0xb8;
	[tilespmem:$0x16690] =	vst v63  }
0xa5: {  	v1 =	vld [tilespmem:s0+$0x3348];
	_ =	sdelay $0x6  }
0xa6: {  	s29 =	sand.u32 $0x70, s1;
	s16 =	simm.s32 $0x12C90  }
0xa7: {  	[tilespmem:s16], [sflag:$0x3] =	stream.indirect_vreg.gather [hbm4b:s4+s25], $0x40, v1, vm0, $0xb8;
	[tilespmem:$0x16690] =	vst v63  }
0xa8: {  	s0 =	simm.s32 $0x96D0;
	v1 =	vld [tilespmem:s29+$0x0]  }
0xa9: {  	s5 =	simm.s32 $0xD0;
	v2 =	vld [tilespmem:s0+$0x0]  }
0xaa: {  	v4 =	vld [tilespmem:s5+$0x0]  }
0xab: {  	s7 =	sand.u32 $0xC, s1  }
0xac: {  	v3 =	vmov s7  }
0xad: {  	s17 =	simm.s32 $0x1;
	v3 =	vperm.xlane v1, v3  }
0xae: {  	v1 =	vmov s17  }
0xaf: {  	vm1 =	vlt.s32 v1, v3;
	v1 =	vadd.f32 v4, v2  }
0xb0: {  	v10 =	vsel vm1, $0x41000000, v0  }
0xb1: {  	v2 =	vld [tilespmem:s0+$0xFFFFFFC0];
	v1 =	vmul.f32 v1, v10  }
0xb2: {  	v4 =	vld [tilespmem:s5+$0xFFFFFFC0]  }
0xb3: {  	[tilespmem:s0+$0x0] =	vst v1;
	v1 =	vld [tilespmem:s0+$0x10]  }
0xb4: {  	v5 =	vld [tilespmem:s5+$0x10];
	_ =	sdelay $0x1  }
0xb5: {  	v6 =	vmov s25  }
0xb6: {  	s30 =	simm.s32 $0x9750;
	v7 =	vld [tilespmem:s0+$0xFFFFFFD0];
	vm1 =	vlt.s32 v6, v3;
	v2 =	vadd.f32 v4, v2  }
0xb7: {  	s14 =	simm.s32 $0x150;
	v12 =	vsel vm1, $0x41000000, v0;
	v4 =	vld [tilespmem:s30+$0x0]  }
0xb8: {  	v2 =	vmul.f32 v2, v12;
	v1 =	vadd.f32 v5, v1;
	v5 =	vld [tilespmem:s14+$0x0]  }
0xb9: {  	v8 =	vld [tilespmem:s30+$0xFFFFFFC0]  }
0xba: {  	v9 =	vld [tilespmem:s14+$0xFFFFFFC0];
	[tilespmem:s0+$0xFFFFFFC0] =	vst v2;
	v1 =	vmul.f32 v1, v10  }
0xbb: {  	s8 =	simm.s32 $0x3;
	v2 =	vld [tilespmem:s5+$0xFFFFFFD0]  }
0xbc: {  	v11 =	vld [tilespmem:s0+$0x20];
	[tilespmem:s0+$0x10] =	vst v1;
	v1 =	vmov s8  }
0xbd: {  	v14 =	vld [tilespmem:s0+$0xFFFFFFF0];
	vm1 =	vlt.s32 v1, v3;
	v4 =	vadd.f32 v5, v4  }
0xbe: {  	v5 =	vld [tilespmem:s5+$0x20];
	v1 =	vsel vm1, $0x41000000, v0  }
0xbf: {  	s9 =	simm.s32 $0x2;
	v13 =	vld [tilespmem:s30+$0xFFFFFFD0];
	v4 =	vmul.f32 v4, v1  }
0xc0: {  	v16 =	vld [tilespmem:s0+$0x30];
	v2 =	vadd.f32 v2, v7;
	v7 =	vmov s9  }
0xc1: {  	vm1 =	vlt.s32 v7, v3;
	v7 =	vadd.f32 v9, v8;
	v8 =	vld [tilespmem:s30+$0x10];
	[tilespmem:s30+$0x0] =	vst v4  }
0xc2: {  	s15 =	simm.s32 $0x97D0;
	v4 =	vmul.f32 v2, v12;
	v2 =	vsel vm1, $0x41000000, v0;
	v9 =	vld [tilespmem:s14+$0x10]  }
0xc3: {  	v17 =	vld [tilespmem:s15+$0xFFFFFFC0];
	v7 =	vmul.f32 v7, v2;
	v5 =	vadd.f32 v5, v11  }
0xc4: {  	v6 =	vld [tilespmem:s0+$0xFFFFFFE0];
	[tilespmem:s0+$0xFFFFFFD0] =	vst v4  }
0xc5: {  	v15 =	vld [tilespmem:s5+$0xFFFFFFE0];
	[tilespmem:s30+$0xFFFFFFC0] =	vst v7;
	v5 =	vmul.f32 v5, v10  }
0xc6: {  	v7 =	vld [tilespmem:s14+$0xFFFFFFD0]  }
0xc7: {  	[tilespmem:s0+$0x20] =	vst v5;
	v5 =	vadd.f32 v9, v8;
	v8 =	vld [tilespmem:s15+$0x0]  }
0xc8: {  	s16 =	simm.s32 $0x1D0;
	v19 =	vld [tilespmem:s5+$0x30]  }
0xc9: {  	v9 =	vld [tilespmem:s16+$0x0]  }
0xca: {  	v18 =	vld [tilespmem:s30+$0x20];
	v5 =	vmul.f32 v5, v1  }
0xcb: {  	v7 =	vadd.f32 v7, v13;
	v13 =	vld [tilespmem:s16+$0xFFFFFFC0]  }
0xcc: {  	s13 =	simm.s32 $0x5;
	v11 =	vld [tilespmem:s30+$0xFFFFFFE0];
	[tilespmem:s30+$0x10] =	vst v5;
	v5 =	vadd.f32 v15, v6  }
0xcd: {  	v6 =	vmul.f32 v7, v2;
	v7 =	vmov s13;
	v15 =	vld [tilespmem:s14+$0x20];
	v16 =	vadd.f32 v19, v16  }
0xce: {  	s17 =	simm.s32 $0x4;
	v4 =	vld [tilespmem:s30+$0xFFFFFFF0];
	vm1 =	vlt.s32 v7, v3;
	v7 =	vadd.f32 v9, v8;
	v8 =	vmul.f32 v5, v12  }
0xcf: {  	v9 =	vld [tilespmem:s15+$0xFFFFFFD0];
	[tilespmem:s30+$0xFFFFFFD0] =	vst v6;
	v6 =	vmov s17;
	v5 =	vsel vm1, $0x41000000, v0;
	v16 =	vmul.f32 v16, v10  }
0xd0: {  	v10 =	vld [tilespmem:s30+$0x30];
	v13 =	vadd.f32 v13, v17;
	vm1 =	vlt.s32 v6, v3;
	v7 =	vmul.f32 v7, v5  }
0xd1: {  	v17 =	vld [tilespmem:s14+$0xFFFFFFE0];
	[tilespmem:s0+$0xFFFFFFE0] =	vst v8;
	v6 =	vsel vm1, $0x41000000, v0  }
0xd2: {  	v20 =	vld [tilespmem:s5+$0xFFFFFFF0];
	[tilespmem:s15+$0x0] =	vst v7;
	v7 =	vmul.f32 v13, v6;
	v13 =	vadd.f32 v15, v18  }
0xd3: {  	v15 =	vld [tilespmem:s15+$0x10]  }
0xd4: {  	v18 =	vld [tilespmem:s16+$0x10];
	v13 =	vmul.f32 v13, v1  }
0xd5: {  	v8 =	vld [tilespmem:s15+$0xFFFFFFE0];
	[tilespmem:s15+$0xFFFFFFC0] =	vst v7  }
0xd6: {  	s5 =	simm.s32 $0x250;
	v11 =	vadd.f32 v17, v11;
	[tilespmem:s30+$0x20] =	vst v13;
	v13 =	vld [tilespmem:s16+$0xFFFFFFD0]  }
0xd7: {  	[tilespmem:s0+$0x30] =	vst v16;
	v16 =	vld [tilespmem:s5+$0x0];
	v19 =	vadd.f32 v20, v14  }
0xd8: {  	v17 =	vmul.f32 v11, v2;
	v11 =	vld [tilespmem:s14+$0x30]  }
0xd9: {  	s17 =	simm.s32 $0x9850;
	v7 =	vld [tilespmem:s15+$0xFFFFFFF0];
	v15 =	vadd.f32 v18, v15;
	v12 =	vmul.f32 v19, v12  }
0xda: {  	s7 =	simm.s32 $0x6;
	s13 =	simm.s32 $0x8;
	v14 =	vld [tilespmem:s17+$0x0];
	[tilespmem:s30+$0xFFFFFFE0] =	vst v17  }
.LBB2_5:
0xdb: {  	p1 =	slt.u32 s13, $0xC6;
	v17 =	vld [tilespmem:s17+$0xFFFFFFC0];
	v9 =	vadd.f32 v13, v9;
	v13 =	vmul.f32 v15, v5;
	[tilespmem:s0+$0xFFFFFFF0] =	vst v12;
	s0 =	smov.u32 s30;
	s30 =	smov.u32 s15  }
0xdc: {  	s15 =	smov.u32 s17;
	v12 =	vld [tilespmem:s5+$0xFFFFFFC0]  }
0xdd: {  	s8 =	sadd.s32 $0x1, s7;
	v15 =	vmul.f32 v9, v6;
	[tilespmem:s30+$0x10] =	vst v13;
	v13 =	vld [tilespmem:s30+$0x20];
	v10 =	vadd.f32 v11, v10  }
0xde: {  	v11 =	vmov s8;
	v18 =	vld [tilespmem:s16+$0x20]  }
0xdf: {  	vm1 =	vlt.s32 v11, v3;
	v9 =	vld [tilespmem:s17+$0xFFFFFFD0];
	v11 =	vadd.f32 v16, v14;
	[tilespmem:s30+$0xFFFFFFD0] =	vst v15;
	v10 =	vmul.f32 v10, v1  }
0xe0: {  	v14 =	vmov s7;
	v1 =	vmov v5;
	v5 =	vsel vm1, $0x41000000, v0;
	s7 =	smov.u32 s13;
	v15 =	vld [tilespmem:s16+$0xFFFFFFE0]  }
0xe1: {  	vm1 =	vlt.s32 v14, v3;
	v12 =	vadd.f32 v12, v17;
	v14 =	vld [tilespmem:s17+$0xFFFFFFE0];
	v11 =	vmul.f32 v11, v5;
	[tilespmem:s0+$0x30] =	vst v10  }
0xe2: {  	v16 =	vsel vm1, $0x41000000, v0;
	v17 =	vld [tilespmem:s14+$0xFFFFFFF0];
	s14 =	smov.u32 s16;
	s16 =	smov.u32 s5  }
0xe3: {  	v10 =	vmul.f32 v12, v16;
	[tilespmem:s17+$0x0] =	vst v11;
	v12 =	vld [tilespmem:s17+$0x10];
	v11 =	vadd.f32 v18, v13  }
0xe4: {  	v18 =	vld [tilespmem:s5+$0x10]  }
0xe5: {  	[tilespmem:s17+$0xFFFFFFC0] =	vst v10;
	v19 =	vld [tilespmem:s17+$0xFFFFFFF0];
	v10 =	vadd.f32 v15, v8;
	v11 =	vmul.f32 v11, v1  }
.Ltmp1:
0xe6: {  	v13 =	vld [tilespmem:s5+$0xFFFFFFD0];
	v8 =	vmov v14;
	(pc) =	sbr.rel @p1 .LBB2_5-.Ltmp1, $4  }
0xe7: {  	v20 =	vmul.f32 v10, v6;
	[tilespmem:s30+$0x20] =	vst v11;
	v10 =	vld [tilespmem:s30+$0x30];
	v17 =	vadd.f32 v17, v4;
	v4 =	vmov v7  }
0xe8: {  	s17 =	sadd.s32 $0x80, s17;
	v11 =	vld [tilespmem:s14+$0x30]  }
0xe9: {  	s5 =	sadd.s32 $0x80, s5;
	v14 =	vld [tilespmem:s17+$0x0];
	v15 =	vadd.f32 v18, v12;
	[tilespmem:s30+$0xFFFFFFE0] =	vst v20;
	v12 =	vmul.f32 v17, v2;
	v2 =	vmovc v6;
	v6 =	vmov v16  }
0xea: {  	s13 =	sadd.s32 $0x2, s13;
	v16 =	vld [tilespmem:s5+$0x0];
	v7 =	vmov v19  }
0xeb: {  	_ = 	snop  }
0xec: {  	v17 =	vld [tilespmem:s17+$0xFFFFFFC0]  }
0xed: {  	s8 =	sadd.s32 $0x1, s7;
	v18 =	vld [tilespmem:s5+$0xFFFFFFC0]  }
0xee: {  	v19 =	vmov s8  }
0xef: {  	vm1 =	vlt.s32 v19, v3;
	v14 =	vadd.f32 v16, v14  }
0xf0: {  	v16 =	vsel vm1, $0x41000000, v0  }
0xf1: {  	v19 =	vmov s7;
	v14 =	vmul.f32 v14, v16  }
0xf2: {  	vm1 =	vlt.s32 v19, v3;
	v3 =	vadd.f32 v18, v17  }
0xf3: {  	[tilespmem:s17+$0x0] =	vst v14;
	v14 =	vsel vm1, $0x41000000, v0  }
0xf4: {  	v17 =	vld [tilespmem:s17+$0x10];
	v3 =	vmul.f32 v3, v14  }
0xf5: {  	v18 =	vld [tilespmem:s5+$0x10]  }
0xf6: {  	v20 =	vld [tilespmem:s17+$0xFFFFFFD0];
	[tilespmem:s17+$0xFFFFFFC0] =	vst v3  }
0xf7: {  	v3 =	vadd.f32 v13, v9;
	v13 =	vld [tilespmem:s5+$0xFFFFFFD0]  }
0xf8: {  	v9 =	vmul.f32 v15, v5;
	_ =	sdelay $0x1  }
0xf9: {  	v3 =	vmul.f32 v3, v6;
	[tilespmem:s15+$0x10] =	vst v9;
	v9 =	vadd.f32 v18, v17  }
0xfa: {  	v15 =	vld [tilespmem:s15+$0x20]  }
0xfb: {  	v17 =	vld [tilespmem:s16+$0x20];
	[tilespmem:s15+$0xFFFFFFD0] =	vst v3;
	v3 =	vmul.f32 v9, v16;
	v13 =	vadd.f32 v13, v20  }
0xfc: {  	v19 =	vld [tilespmem:s17+$0xFFFFFFE0]  }
0xfd: {  	v9 =	vld [tilespmem:s16+$0xFFFFFFE0];
	[tilespmem:s17+$0x10] =	vst v3;
	v3 =	vmul.f32 v13, v14  }
0xfe: {  	v13 =	vld [tilespmem:s17+$0x20]  }
0xff: {  	v62 =	vld [tilespmem:s5+$0x20];
	[tilespmem:s17+$0xFFFFFFD0] =	vst v3  }
0x100: {  	v3 =	vadd.f32 v17, v15;
	v15 =	vld [tilespmem:s5+$0xFFFFFFE0];
	_ =	sdelay $0x1  }
0x101: {  	v8 =	vadd.f32 v9, v8  }
0x102: {  	v18 =	vld [tilespmem:s17+$0xFFFFFFF0];
	v3 =	vmul.f32 v3, v5  }
0x103: {  	v8 =	vmul.f32 v8, v6;
	v9 =	vadd.f32 v62, v13;
	v13 =	vld [tilespmem:s14+$0xFFFFFFF0]  }
0x104: {  	[tilespmem:s15+$0x20] =	vst v3;
	v3 =	vld [tilespmem:s15+$0x30];
	v15 =	vadd.f32 v15, v19  }
0x105: {  	[tilespmem:s15+$0xFFFFFFE0] =	vst v8;
	v9 =	vmul.f32 v9, v16;
	v17 =	vld [tilespmem:s16+$0x30]  }
0x106: {  	v8 =	vld [tilespmem:s16+$0xFFFFFFF0];
	v15 =	vmul.f32 v15, v14  }
0x107: {  	[tilespmem:s17+$0x20] =	vst v9;
	v9 =	vld [tilespmem:s17+$0x30]  }
0x108: {  	v19 =	vld [tilespmem:s5+$0x30];
	[tilespmem:s17+$0xFFFFFFE0] =	vst v15  }
0x109: {  	v10 =	vadd.f32 v11, v10;
	v11 =	vld [tilespmem:s5+$0xFFFFFFF0]  }
0x10a: {  	v4 =	vadd.f32 v13, v4  }
0x10b: {  	v1 =	vmul.f32 v10, v1;
	v3 =	vadd.f32 v17, v3  }
0x10c: {  	[tilespmem:s0+$0xFFFFFFF0] =	vst v12;
	v2 =	vmul.f32 v4, v2;
	v4 =	vadd.f32 v8, v7  }
0x10d: {  	[tilespmem:s30+$0x30] =	vst v1;
	v1 =	vmul.f32 v3, v5;
	v3 =	vadd.f32 v19, v9  }
0x10e: {  	[tilespmem:s30+$0xFFFFFFF0] =	vst v2;
	v2 =	vmul.f32 v4, v6;
	v4 =	vadd.f32 v11, v18  }
0x10f: {  	s8 =	sadd.s32 s6, s1;
	[tilespmem:s15+$0x30] =	vst v1;
	v1 =	vmul.f32 v3, v16  }
0x110: {  	s0 =	smul.u32 $0x640, s8;
	[tilespmem:s15+$0xFFFFFFF0] =	vst v2;
	v2 =	vmul.f32 v4, v14  }
0x111: {  	[tilespmem:s17+$0x30] =	vst v1  }
0x112: {  	s9 =	simm.s32 $0x9690;
	s0 =	sadd.s32 s2, s0;
	[tilespmem:s17+$0xFFFFFFF0] =	vst v2  }
0x113: {  	[hbm4b:s0+s3] =	stream.linear.scatter [tilespmem:s9], [sflag:$0x5], $0x3200, $0x38;
	[tilespmem:$0x16690] =	vst v63  }
0x114: {  	_ =	swait.ge [sflag:s11], $0x3400  }
0x115: {  	[sflag:s11] =	ssyncset.done $0x0  }
0x116: {  	s30 =	sor.u32 $0x3, s1;
	s0 =	simm.s32 @!p0 $0x8;
	[sflag:s11] =	ssyncadd.s32 $0xFFFFCC00  }
0x117: {  	s13 =	smul.u32 $0x320, s30;
	_ =	swait.ge @!p0 [sflag:s0], $0x3200  }
0x118: {  	[sflag:s0] =	ssyncset.done @!p0 $0x0  }
0x119: {  	[sflag:s0] =	ssyncadd.s32 @!p0 $0xFFFFCE00;
	s0 =	sshra.s32 s13, $0x2  }
0x11a: {  	v1 =	vld [tilespmem:s0+$0x3290];
	_ =	sdelay $0x6  }
0x11b: {  	s7 =	simm.s32 $0x0  }
0x11c: {  	[tilespmem:s12], [sflag:$0x4] =	stream.indirect_vreg.gather [hbm4b:s4+s7], $0x40, v1, vm0, $0xb8;
	[tilespmem:$0x16690] =	vst v63  }
0x11d: {  	v1 =	vld [tilespmem:s0+$0x32A0];
	_ =	sdelay $0x6  }
0x11e: {  	s14 =	simm.s32 $0x13690  }
0x11f: {  	[tilespmem:s14], [sflag:$0x4] =	stream.indirect_vreg.gather [hbm4b:s4+s7], $0x40, v1, vm0, $0xb8;
	[tilespmem:$0x16690] =	vst v63  }
0x120: {  	v1 =	vld [tilespmem:s0+$0x32B0];
	_ =	sdelay $0x6  }
0x121: {  	s15 =	simm.s32 $0x13A90  }
0x122: {  	[tilespmem:s15], [sflag:$0x4] =	stream.indirect_vreg.gather [hbm4b:s4+s7], $0x40, v1, vm0, $0xb8;
	[tilespmem:$0x16690] =	vst v63  }
0x123: {  	v1 =	vld [tilespmem:s0+$0x32C0];
	_ =	sdelay $0x6  }
0x124: {  	s16 =	simm.s32 $0x13E90  }
0x125: {  	[tilespmem:s16], [sflag:$0x4] =	stream.indirect_vreg.gather [hbm4b:s4+s7], $0x40, v1, vm0, $0xb8;
	[tilespmem:$0x16690] =	vst v63  }
0x126: {  	v1 =	vld [tilespmem:s0+$0x32D0];
	_ =	sdelay $0x6  }
0x127: {  	s17 =	simm.s32 $0x14290  }
0x128: {  	[tilespmem:s17], [sflag:$0x4] =	stream.indirect_vreg.gather [hbm4b:s4+s7], $0x40, v1, vm0, $0xb8;
	[tilespmem:$0x16690] =	vst v63  }
0x129: {  	v1 =	vld [tilespmem:s0+$0x32E0];
	_ =	sdelay $0x6  }
0x12a: {  	s8 =	simm.s32 $0x14690  }
0x12b: {  	[tilespmem:s8], [sflag:$0x4] =	stream.indirect_vreg.gather [hbm4b:s4+s7], $0x40, v1, vm0, $0xb8;
	[tilespmem:$0x16690] =	vst v63  }
0x12c: {  	v1 =	vld [tilespmem:s0+$0x32F0];
	_ =	sdelay $0x6  }
0x12d: {  	s9 =	simm.s32 $0x14A90  }
0x12e: {  	[tilespmem:s9], [sflag:$0x4] =	stream.indirect_vreg.gather [hbm4b:s4+s7], $0x40, v1, vm0, $0xb8;
	[tilespmem:$0x16690] =	vst v63  }
0x12f: {  	v1 =	vld [tilespmem:s0+$0x3300];
	_ =	sdelay $0x6  }
0x130: {  	s13 =	simm.s32 $0x14E90  }
0x131: {  	[tilespmem:s13], [sflag:$0x4] =	stream.indirect_vreg.gather [hbm4b:s4+s7], $0x40, v1, vm0, $0xb8;
	[tilespmem:$0x16690] =	vst v63  }
0x132: {  	v1 =	vld [tilespmem:s0+$0x3310];
	_ =	sdelay $0x6  }
0x133: {  	s14 =	simm.s32 $0x15290  }
0x134: {  	[tilespmem:s14], [sflag:$0x4] =	stream.indirect_vreg.gather [hbm4b:s4+s7], $0x40, v1, vm0, $0xb8;
	[tilespmem:$0x16690] =	vst v63  }
0x135: {  	v1 =	vld [tilespmem:s0+$0x3320];
	_ =	sdelay $0x7  }
0x136: {  	[tilespmem:s10], [sflag:$0x4] =	stream.indirect_vreg.gather [hbm4b:s4+s7], $0x40, v1, vm0, $0xb8;
	[tilespmem:$0x16690] =	vst v63  }
0x137: {  	v1 =	vld [tilespmem:s0+$0x3330];
	_ =	sdelay $0x7  }
0x138: {  	[tilespmem:s20], [sflag:$0x4] =	stream.indirect_vreg.gather [hbm4b:s4+s7], $0x40, v1, vm0, $0xb8;
	[tilespmem:$0x16690] =	vst v63  }
0x139: {  	v1 =	vld [tilespmem:s0+$0x3340];
	_ =	sdelay $0x7  }
0x13a: {  	[tilespmem:s21], [sflag:$0x4] =	stream.indirect_vreg.gather [hbm4b:s4+s7], $0x40, v1, vm0, $0xb8;
	[tilespmem:$0x16690] =	vst v63  }
0x13b: {  	v1 =	vld [tilespmem:s0+$0x3348];
	_ =	sdelay $0x7  }
0x13c: {  	[tilespmem:s22], [sflag:$0x4] =	stream.indirect_vreg.gather [hbm4b:s4+s7], $0x40, v1, vm0, $0xb8;
	[tilespmem:$0x16690] =	vst v63  }
0x13d: {  	s0 =	simm.s32 $0xCAD0;
	v1 =	vld [tilespmem:s29+$0x0]  }
0x13e: {  	s5 =	simm.s32 $0xD0;
	v2 =	vld [tilespmem:s0+$0x0]  }
0x13f: {  	s1 =	sor.u32 $0x1, s1;
	v4 =	vld [tilespmem:s5+$0x0]  }
0x140: {  	s15 =	ssub.s32 s1, s29  }
0x141: {  	v3 =	vmov s15  }
0x142: {  	s16 =	simm.s32 $0x1;
	v3 =	vperm.xlane v1, v3  }
0x143: {  	v1 =	vmov s16  }
0x144: {  	vm1 =	vlt.s32 v1, v3;
	v1 =	vadd.f32 v4, v2  }
0x145: {  	v10 =	vsel vm1, $0x41000000, v0  }
0x146: {  	v2 =	vld [tilespmem:s0+$0xFFFFFFC0];
	v1 =	vmul.f32 v1, v10  }
0x147: {  	v4 =	vld [tilespmem:s5+$0xFFFFFFC0]  }
0x148: {  	[tilespmem:s0+$0x0] =	vst v1;
	v1 =	vld [tilespmem:s0+$0x10]  }
0x149: {  	v5 =	vld [tilespmem:s5+$0x10];
	_ =	sdelay $0x1  }
0x14a: {  	v6 =	vmov s7  }
0x14b: {  	s14 =	simm.s32 $0xCB50;
	v7 =	vld [tilespmem:s0+$0xFFFFFFD0];
	vm1 =	vlt.s32 v6, v3;
	v2 =	vadd.f32 v4, v2  }
0x14c: {  	s15 =	simm.s32 $0x150;
	v12 =	vsel vm1, $0x41000000, v0;
	v4 =	vld [tilespmem:s14+$0x0]  }
0x14d: {  	v2 =	vmul.f32 v2, v12;
	v1 =	vadd.f32 v5, v1;
	v5 =	vld [tilespmem:s15+$0x0]  }
0x14e: {  	v8 =	vld [tilespmem:s14+$0xFFFFFFC0]  }
0x14f: {  	v9 =	vld [tilespmem:s15+$0xFFFFFFC0];
	[tilespmem:s0+$0xFFFFFFC0] =	vst v2;
	v1 =	vmul.f32 v1, v10  }
0x150: {  	s17 =	simm.s32 $0x3;
	v2 =	vld [tilespmem:s5+$0xFFFFFFD0]  }
0x151: {  	v11 =	vld [tilespmem:s0+$0x20];
	[tilespmem:s0+$0x10] =	vst v1;
	v1 =	vmov s17  }
0x152: {  	v14 =	vld [tilespmem:s0+$0xFFFFFFF0];
	vm1 =	vlt.s32 v1, v3;
	v4 =	vadd.f32 v5, v4  }
0x153: {  	v5 =	vld [tilespmem:s5+$0x20];
	v1 =	vsel vm1, $0x41000000, v0  }
0x154: {  	s8 =	simm.s32 $0x2;
	v13 =	vld [tilespmem:s14+$0xFFFFFFD0];
	v4 =	vmul.f32 v4, v1  }
0x155: {  	v16 =	vld [tilespmem:s0+$0x30];
	v2 =	vadd.f32 v2, v7;
	v7 =	vmov s8  }
0x156: {  	vm1 =	vlt.s32 v7, v3;
	v7 =	vadd.f32 v9, v8;
	v8 =	vld [tilespmem:s14+$0x10];
	[tilespmem:s14+$0x0] =	vst v4  }
0x157: {  	v4 =	vmul.f32 v2, v12;
	v2 =	vsel vm1, $0x41000000, v0;
	v9 =	vld [tilespmem:s15+$0x10]  }
0x158: {  	v18 =	vld [tilespmem:s14+$0x20];
	v7 =	vmul.f32 v7, v2;
	v5 =	vadd.f32 v5, v11  }
0x159: {  	v6 =	vld [tilespmem:s0+$0xFFFFFFE0];
	[tilespmem:s0+$0xFFFFFFD0] =	vst v4  }
0x15a: {  	v15 =	vld [tilespmem:s5+$0xFFFFFFE0];
	[tilespmem:s14+$0xFFFFFFC0] =	vst v7;
	v5 =	vmul.f32 v5, v10  }
0x15b: {  	s16 =	simm.s32 $0xCBD0;
	v7 =	vld [tilespmem:s15+$0xFFFFFFD0]  }
0x15c: {  	[tilespmem:s0+$0x20] =	vst v5;
	v5 =	vadd.f32 v9, v8;
	v8 =	vld [tilespmem:s16+$0x0]  }
0x15d: {  	s17 =	simm.s32 $0x1D0;
	v19 =	vld [tilespmem:s5+$0x30]  }
0x15e: {  	v9 =	vld [tilespmem:s17+$0x0]  }
0x15f: {  	v17 =	vld [tilespmem:s16+$0xFFFFFFC0];
	v5 =	vmul.f32 v5, v1  }
0x160: {  	v7 =	vadd.f32 v7, v13;
	v13 =	vld [tilespmem:s17+$0xFFFFFFC0]  }
0x161: {  	s9 =	simm.s32 $0x5;
	v11 =	vld [tilespmem:s14+$0xFFFFFFE0];
	[tilespmem:s14+$0x10] =	vst v5;
	v5 =	vadd.f32 v15, v6  }
0x162: {  	v6 =	vmul.f32 v7, v2;
	v7 =	vmov s9;
	v15 =	vld [tilespmem:s15+$0x20];
	v16 =	vadd.f32 v19, v16  }
0x163: {  	s13 =	simm.s32 $0x4;
	v4 =	vld [tilespmem:s14+$0xFFFFFFF0];
	vm1 =	vlt.s32 v7, v3;
	v7 =	vadd.f32 v9, v8;
	v8 =	vmul.f32 v5, v12  }
0x164: {  	v9 =	vld [tilespmem:s16+$0xFFFFFFD0];
	[tilespmem:s14+$0xFFFFFFD0] =	vst v6;
	v6 =	vmov s13;
	v5 =	vsel vm1, $0x41000000, v0;
	v16 =	vmul.f32 v16, v10  }
0x165: {  	v10 =	vld [tilespmem:s14+$0x30];
	v13 =	vadd.f32 v13, v17;
	vm1 =	vlt.s32 v6, v3;
	v7 =	vmul.f32 v7, v5  }
0x166: {  	v17 =	vld [tilespmem:s15+$0xFFFFFFE0];
	[tilespmem:s0+$0xFFFFFFE0] =	vst v8;
	v6 =	vsel vm1, $0x41000000, v0  }
0x167: {  	v63 =	vld [tilespmem:s5+$0xFFFFFFF0];
	[tilespmem:s16+$0x0] =	vst v7;
	v7 =	vmul.f32 v13, v6;
	v13 =	vadd.f32 v15, v18  }
0x168: {  	v15 =	vld [tilespmem:s16+$0x10]  }
0x169: {  	v18 =	vld [tilespmem:s17+$0x10];
	v13 =	vmul.f32 v13, v1  }
0x16a: {  	v8 =	vld [tilespmem:s16+$0xFFFFFFE0];
	[tilespmem:s16+$0xFFFFFFC0] =	vst v7  }
0x16b: {  	s7 =	simm.s32 $0x250;
	v11 =	vadd.f32 v17, v11;
	[tilespmem:s14+$0x20] =	vst v13;
	v13 =	vld [tilespmem:s17+$0xFFFFFFD0]  }
0x16c: {  	[tilespmem:s0+$0x30] =	vst v16;
	v16 =	vld [tilespmem:s7+$0x0];
	v19 =	vadd.f32 v63, v14  }
0x16d: {  	v17 =	vmul.f32 v11, v2;
	v11 =	vld [tilespmem:s15+$0x30]  }
0x16e: {  	s5 =	simm.s32 $0xCC50;
	v7 =	vld [tilespmem:s16+$0xFFFFFFF0];
	v15 =	vadd.f32 v18, v15;
	v12 =	vmul.f32 v19, v12  }
0x16f: {  	s8 =	simm.s32 $0x8;
	s13 =	simm.s32 $0x6;
	v14 =	vld [tilespmem:s5+$0x0];
	[tilespmem:s14+$0xFFFFFFE0] =	vst v17  }
.LBB2_7:
0x170: {  	p0 =	slt.u32 s8, $0xC6;
	v17 =	vld [tilespmem:s5+$0xFFFFFFC0];
	v9 =	vadd.f32 v13, v9;
	v13 =	vmul.f32 v15, v5;
	[tilespmem:s0+$0xFFFFFFF0] =	vst v12;
	s0 =	smov.u32 s14;
	s14 =	smov.u32 s16  }
0x171: {  	s16 =	smov.u32 s5;
	v12 =	vld [tilespmem:s7+$0xFFFFFFC0]  }
0x172: {  	s9 =	sadd.s32 $0x1, s13;
	v15 =	vmul.f32 v9, v6;
	[tilespmem:s14+$0x10] =	vst v13;
	v13 =	vld [tilespmem:s14+$0x20];
	v10 =	vadd.f32 v11, v10  }
0x173: {  	v11 =	vmov s9;
	v18 =	vld [tilespmem:s17+$0x20]  }
0x174: {  	vm1 =	vlt.s32 v11, v3;
	v9 =	vld [tilespmem:s5+$0xFFFFFFD0];
	v11 =	vadd.f32 v16, v14;
	[tilespmem:s14+$0xFFFFFFD0] =	vst v15;
	v10 =	vmul.f32 v10, v1  }
0x175: {  	v14 =	vmov s13;
	v1 =	vmov v5;
	v5 =	vsel vm1, $0x41000000, v0;
	s13 =	smov.u32 s8;
	v15 =	vld [tilespmem:s17+$0xFFFFFFE0]  }
0x176: {  	vm1 =	vlt.s32 v14, v3;
	v12 =	vadd.f32 v12, v17;
	v14 =	vld [tilespmem:s5+$0xFFFFFFE0];
	v11 =	vmul.f32 v11, v5;
	[tilespmem:s0+$0x30] =	vst v10  }
0x177: {  	v16 =	vsel vm1, $0x41000000, v0;
	v17 =	vld [tilespmem:s15+$0xFFFFFFF0];
	s15 =	smov.u32 s17;
	s17 =	smov.u32 s7  }
0x178: {  	v10 =	vmul.f32 v12, v16;
	[tilespmem:s5+$0x0] =	vst v11;
	v12 =	vld [tilespmem:s5+$0x10];
	v11 =	vadd.f32 v18, v13  }
0x179: {  	v18 =	vld [tilespmem:s7+$0x10]  }
0x17a: {  	[tilespmem:s5+$0xFFFFFFC0] =	vst v10;
	v19 =	vld [tilespmem:s5+$0xFFFFFFF0];
	v10 =	vadd.f32 v15, v8;
	v11 =	vmul.f32 v11, v1  }
.Ltmp2:
0x17b: {  	v13 =	vld [tilespmem:s7+$0xFFFFFFD0];
	v8 =	vmov v14;
	(pc) =	sbr.rel @p0 .LBB2_7-.Ltmp2, $4  }
0x17c: {  	v20 =	vmul.f32 v10, v6;
	[tilespmem:s14+$0x20] =	vst v11;
	v10 =	vld [tilespmem:s14+$0x30];
	v17 =	vadd.f32 v17, v4;
	v4 =	vmov v7  }
0x17d: {  	s5 =	sadd.s32 $0x80, s5;
	v11 =	vld [tilespmem:s15+$0x30]  }
0x17e: {  	s7 =	sadd.s32 $0x80, s7;
	v14 =	vld [tilespmem:s5+$0x0];
	v15 =	vadd.f32 v18, v12;
	[tilespmem:s14+$0xFFFFFFE0] =	vst v20;
	v12 =	vmul.f32 v17, v2;
	v2 =	vmovc v6;
	v6 =	vmov v16  }
0x17f: {  	s8 =	sadd.s32 $0x2, s8;
	v16 =	vld [tilespmem:s7+$0x0];
	v7 =	vmov v19  }
0x180: {  	_ = 	snop  }
0x181: {  	v17 =	vld [tilespmem:s5+$0xFFFFFFC0]  }
0x182: {  	s8 =	sadd.s32 $0x1, s13;
	v18 =	vld [tilespmem:s7+$0xFFFFFFC0]  }
0x183: {  	v19 =	vmov s8  }
0x184: {  	vm1 =	vlt.s32 v19, v3;
	v14 =	vadd.f32 v16, v14  }
0x185: {  	v16 =	vsel vm1, $0x41000000, v0  }
0x186: {  	v19 =	vmov s13;
	v14 =	vmul.f32 v14, v16  }
0x187: {  	vm1 =	vlt.s32 v19, v3;
	v3 =	vadd.f32 v18, v17  }
0x188: {  	[tilespmem:s5+$0x0] =	vst v14;
	v14 =	vsel vm1, $0x41000000, v0  }
0x189: {  	v17 =	vld [tilespmem:s5+$0x10];
	v3 =	vmul.f32 v3, v14  }
0x18a: {  	v18 =	vld [tilespmem:s7+$0x10]  }
0x18b: {  	v20 =	vld [tilespmem:s5+$0xFFFFFFD0];
	[tilespmem:s5+$0xFFFFFFC0] =	vst v3  }
0x18c: {  	v3 =	vadd.f32 v13, v9;
	v13 =	vld [tilespmem:s7+$0xFFFFFFD0]  }
0x18d: {  	v9 =	vmul.f32 v15, v5;
	_ =	sdelay $0x1  }
0x18e: {  	v3 =	vmul.f32 v3, v6;
	[tilespmem:s16+$0x10] =	vst v9;
	v9 =	vadd.f32 v18, v17  }
0x18f: {  	v15 =	vld [tilespmem:s16+$0x20]  }
0x190: {  	v17 =	vld [tilespmem:s17+$0x20];
	[tilespmem:s16+$0xFFFFFFD0] =	vst v3;
	v3 =	vmul.f32 v9, v16;
	v13 =	vadd.f32 v13, v20  }
0x191: {  	v19 =	vld [tilespmem:s5+$0xFFFFFFE0]  }
0x192: {  	v9 =	vld [tilespmem:s17+$0xFFFFFFE0];
	[tilespmem:s5+$0x10] =	vst v3;
	v3 =	vmul.f32 v13, v14  }
0x193: {  	v13 =	vld [tilespmem:s5+$0x20]  }
0x194: {  	v62 =	vld [tilespmem:s7+$0x20];
	[tilespmem:s5+$0xFFFFFFD0] =	vst v3  }
0x195: {  	v3 =	vadd.f32 v17, v15;
	v15 =	vld [tilespmem:s7+$0xFFFFFFE0];
	_ =	sdelay $0x1  }
0x196: {  	v8 =	vadd.f32 v9, v8  }
0x197: {  	v18 =	vld [tilespmem:s5+$0xFFFFFFF0];
	v3 =	vmul.f32 v3, v5  }
0x198: {  	v8 =	vmul.f32 v8, v6;
	v9 =	vadd.f32 v62, v13;
	v13 =	vld [tilespmem:s15+$0xFFFFFFF0]  }
0x199: {  	[tilespmem:s16+$0x20] =	vst v3;
	v3 =	vld [tilespmem:s16+$0x30];
	v15 =	vadd.f32 v15, v19  }
0x19a: {  	[tilespmem:s16+$0xFFFFFFE0] =	vst v8;
	v9 =	vmul.f32 v9, v16;
	v17 =	vld [tilespmem:s17+$0x30]  }
0x19b: {  	v8 =	vld [tilespmem:s17+$0xFFFFFFF0];
	v15 =	vmul.f32 v15, v14  }
0x19c: {  	[tilespmem:s5+$0x20] =	vst v9;
	v9 =	vld [tilespmem:s5+$0x30]  }
0x19d: {  	v19 =	vld [tilespmem:s7+$0x30];
	[tilespmem:s5+$0xFFFFFFE0] =	vst v15  }
0x19e: {  	v10 =	vadd.f32 v11, v10;
	v11 =	vld [tilespmem:s7+$0xFFFFFFF0]  }
0x19f: {  	v4 =	vadd.f32 v13, v4  }
0x1a0: {  	v1 =	vmul.f32 v10, v1;
	v3 =	vadd.f32 v17, v3  }
0x1a1: {  	[tilespmem:s0+$0xFFFFFFF0] =	vst v12;
	v2 =	vmul.f32 v4, v2;
	v4 =	vadd.f32 v8, v7  }
0x1a2: {  	[tilespmem:s14+$0x30] =	vst v1;
	v1 =	vmul.f32 v3, v5;
	v3 =	vadd.f32 v19, v9  }
0x1a3: {  	[tilespmem:s14+$0xFFFFFFF0] =	vst v2;
	v2 =	vmul.f32 v4, v6;
	v4 =	vadd.f32 v11, v18  }
0x1a4: {  	s13 =	sadd.s32 s6, s1;
	[tilespmem:s16+$0x30] =	vst v1;
	v1 =	vmul.f32 v3, v16  }
0x1a5: {  	s0 =	smul.u32 $0x640, s13;
	[tilespmem:s16+$0xFFFFFFF0] =	vst v2;
	v2 =	vmul.f32 v4, v14  }
0x1a6: {  	[tilespmem:s5+$0x30] =	vst v1  }
0x1a7: {  	s0 =	sadd.s32 s2, s0;
	[tilespmem:s5+$0xFFFFFFF0] =	vst v2  }
0x1a8: {  	[hbm4b:s0+s3] =	stream.linear.scatter [tilespmem:s26], [sflag:$0x6], $0x3200, $0x38;
	[tilespmem:$0x16690] =	vst v63  }
0x1a9: {  	_ =	swait.ge [sflag:s23], $0x3400  }
0x1aa: {  	p0 =	seq.s32 s28, $0x1F;
	[sflag:s23] =	ssyncset.done $0x0  }
0x1ab: {  	s0 =	simm.s32 @!p0 $0x5;
	[sflag:s23] =	ssyncadd.s32 $0xFFFFCC00  }
0x1ac: {  	s1 =	smul.u32 @!p0 $0xC80, s28;
	_ =	swait.ge @!p0 [sflag:s0], $0x3200  }
0x1ad: {  	[sflag:s0] =	ssyncset.done @!p0 $0x0  }
0x1ae: {  	s1 =	sshra.s32 @!p0 s1, $0x2;
	[sflag:s0] =	ssyncadd.s32 @!p0 $0xFFFFCE00  }
0x1af: {  	v1 =	vld @!p0 [tilespmem:s1+$0x35B0];
	_ =	sdelay $0x6  }
0x1b0: {  	vm1 =	vmmov @!p0 $0xffff;
	s5 =	simm.s32 @!p0 $0x9690;
	s0 =	simm.s32 @!p0 $0x0  }
0x1b1: {  	[tilespmem:s5], [sflag:$0x1] =	stream.indirect_vreg.gather @!p0 [hbm4b:s4+s0], $0x40, v1, vm1, $0xb8;
	[tilespmem:$0x16690] =	vst v63  }
0x1b2: {  	v1 =	vld @!p0 [tilespmem:s1+$0x35C0];
	_ =	sdelay $0x6  }
0x1b3: {  	s5 =	simm.s32 @!p0 $0x9A90  }
0x1b4: {  	[tilespmem:s5], [sflag:$0x1] =	stream.indirect_vreg.gather @!p0 [hbm4b:s4+s0], $0x40, v1, vm1, $0xb8;
	[tilespmem:$0x16690] =	vst v63  }
0x1b5: {  	v1 =	vld @!p0 [tilespmem:s1+$0x35D0];
	_ =	sdelay $0x6  }
0x1b6: {  	s5 =	simm.s32 @!p0 $0x9E90  }
0x1b7: {  	[tilespmem:s5], [sflag:$0x1] =	stream.indirect_vreg.gather @!p0 [hbm4b:s4+s0], $0x40, v1, vm1, $0xb8;
	[tilespmem:$0x16690] =	vst v63  }
0x1b8: {  	v1 =	vld @!p0 [tilespmem:s1+$0x35E0];
	_ =	sdelay $0x6  }
0x1b9: {  	s5 =	simm.s32 @!p0 $0xA290  }
0x1ba: {  	[tilespmem:s5], [sflag:$0x1] =	stream.indirect_vreg.gather @!p0 [hbm4b:s4+s0], $0x40, v1, vm1, $0xb8;
	[tilespmem:$0x16690] =	vst v63  }
0x1bb: {  	v1 =	vld @!p0 [tilespmem:s1+$0x35F0];
	_ =	sdelay $0x6  }
0x1bc: {  	s5 =	simm.s32 @!p0 $0xA690  }
0x1bd: {  	[tilespmem:s5], [sflag:$0x1] =	stream.indirect_vreg.gather @!p0 [hbm4b:s4+s0], $0x40, v1, vm1, $0xb8;
	[tilespmem:$0x16690] =	vst v63  }
0x1be: {  	v1 =	vld @!p0 [tilespmem:s1+$0x3600];
	_ =	sdelay $0x6  }
0x1bf: {  	s5 =	simm.s32 @!p0 $0xAA90  }
0x1c0: {  	[tilespmem:s5], [sflag:$0x1] =	stream.indirect_vreg.gather @!p0 [hbm4b:s4+s0], $0x40, v1, vm1, $0xb8;
	[tilespmem:$0x16690] =	vst v63  }
0x1c1: {  	v1 =	vld @!p0 [tilespmem:s1+$0x3610];
	_ =	sdelay $0x6  }
0x1c2: {  	s5 =	simm.s32 @!p0 $0xAE90  }
0x1c3: {  	[tilespmem:s5], [sflag:$0x1] =	stream.indirect_vreg.gather @!p0 [hbm4b:s4+s0], $0x40, v1, vm1, $0xb8;
	[tilespmem:$0x16690] =	vst v63  }
0x1c4: {  	v1 =	vld @!p0 [tilespmem:s1+$0x3620];
	_ =	sdelay $0x6  }
0x1c5: {  	s5 =	simm.s32 @!p0 $0xB290  }
0x1c6: {  	[tilespmem:s5], [sflag:$0x1] =	stream.indirect_vreg.gather @!p0 [hbm4b:s4+s0], $0x40, v1, vm1, $0xb8;
	[tilespmem:$0x16690] =	vst v63  }
0x1c7: {  	v1 =	vld @!p0 [tilespmem:s1+$0x3630];
	_ =	sdelay $0x6  }
0x1c8: {  	s5 =	simm.s32 @!p0 $0xB690  }
0x1c9: {  	[tilespmem:s5], [sflag:$0x1] =	stream.indirect_vreg.gather @!p0 [hbm4b:s4+s0], $0x40, v1, vm1, $0xb8;
	[tilespmem:$0x16690] =	vst v63  }
0x1ca: {  	v1 =	vld @!p0 [tilespmem:s1+$0x3640];
	_ =	sdelay $0x6  }
0x1cb: {  	s5 =	simm.s32 @!p0 $0xBA90  }
0x1cc: {  	[tilespmem:s5], [sflag:$0x1] =	stream.indirect_vreg.gather @!p0 [hbm4b:s4+s0], $0x40, v1, vm1, $0xb8;
	[tilespmem:$0x16690] =	vst v63  }
0x1cd: {  	v1 =	vld @!p0 [tilespmem:s1+$0x3650];
	_ =	sdelay $0x6  }
0x1ce: {  	s5 =	simm.s32 @!p0 $0xBE90  }
0x1cf: {  	[tilespmem:s5], [sflag:$0x1] =	stream.indirect_vreg.gather @!p0 [hbm4b:s4+s0], $0x40, v1, vm1, $0xb8;
	[tilespmem:$0x16690] =	vst v63  }
0x1d0: {  	v1 =	vld @!p0 [tilespmem:s1+$0x3660];
	_ =	sdelay $0x6  }
0x1d1: {  	s5 =	simm.s32 @!p0 $0xC290  }
0x1d2: {  	[tilespmem:s5], [sflag:$0x1] =	stream.indirect_vreg.gather @!p0 [hbm4b:s4+s0], $0x40, v1, vm1, $0xb8;
	[tilespmem:$0x16690] =	vst v63  }
0x1d3: {  	v1 =	vld @!p0 [tilespmem:s1+$0x3668];
	_ =	sdelay $0x6  }
0x1d4: {  	s5 =	simm.s32 @!p0 $0xC490  }
0x1d5: {  	[tilespmem:s5], [sflag:$0x1] =	stream.indirect_vreg.gather @!p0 [hbm4b:s4+s0], $0x40, v1, vm1, $0xb8;
	[tilespmem:$0x16690] =	vst v63  }
0x1d6: {  	s0 =	simm.s32 $0xFED0;
	v1 =	vld [tilespmem:s29+$0x0]  }
0x1d7: {  	s5 =	simm.s32 $0xD0;
	v2 =	vld [tilespmem:s0+$0x0]  }
0x1d8: {  	v4 =	vld [tilespmem:s5+$0x0]  }
0x1d9: {  	s14 =	ssub.s32 s31, s29  }
0x1da: {  	v3 =	vmov s14  }
0x1db: {  	s15 =	simm.s32 $0x1;
	v3 =	vperm.xlane v1, v3  }
0x1dc: {  	v1 =	vmov s15  }
0x1dd: {  	vm2 =	vlt.s32 v1, v3;
	v1 =	vadd.f32 v4, v2  }
0x1de: {  	v10 =	vsel vm2, $0x41000000, v0  }
0x1df: {  	v2 =	vld [tilespmem:s0+$0xFFFFFFC0];
	v1 =	vmul.f32 v1, v10  }
0x1e0: {  	v4 =	vld [tilespmem:s5+$0xFFFFFFC0]  }
0x1e1: {  	[tilespmem:s0+$0x0] =	vst v1;
	v1 =	vld [tilespmem:s0+$0x10]  }
0x1e2: {  	v5 =	vld [tilespmem:s5+$0x10]  }
0x1e3: {  	s16 =	simm.s32 $0x0  }
0x1e4: {  	v6 =	vmov s16  }
0x1e5: {  	s14 =	simm.s32 $0xFF50;
	v7 =	vld [tilespmem:s0+$0xFFFFFFD0];
	vm2 =	vlt.s32 v6, v3;
	v2 =	vadd.f32 v4, v2  }
0x1e6: {  	s15 =	simm.s32 $0x150;
	v12 =	vsel vm2, $0x41000000, v0;
	v4 =	vld [tilespmem:s14+$0x0]  }
0x1e7: {  	v2 =	vmul.f32 v2, v12;
	v1 =	vadd.f32 v5, v1;
	v5 =	vld [tilespmem:s15+$0x0]  }
0x1e8: {  	v8 =	vld [tilespmem:s14+$0xFFFFFFC0]  }
0x1e9: {  	v11 =	vld [tilespmem:s0+$0x20];
	[tilespmem:s0+$0xFFFFFFC0] =	vst v2;
	v1 =	vmul.f32 v1, v10  }
0x1ea: {  	s17 =	simm.s32 $0x3;
	v2 =	vld [tilespmem:s5+$0xFFFFFFD0]  }
0x1eb: {  	v9 =	vld [tilespmem:s15+$0xFFFFFFC0];
	[tilespmem:s0+$0x10] =	vst v1;
	v1 =	vmov s17  }
0x1ec: {  	v14 =	vld [tilespmem:s0+$0xFFFFFFF0];
	vm2 =	vlt.s32 v1, v3;
	v4 =	vadd.f32 v5, v4  }
0x1ed: {  	v5 =	vld [tilespmem:s5+$0x20];
	v1 =	vsel vm2, $0x41000000, v0  }
0x1ee: {  	s8 =	simm.s32 $0x2;
	v13 =	vld [tilespmem:s14+$0xFFFFFFD0];
	v4 =	vmul.f32 v4, v1  }
0x1ef: {  	v16 =	vld [tilespmem:s0+$0x30];
	v2 =	vadd.f32 v2, v7;
	v7 =	vmov s8  }
0x1f0: {  	vm2 =	vlt.s32 v7, v3;
	v7 =	vadd.f32 v9, v8;
	v8 =	vld [tilespmem:s14+$0x10];
	[tilespmem:s14+$0x0] =	vst v4  }
0x1f1: {  	s16 =	simm.s32 $0xFFD0;
	v4 =	vmul.f32 v2, v12;
	v2 =	vsel vm2, $0x41000000, v0;
	v9 =	vld [tilespmem:s15+$0x10]  }
0x1f2: {  	v17 =	vld [tilespmem:s16+$0xFFFFFFC0];
	v7 =	vmul.f32 v7, v2;
	v5 =	vadd.f32 v5, v11  }
0x1f3: {  	v6 =	vld [tilespmem:s0+$0xFFFFFFE0];
	[tilespmem:s0+$0xFFFFFFD0] =	vst v4  }
0x1f4: {  	v15 =	vld [tilespmem:s5+$0xFFFFFFE0];
	[tilespmem:s14+$0xFFFFFFC0] =	vst v7;
	v5 =	vmul.f32 v5, v10  }
0x1f5: {  	v7 =	vld [tilespmem:s15+$0xFFFFFFD0]  }
0x1f6: {  	[tilespmem:s0+$0x20] =	vst v5;
	v5 =	vadd.f32 v9, v8;
	v8 =	vld [tilespmem:s16+$0x0]  }
0x1f7: {  	s17 =	simm.s32 $0x1D0;
	v19 =	vld [tilespmem:s5+$0x30]  }
0x1f8: {  	v9 =	vld [tilespmem:s17+$0x0]  }
0x1f9: {  	v18 =	vld [tilespmem:s14+$0x20];
	v5 =	vmul.f32 v5, v1  }
0x1fa: {  	v7 =	vadd.f32 v7, v13;
	v13 =	vld [tilespmem:s17+$0xFFFFFFC0]  }
0x1fb: {  	s9 =	simm.s32 $0x5;
	v11 =	vld [tilespmem:s14+$0xFFFFFFE0];
	[tilespmem:s14+$0x10] =	vst v5;
	v5 =	vadd.f32 v15, v6  }
0x1fc: {  	v6 =	vmul.f32 v7, v2;
	v7 =	vmov s9;
	v15 =	vld [tilespmem:s15+$0x20];
	v16 =	vadd.f32 v19, v16  }
0x1fd: {  	s13 =	simm.s32 $0x4;
	v4 =	vld [tilespmem:s14+$0xFFFFFFF0];
	vm2 =	vlt.s32 v7, v3;
	v7 =	vadd.f32 v9, v8;
	v8 =	vmul.f32 v5, v12  }
0x1fe: {  	v9 =	vld [tilespmem:s16+$0xFFFFFFD0];
	[tilespmem:s14+$0xFFFFFFD0] =	vst v6;
	v6 =	vmov s13;
	v5 =	vsel vm2, $0x41000000, v0;
	v16 =	vmul.f32 v16, v10  }
0x1ff: {  	v10 =	vld [tilespmem:s14+$0x30];
	v13 =	vadd.f32 v13, v17;
	vm2 =	vlt.s32 v6, v3;
	v7 =	vmul.f32 v7, v5  }
0x200: {  	v17 =	vld [tilespmem:s15+$0xFFFFFFE0];
	[tilespmem:s0+$0xFFFFFFE0] =	vst v8;
	v6 =	vsel vm2, $0x41000000, v0  }
0x201: {  	v63 =	vld [tilespmem:s5+$0xFFFFFFF0];
	[tilespmem:s16+$0x0] =	vst v7;
	v7 =	vmul.f32 v13, v6;
	v13 =	vadd.f32 v15, v18  }
0x202: {  	v15 =	vld [tilespmem:s16+$0x10]  }
0x203: {  	v18 =	vld [tilespmem:s17+$0x10];
	v13 =	vmul.f32 v13, v1  }
0x204: {  	v8 =	vld [tilespmem:s16+$0xFFFFFFE0];
	[tilespmem:s16+$0xFFFFFFC0] =	vst v7  }
0x205: {  	s7 =	simm.s32 $0x250;
	v11 =	vadd.f32 v17, v11;
	[tilespmem:s14+$0x20] =	vst v13;
	v13 =	vld [tilespmem:s17+$0xFFFFFFD0]  }
0x206: {  	[tilespmem:s0+$0x30] =	vst v16;
	v16 =	vld [tilespmem:s7+$0x0];
	v19 =	vadd.f32 v63, v14  }
0x207: {  	v17 =	vmul.f32 v11, v2;
	v11 =	vld [tilespmem:s15+$0x30]  }
0x208: {  	s5 =	simm.s32 $0x10050;
	v7 =	vld [tilespmem:s16+$0xFFFFFFF0];
	v15 =	vadd.f32 v18, v15;
	v12 =	vmul.f32 v19, v12  }
0x209: {  	s8 =	simm.s32 $0x8;
	s13 =	simm.s32 $0x6;
	v14 =	vld [tilespmem:s5+$0x0];
	[tilespmem:s14+$0xFFFFFFE0] =	vst v17  }
.LBB2_9:
0x20a: {  	p1 =	slt.u32 s8, $0xC6;
	v17 =	vld [tilespmem:s5+$0xFFFFFFC0];
	v9 =	vadd.f32 v13, v9;
	v13 =	vmul.f32 v15, v5;
	[tilespmem:s0+$0xFFFFFFF0] =	vst v12;
	s0 =	smov.u32 s14;
	s14 =	smov.u32 s16  }
0x20b: {  	s16 =	smov.u32 s5;
	v12 =	vld [tilespmem:s7+$0xFFFFFFC0]  }
0x20c: {  	s9 =	sadd.s32 $0x1, s13;
	v15 =	vmul.f32 v9, v6;
	[tilespmem:s14+$0x10] =	vst v13;
	v13 =	vld [tilespmem:s14+$0x20];
	v10 =	vadd.f32 v11, v10  }
0x20d: {  	v11 =	vmov s9;
	v18 =	vld [tilespmem:s17+$0x20]  }
0x20e: {  	vm2 =	vlt.s32 v11, v3;
	v9 =	vld [tilespmem:s5+$0xFFFFFFD0];
	v11 =	vadd.f32 v16, v14;
	[tilespmem:s14+$0xFFFFFFD0] =	vst v15;
	v10 =	vmul.f32 v10, v1  }
0x20f: {  	v14 =	vmov s13;
	v1 =	vmov v5;
	v5 =	vsel vm2, $0x41000000, v0;
	s13 =	smov.u32 s8;
	v15 =	vld [tilespmem:s17+$0xFFFFFFE0]  }
0x210: {  	vm2 =	vlt.s32 v14, v3;
	v12 =	vadd.f32 v12, v17;
	v14 =	vld [tilespmem:s5+$0xFFFFFFE0];
	v11 =	vmul.f32 v11, v5;
	[tilespmem:s0+$0x30] =	vst v10  }
0x211: {  	v16 =	vsel vm2, $0x41000000, v0;
	v17 =	vld [tilespmem:s15+$0xFFFFFFF0];
	s15 =	smov.u32 s17;
	s17 =	smov.u32 s7  }
0x212: {  	v10 =	vmul.f32 v12, v16;
	[tilespmem:s5+$0x0] =	vst v11;
	v12 =	vld [tilespmem:s5+$0x10];
	v11 =	vadd.f32 v18, v13  }
0x213: {  	v18 =	vld [tilespmem:s7+$0x10]  }
0x214: {  	[tilespmem:s5+$0xFFFFFFC0] =	vst v10;
	v19 =	vld [tilespmem:s5+$0xFFFFFFF0];
	v10 =	vadd.f32 v15, v8;
	v11 =	vmul.f32 v11, v1  }
.Ltmp3:
0x215: {  	v13 =	vld [tilespmem:s7+$0xFFFFFFD0];
	v8 =	vmov v14;
	(pc) =	sbr.rel @p1 .LBB2_9-.Ltmp3, $4  }
0x216: {  	v20 =	vmul.f32 v10, v6;
	[tilespmem:s14+$0x20] =	vst v11;
	v10 =	vld [tilespmem:s14+$0x30];
	v17 =	vadd.f32 v17, v4;
	v4 =	vmov v7  }
0x217: {  	s5 =	sadd.s32 $0x80, s5;
	v11 =	vld [tilespmem:s15+$0x30]  }
0x218: {  	s7 =	sadd.s32 $0x80, s7;
	v14 =	vld [tilespmem:s5+$0x0];
	v15 =	vadd.f32 v18, v12;
	[tilespmem:s14+$0xFFFFFFE0] =	vst v20;
	v12 =	vmul.f32 v17, v2;
	v2 =	vmovc v6;
	v6 =	vmov v16  }
0x219: {  	s8 =	sadd.s32 $0x2, s8;
	v16 =	vld [tilespmem:s7+$0x0];
	v7 =	vmov v19  }
0x21a: {  	_ = 	snop  }
0x21b: {  	v17 =	vld [tilespmem:s5+$0xFFFFFFC0]  }
0x21c: {  	s8 =	sadd.s32 $0x1, s13;
	v19 =	vld [tilespmem:s7+$0xFFFFFFC0]  }
0x21d: {  	v18 =	vmov s8  }
0x21e: {  	vm2 =	vlt.s32 v18, v3;
	v14 =	vadd.f32 v16, v14  }
0x21f: {  	v16 =	vsel vm2, $0x41000000, v0  }
0x220: {  	v18 =	vmov s13;
	v14 =	vmul.f32 v14, v16  }
0x221: {  	vm2 =	vlt.s32 v18, v3;
	v3 =	vadd.f32 v19, v17  }
0x222: {  	[tilespmem:s5+$0x0] =	vst v14;
	v14 =	vsel vm2, $0x41000000, v0  }
0x223: {  	v17 =	vld [tilespmem:s5+$0x10];
	v3 =	vmul.f32 v3, v14  }
0x224: {  	v18 =	vld [tilespmem:s7+$0x10]  }
0x225: {  	v20 =	vld [tilespmem:s5+$0xFFFFFFD0];
	[tilespmem:s5+$0xFFFFFFC0] =	vst v3  }
0x226: {  	v3 =	vadd.f32 v13, v9;
	v13 =	vld [tilespmem:s7+$0xFFFFFFD0]  }
0x227: {  	v9 =	vmul.f32 v15, v5;
	_ =	sdelay $0x1  }
0x228: {  	v3 =	vmul.f32 v3, v6;
	[tilespmem:s16+$0x10] =	vst v9;
	v9 =	vadd.f32 v18, v17  }
0x229: {  	v15 =	vld [tilespmem:s16+$0x20]  }
0x22a: {  	v17 =	vld [tilespmem:s17+$0x20];
	[tilespmem:s16+$0xFFFFFFD0] =	vst v3;
	v3 =	vmul.f32 v9, v16;
	v13 =	vadd.f32 v13, v20  }
0x22b: {  	v19 =	vld [tilespmem:s5+$0xFFFFFFE0]  }
0x22c: {  	v9 =	vld [tilespmem:s17+$0xFFFFFFE0];
	[tilespmem:s5+$0x10] =	vst v3;
	v3 =	vmul.f32 v13, v14  }
0x22d: {  	v13 =	vld [tilespmem:s5+$0x20]  }
0x22e: {  	v62 =	vld [tilespmem:s7+$0x20];
	[tilespmem:s5+$0xFFFFFFD0] =	vst v3  }
0x22f: {  	v3 =	vadd.f32 v17, v15;
	v15 =	vld [tilespmem:s7+$0xFFFFFFE0];
	_ =	sdelay $0x1  }
0x230: {  	v8 =	vadd.f32 v9, v8  }
0x231: {  	v18 =	vld [tilespmem:s5+$0xFFFFFFF0];
	v3 =	vmul.f32 v3, v5  }
0x232: {  	v8 =	vmul.f32 v8, v6;
	v9 =	vadd.f32 v62, v13;
	v13 =	vld [tilespmem:s15+$0xFFFFFFF0]  }
0x233: {  	[tilespmem:s16+$0x20] =	vst v3;
	v3 =	vld [tilespmem:s16+$0x30];
	v15 =	vadd.f32 v15, v19  }
0x234: {  	[tilespmem:s16+$0xFFFFFFE0] =	vst v8;
	v9 =	vmul.f32 v9, v16;
	v17 =	vld [tilespmem:s17+$0x30]  }
0x235: {  	v8 =	vld [tilespmem:s17+$0xFFFFFFF0];
	v15 =	vmul.f32 v15, v14  }
0x236: {  	[tilespmem:s5+$0x20] =	vst v9;
	v9 =	vld [tilespmem:s5+$0x30]  }
0x237: {  	[tilespmem:s5+$0xFFFFFFE0] =	vst v15;
	v15 =	vld [tilespmem:s7+$0x30]  }
0x238: {  	v10 =	vadd.f32 v11, v10;
	v11 =	vld [tilespmem:s7+$0xFFFFFFF0]  }
0x239: {  	v4 =	vadd.f32 v13, v4  }
0x23a: {  	v1 =	vmul.f32 v10, v1;
	v3 =	vadd.f32 v17, v3  }
0x23b: {  	[tilespmem:s0+$0xFFFFFFF0] =	vst v12;
	v2 =	vmul.f32 v4, v2;
	v4 =	vadd.f32 v8, v7  }
0x23c: {  	[tilespmem:s14+$0x30] =	vst v1;
	v1 =	vmul.f32 v3, v5;
	v3 =	vadd.f32 v15, v9  }
0x23d: {  	[tilespmem:s14+$0xFFFFFFF0] =	vst v2;
	v2 =	vmul.f32 v4, v6;
	v4 =	vadd.f32 v11, v18  }
0x23e: {  	s8 =	sadd.s32 s6, s31;
	[tilespmem:s16+$0x30] =	vst v1;
	v1 =	vmul.f32 v3, v16  }
0x23f: {  	s0 =	smul.u32 $0x640, s8;
	[tilespmem:s16+$0xFFFFFFF0] =	vst v2;
	v2 =	vmul.f32 v4, v14  }
0x240: {  	[tilespmem:s5+$0x30] =	vst v1  }
0x241: {  	s0 =	sadd.s32 s2, s0;
	[tilespmem:s5+$0xFFFFFFF0] =	vst v2  }
0x242: {  	[hbm4b:s0+s3] =	stream.linear.scatter [tilespmem:s19], [sflag:$0x7], $0x3200, $0x38;
	[tilespmem:$0x16690] =	vst v63  }
0x243: {  	_ =	swait.ge [sflag:s24], $0x3400  }
0x244: {  	[sflag:s24] =	ssyncset.done $0x0  }
0x245: {  	s0 =	simm.s32 @!p0 $0x6;
	[sflag:s24] =	ssyncadd.s32 $0xFFFFCC00  }
0x246: {  	_ =	swait.ge @!p0 [sflag:s0], $0x3200  }
0x247: {  	[sflag:s0] =	ssyncset.done @!p0 $0x0  }
0x248: {  	[sflag:s0] =	ssyncadd.s32 @!p0 $0xFFFFCE00  }
0x249: {  	v1 =	vld @!p0 [tilespmem:s1+$0x3678];
	_ =	sdelay $0x6  }
0x24a: {  	s5 =	simm.s32 @!p0 $0xCA90;
	s0 =	simm.s32 @!p0 $0x0  }
0x24b: {  	[tilespmem:s5], [sflag:$0x2] =	stream.indirect_vreg.gather @!p0 [hbm4b:s4+s0], $0x40, v1, vm1, $0xb8;
	[tilespmem:$0x16690] =	vst v63  }
0x24c: {  	v1 =	vld @!p0 [tilespmem:s1+$0x3688];
	_ =	sdelay $0x6  }
0x24d: {  	s5 =	simm.s32 @!p0 $0xCE90  }
0x24e: {  	[tilespmem:s5], [sflag:$0x2] =	stream.indirect_vreg.gather @!p0 [hbm4b:s4+s0], $0x40, v1, vm1, $0xb8;
	[tilespmem:$0x16690] =	vst v63  }
0x24f: {  	v1 =	vld @!p0 [tilespmem:s1+$0x3698];
	_ =	sdelay $0x6  }
0x250: {  	s5 =	simm.s32 @!p0 $0xD290  }
0x251: {  	[tilespmem:s5], [sflag:$0x2] =	stream.indirect_vreg.gather @!p0 [hbm4b:s4+s0], $0x40, v1, vm1, $0xb8;
	[tilespmem:$0x16690] =	vst v63  }
0x252: {  	v1 =	vld @!p0 [tilespmem:s1+$0x36A8];
	_ =	sdelay $0x6  }
0x253: {  	s5 =	simm.s32 @!p0 $0xD690  }
0x254: {  	[tilespmem:s5], [sflag:$0x2] =	stream.indirect_vreg.gather @!p0 [hbm4b:s4+s0], $0x40, v1, vm1, $0xb8;
	[tilespmem:$0x16690] =	vst v63  }
0x255: {  	v1 =	vld @!p0 [tilespmem:s1+$0x36B8];
	_ =	sdelay $0x6  }
0x256: {  	s5 =	simm.s32 @!p0 $0xDA90  }
0x257: {  	[tilespmem:s5], [sflag:$0x2] =	stream.indirect_vreg.gather @!p0 [hbm4b:s4+s0], $0x40, v1, vm1, $0xb8;
	[tilespmem:$0x16690] =	vst v63  }
0x258: {  	v1 =	vld @!p0 [tilespmem:s1+$0x36C8];
	_ =	sdelay $0x6  }
0x259: {  	s5 =	simm.s32 @!p0 $0xDE90  }
0x25a: {  	[tilespmem:s5], [sflag:$0x2] =	stream.indirect_vreg.gather @!p0 [hbm4b:s4+s0], $0x40, v1, vm1, $0xb8;
	[tilespmem:$0x16690] =	vst v63  }
0x25b: {  	v1 =	vld @!p0 [tilespmem:s1+$0x36D8];
	_ =	sdelay $0x6  }
0x25c: {  	s5 =	simm.s32 @!p0 $0xE290  }
0x25d: {  	[tilespmem:s5], [sflag:$0x2] =	stream.indirect_vreg.gather @!p0 [hbm4b:s4+s0], $0x40, v1, vm1, $0xb8;
	[tilespmem:$0x16690] =	vst v63  }
0x25e: {  	v1 =	vld @!p0 [tilespmem:s1+$0x36E8];
	_ =	sdelay $0x6  }
0x25f: {  	s5 =	simm.s32 @!p0 $0xE690  }
0x260: {  	[tilespmem:s5], [sflag:$0x2] =	stream.indirect_vreg.gather @!p0 [hbm4b:s4+s0], $0x40, v1, vm1, $0xb8;
	[tilespmem:$0x16690] =	vst v63  }
0x261: {  	v1 =	vld @!p0 [tilespmem:s1+$0x36F8];
	_ =	sdelay $0x6  }
0x262: {  	s5 =	simm.s32 @!p0 $0xEA90  }
0x263: {  	[tilespmem:s5], [sflag:$0x2] =	stream.indirect_vreg.gather @!p0 [hbm4b:s4+s0], $0x40, v1, vm1, $0xb8;
	[tilespmem:$0x16690] =	vst v63  }
0x264: {  	v1 =	vld @!p0 [tilespmem:s1+$0x3708];
	_ =	sdelay $0x6  }
0x265: {  	s5 =	simm.s32 @!p0 $0xEE90  }
0x266: {  	[tilespmem:s5], [sflag:$0x2] =	stream.indirect_vreg.gather @!p0 [hbm4b:s4+s0], $0x40, v1, vm1, $0xb8;
	[tilespmem:$0x16690] =	vst v63  }
0x267: {  	v1 =	vld @!p0 [tilespmem:s1+$0x3718];
	_ =	sdelay $0x6  }
0x268: {  	s5 =	simm.s32 @!p0 $0xF290  }
0x269: {  	[tilespmem:s5], [sflag:$0x2] =	stream.indirect_vreg.gather @!p0 [hbm4b:s4+s0], $0x40, v1, vm1, $0xb8;
	[tilespmem:$0x16690] =	vst v63  }
0x26a: {  	v1 =	vld @!p0 [tilespmem:s1+$0x3728];
	_ =	sdelay $0x6  }
0x26b: {  	s5 =	simm.s32 @!p0 $0xF690  }
0x26c: {  	[tilespmem:s5], [sflag:$0x2] =	stream.indirect_vreg.gather @!p0 [hbm4b:s4+s0], $0x40, v1, vm1, $0xb8;
	[tilespmem:$0x16690] =	vst v63  }
0x26d: {  	v1 =	vld @!p0 [tilespmem:s1+$0x3730];
	_ =	sdelay $0x6  }
0x26e: {  	s1 =	simm.s32 @!p0 $0xF890  }
0x26f: {  	[tilespmem:s1], [sflag:$0x2] =	stream.indirect_vreg.gather @!p0 [hbm4b:s4+s0], $0x40, v1, vm1, $0xb8;
	[tilespmem:$0x16690] =	vst v63  }
0x270: {  	s0 =	simm.s32 $0x132D0;
	v1 =	vld [tilespmem:s29+$0x0]  }
0x271: {  	s9 =	simm.s32 $0xD0;
	v2 =	vld [tilespmem:s0+$0x0]  }
0x272: {  	v4 =	vld [tilespmem:s9+$0x0]  }
0x273: {  	s13 =	ssub.s32 s30, s29  }
0x274: {  	v3 =	vmov s13  }
0x275: {  	s14 =	simm.s32 $0x1;
	v3 =	vperm.xlane v1, v3  }
0x276: {  	v1 =	vmov s14  }
0x277: {  	vm1 =	vlt.s32 v1, v3;
	v1 =	vadd.f32 v4, v2  }
0x278: {  	v10 =	vsel vm1, $0x41000000, v0  }
0x279: {  	v2 =	vld [tilespmem:s0+$0xFFFFFFC0];
	v1 =	vmul.f32 v1, v10  }
0x27a: {  	v4 =	vld [tilespmem:s9+$0xFFFFFFC0]  }
0x27b: {  	[tilespmem:s0+$0x0] =	vst v1;
	v1 =	vld [tilespmem:s0+$0x10]  }
0x27c: {  	v5 =	vld [tilespmem:s9+$0x10]  }
0x27d: {  	s15 =	simm.s32 $0x0  }
0x27e: {  	v6 =	vmov s15  }
0x27f: {  	s1 =	simm.s32 $0x13350;
	v7 =	vld [tilespmem:s0+$0xFFFFFFD0];
	vm1 =	vlt.s32 v6, v3;
	v2 =	vadd.f32 v4, v2  }
0x280: {  	s14 =	simm.s32 $0x150;
	v12 =	vsel vm1, $0x41000000, v0;
	v4 =	vld [tilespmem:s1+$0x0]  }
0x281: {  	v2 =	vmul.f32 v2, v12;
	v1 =	vadd.f32 v5, v1;
	v5 =	vld [tilespmem:s14+$0x0]  }
0x282: {  	v8 =	vld [tilespmem:s1+$0xFFFFFFC0]  }
0x283: {  	v11 =	vld [tilespmem:s0+$0x20];
	[tilespmem:s0+$0xFFFFFFC0] =	vst v2;
	v1 =	vmul.f32 v1, v10  }
0x284: {  	s16 =	simm.s32 $0x3;
	v2 =	vld [tilespmem:s9+$0xFFFFFFD0]  }
0x285: {  	v9 =	vld [tilespmem:s14+$0xFFFFFFC0];
	[tilespmem:s0+$0x10] =	vst v1;
	v1 =	vmov s16  }
0x286: {  	v14 =	vld [tilespmem:s0+$0xFFFFFFF0];
	vm1 =	vlt.s32 v1, v3;
	v4 =	vadd.f32 v5, v4  }
0x287: {  	v5 =	vld [tilespmem:s9+$0x20];
	v1 =	vsel vm1, $0x41000000, v0  }
0x288: {  	s17 =	simm.s32 $0x2;
	v13 =	vld [tilespmem:s1+$0xFFFFFFD0];
	v4 =	vmul.f32 v4, v1  }
0x289: {  	v16 =	vld [tilespmem:s0+$0x30];
	v2 =	vadd.f32 v2, v7;
	v7 =	vmov s17  }
0x28a: {  	vm1 =	vlt.s32 v7, v3;
	v7 =	vadd.f32 v9, v8;
	v8 =	vld [tilespmem:s1+$0x10];
	[tilespmem:s1+$0x0] =	vst v4  }
0x28b: {  	s15 =	simm.s32 $0x133D0;
	v4 =	vmul.f32 v2, v12;
	v2 =	vsel vm1, $0x41000000, v0;
	v9 =	vld [tilespmem:s14+$0x10]  }
0x28c: {  	v17 =	vld [tilespmem:s15+$0xFFFFFFC0];
	v7 =	vmul.f32 v7, v2;
	v5 =	vadd.f32 v5, v11  }
0x28d: {  	v6 =	vld [tilespmem:s0+$0xFFFFFFE0];
	[tilespmem:s0+$0xFFFFFFD0] =	vst v4  }
0x28e: {  	v15 =	vld [tilespmem:s9+$0xFFFFFFE0];
	[tilespmem:s1+$0xFFFFFFC0] =	vst v7;
	v5 =	vmul.f32 v5, v10  }
0x28f: {  	v7 =	vld [tilespmem:s14+$0xFFFFFFD0]  }
0x290: {  	[tilespmem:s0+$0x20] =	vst v5;
	v5 =	vadd.f32 v9, v8;
	v8 =	vld [tilespmem:s15+$0x0]  }
0x291: {  	s16 =	simm.s32 $0x1D0;
	v19 =	vld [tilespmem:s9+$0x30]  }
0x292: {  	v9 =	vld [tilespmem:s16+$0x0]  }
0x293: {  	v18 =	vld [tilespmem:s1+$0x20];
	v5 =	vmul.f32 v5, v1  }
0x294: {  	v7 =	vadd.f32 v7, v13;
	v13 =	vld [tilespmem:s16+$0xFFFFFFC0]  }
0x295: {  	s29 =	simm.s32 $0x5;
	v11 =	vld [tilespmem:s1+$0xFFFFFFE0];
	[tilespmem:s1+$0x10] =	vst v5;
	v5 =	vadd.f32 v15, v6  }
0x296: {  	v6 =	vmul.f32 v7, v2;
	v7 =	vmov s29;
	v15 =	vld [tilespmem:s14+$0x20];
	v16 =	vadd.f32 v19, v16  }
0x297: {  	s31 =	simm.s32 $0x4;
	v4 =	vld [tilespmem:s1+$0xFFFFFFF0];
	vm1 =	vlt.s32 v7, v3;
	v7 =	vadd.f32 v9, v8;
	v8 =	vmul.f32 v5, v12  }
0x298: {  	v9 =	vld [tilespmem:s15+$0xFFFFFFD0];
	[tilespmem:s1+$0xFFFFFFD0] =	vst v6;
	v6 =	vmov s31;
	v5 =	vsel vm1, $0x41000000, v0;
	v16 =	vmul.f32 v16, v10  }
0x299: {  	v10 =	vld [tilespmem:s1+$0x30];
	v13 =	vadd.f32 v13, v17;
	vm1 =	vlt.s32 v6, v3;
	v7 =	vmul.f32 v7, v5  }
0x29a: {  	v17 =	vld [tilespmem:s14+$0xFFFFFFE0];
	[tilespmem:s0+$0xFFFFFFE0] =	vst v8;
	v6 =	vsel vm1, $0x41000000, v0  }
0x29b: {  	v63 =	vld [tilespmem:s9+$0xFFFFFFF0];
	[tilespmem:s15+$0x0] =	vst v7;
	v7 =	vmul.f32 v13, v6;
	v13 =	vadd.f32 v15, v18  }
0x29c: {  	v15 =	vld [tilespmem:s15+$0x10]  }
0x29d: {  	v18 =	vld [tilespmem:s16+$0x10];
	v13 =	vmul.f32 v13, v1  }
0x29e: {  	v8 =	vld [tilespmem:s15+$0xFFFFFFE0];
	[tilespmem:s15+$0xFFFFFFC0] =	vst v7  }
0x29f: {  	s7 =	simm.s32 $0x250;
	v11 =	vadd.f32 v17, v11;
	[tilespmem:s1+$0x20] =	vst v13;
	v13 =	vld [tilespmem:s16+$0xFFFFFFD0]  }
0x2a0: {  	[tilespmem:s0+$0x30] =	vst v16;
	v16 =	vld [tilespmem:s7+$0x0];
	v19 =	vadd.f32 v63, v14  }
0x2a1: {  	v17 =	vmul.f32 v11, v2;
	v11 =	vld [tilespmem:s14+$0x30]  }
0x2a2: {  	s5 =	simm.s32 $0x13450;
	v7 =	vld [tilespmem:s15+$0xFFFFFFF0];
	v15 =	vadd.f32 v18, v15;
	v12 =	vmul.f32 v19, v12  }
0x2a3: {  	s8 =	simm.s32 $0x8;
	s13 =	simm.s32 $0x6;
	v14 =	vld [tilespmem:s5+$0x0];
	[tilespmem:s1+$0xFFFFFFE0] =	vst v17  }
.LBB2_11:
0x2a4: {  	p0 =	slt.u32 s8, $0xC6;
	v17 =	vld [tilespmem:s5+$0xFFFFFFC0];
	v9 =	vadd.f32 v13, v9;
	v13 =	vmul.f32 v15, v5;
	[tilespmem:s0+$0xFFFFFFF0] =	vst v12;
	s0 =	smov.u32 s1;
	s1 =	smov.u32 s15  }
0x2a5: {  	s15 =	smov.u32 s5;
	v12 =	vld [tilespmem:s7+$0xFFFFFFC0]  }
0x2a6: {  	s9 =	sadd.s32 $0x1, s13;
	v15 =	vmul.f32 v9, v6;
	[tilespmem:s1+$0x10] =	vst v13;
	v13 =	vld [tilespmem:s1+$0x20];
	v10 =	vadd.f32 v11, v10  }
0x2a7: {  	v11 =	vmov s9;
	v18 =	vld [tilespmem:s16+$0x20]  }
0x2a8: {  	vm1 =	vlt.s32 v11, v3;
	v9 =	vld [tilespmem:s5+$0xFFFFFFD0];
	v11 =	vadd.f32 v16, v14;
	[tilespmem:s1+$0xFFFFFFD0] =	vst v15;
	v10 =	vmul.f32 v10, v1  }
0x2a9: {  	v14 =	vmov s13;
	v1 =	vmov v5;
	v5 =	vsel vm1, $0x41000000, v0;
	s13 =	smov.u32 s8;
	v15 =	vld [tilespmem:s16+$0xFFFFFFE0]  }
0x2aa: {  	vm1 =	vlt.s32 v14, v3;
	v12 =	vadd.f32 v12, v17;
	v14 =	vld [tilespmem:s5+$0xFFFFFFE0];
	v11 =	vmul.f32 v11, v5;
	[tilespmem:s0+$0x30] =	vst v10  }
0x2ab: {  	v16 =	vsel vm1, $0x41000000, v0;
	v17 =	vld [tilespmem:s14+$0xFFFFFFF0];
	s14 =	smov.u32 s16;
	s16 =	smov.u32 s7  }
0x2ac: {  	v10 =	vmul.f32 v12, v16;
	[tilespmem:s5+$0x0] =	vst v11;
	v12 =	vld [tilespmem:s5+$0x10];
	v11 =	vadd.f32 v18, v13  }
0x2ad: {  	v18 =	vld [tilespmem:s7+$0x10]  }
0x2ae: {  	[tilespmem:s5+$0xFFFFFFC0] =	vst v10;
	v19 =	vld [tilespmem:s5+$0xFFFFFFF0];
	v10 =	vadd.f32 v15, v8;
	v11 =	vmul.f32 v11, v1  }
.Ltmp4:
0x2af: {  	v13 =	vld [tilespmem:s7+$0xFFFFFFD0];
	v8 =	vmov v14;
	(pc) =	sbr.rel @p0 .LBB2_11-.Ltmp4, $4  }
0x2b0: {  	v20 =	vmul.f32 v10, v6;
	[tilespmem:s1+$0x20] =	vst v11;
	v10 =	vld [tilespmem:s1+$0x30];
	v17 =	vadd.f32 v17, v4;
	v4 =	vmov v7  }
0x2b1: {  	s5 =	sadd.s32 $0x80, s5;
	v11 =	vld [tilespmem:s14+$0x30]  }
0x2b2: {  	s7 =	sadd.s32 $0x80, s7;
	v14 =	vld [tilespmem:s5+$0x0];
	v15 =	vadd.f32 v18, v12;
	[tilespmem:s1+$0xFFFFFFE0] =	vst v20;
	v12 =	vmul.f32 v17, v2;
	v2 =	vmovc v6;
	v6 =	vmov v16  }
0x2b3: {  	s8 =	sadd.s32 $0x2, s8;
	v16 =	vld [tilespmem:s7+$0x0];
	v7 =	vmov v19  }
0x2b4: {  	v17 =	vld [tilespmem:s5+$0xFFFFFFC0]  }
0x2b5: {  	v19 =	vld [tilespmem:s7+$0xFFFFFFC0]  }
0x2b6: {  	s8 =	sadd.s32 $0x1, s13  }
0x2b7: {  	v18 =	vmov s8  }
0x2b8: {  	vm1 =	vlt.s32 v18, v3;
	v14 =	vadd.f32 v16, v14  }
0x2b9: {  	v41 =	vmov s13;
	v40 =	vsel vm1, $0x41000000, v0  }
0x2ba: {  	vm1 =	vlt.s32 v41, v3;
	v3 =	vadd.f32 v19, v17;
	v14 =	vmul.f32 v14, v40  }
0x2bb: {  	v42 =	vsel vm1, $0x41000000, v0  }
0x2bc: {  	v43 =	vld [tilespmem:s5+$0x10];
	v3 =	vmul.f32 v3, v42;
	[tilespmem:s5+$0x0] =	vst v14  }
0x2bd: {  	v44 =	vld [tilespmem:s7+$0x10]  }
0x2be: {  	v20 =	vld [tilespmem:s5+$0xFFFFFFD0];
	[tilespmem:s5+$0xFFFFFFC0] =	vst v3  }
0x2bf: {  	v47 =	vld [tilespmem:s7+$0xFFFFFFD0]  }
0x2c0: {  	v3 =	vadd.f32 v13, v9;
	_ =	sdelay $0x1  }
0x2c1: {  	v3 =	vmul.f32 v3, v6;
	v48 =	vadd.f32 v44, v43  }
0x2c2: {  	v45 =	vld [tilespmem:s5+$0xFFFFFFE0];
	v46 =	vmul.f32 v15, v5  }
0x2c3: {  	v49 =	vld [tilespmem:s15+$0x20];
	[tilespmem:s15+$0xFFFFFFD0] =	vst v3;
	v13 =	vadd.f32 v47, v20;
	v3 =	vmul.f32 v48, v40  }
0x2c4: {  	v53 =	vld [tilespmem:s5+$0x20];
	[tilespmem:s15+$0x10] =	vst v46  }
0x2c5: {  	v50 =	vld [tilespmem:s16+$0x20];
	[tilespmem:s5+$0x10] =	vst v3;
	v3 =	vmul.f32 v13, v42  }
0x2c6: {  	v51 =	vld [tilespmem:s16+$0xFFFFFFE0]  }
0x2c7: {  	v54 =	vld [tilespmem:s7+$0x20];
	[tilespmem:s5+$0xFFFFFFD0] =	vst v3  }
0x2c8: {  	v55 =	vld [tilespmem:s7+$0xFFFFFFE0];
	_ =	sdelay $0x1  }
0x2c9: {  	v3 =	vadd.f32 v50, v49  }
0x2ca: {  	v52 =	vld [tilespmem:s5+$0xFFFFFFF0];
	v8 =	vadd.f32 v51, v8  }
0x2cb: {  	v57 =	vld [tilespmem:s14+$0xFFFFFFF0];
	v3 =	vmul.f32 v3, v5;
	v56 =	vadd.f32 v54, v53  }
0x2cc: {  	v59 =	vld [tilespmem:s5+$0x30];
	v8 =	vmul.f32 v8, v6;
	v15 =	vadd.f32 v55, v45  }
0x2cd: {  	[tilespmem:s15+$0x20] =	vst v3;
	v3 =	vld [tilespmem:s15+$0x30];
	v9 =	vmul.f32 v56, v40  }
0x2ce: {  	[tilespmem:s15+$0xFFFFFFE0] =	vst v8;
	v58 =	vld [tilespmem:s16+$0x30];
	v15 =	vmul.f32 v15, v42  }
0x2cf: {  	v8 =	vld [tilespmem:s16+$0xFFFFFFF0];
	[tilespmem:s5+$0x20] =	vst v9  }
0x2d0: {  	v60 =	vld [tilespmem:s7+$0x30];
	[tilespmem:s5+$0xFFFFFFE0] =	vst v15  }
0x2d1: {  	v10 =	vadd.f32 v11, v10;
	v61 =	vld [tilespmem:s7+$0xFFFFFFF0]  }
0x2d2: {  	v4 =	vadd.f32 v57, v4  }
0x2d3: {  	v1 =	vmul.f32 v10, v1;
	v3 =	vadd.f32 v58, v3  }
0x2d4: {  	[tilespmem:s0+$0xFFFFFFF0] =	vst v12;
	v2 =	vmul.f32 v4, v2;
	v62 =	vadd.f32 v8, v7  }
0x2d5: {  	s28 =	sadd.s32 $0x1, s28;
	[tilespmem:s1+$0x30] =	vst v1;
	v1 =	vmul.f32 v3, v5;
	v3 =	vadd.f32 v60, v59  }
0x2d6: {  	p0 =	sne.s32 s28, $0x20;
	[tilespmem:s1+$0xFFFFFFF0] =	vst v2;
	v2 =	vmul.f32 v62, v6;
	v63 =	vadd.f32 v61, v52  }
.Ltmp5:
0x2d7: {  	s31 =	sadd.s32 s6, s30;
	[tilespmem:s15+$0x30] =	vst v1;
	v1 =	vmul.f32 v3, v40;
	(pc) =	sbr.rel @p0 .LBB2_4-.Ltmp5, $4  }
0x2d8: {  	s0 =	smul.u32 $0x640, s31;
	[tilespmem:s15+$0xFFFFFFF0] =	vst v2;
	v2 =	vmul.f32 v63, v42  }
0x2d9: {  	[tilespmem:s5+$0x30] =	vst v1  }
0x2da: {  	s0 =	sadd.s32 s2, s0;
	[tilespmem:s5+$0xFFFFFFF0] =	vst v2  }
0x2db: {  	[hbm4b:s0+s3] =	stream.linear.scatter [tilespmem:s12], [sflag:$0x8], $0x3200, $0x38;
	[tilespmem:$0x16690] =	vst v63  }
0x2dc: {  	s0 =	simm.s32 $0x5  }
0x2dd: {  	_ =	swait.ge [sflag:s0], $0x3200  }
0x2de: {  	[sflag:s0] =	ssyncset.done $0x0  }
0x2df: {  	s29 =	simm.s32 $0x6;
	[sflag:s0] =	ssyncadd.s32 $0xFFFFCE00  }
0x2e0: {  	_ =	swait.ge [sflag:s29], $0x3200  }
0x2e1: {  	[sflag:s29] =	ssyncset.done $0x0  }
0x2e2: {  	s30 =	simm.s32 $0x7;
	[sflag:s29] =	ssyncadd.s32 $0xFFFFCE00  }
0x2e3: {  	_ =	swait.ge [sflag:s30], $0x3200  }
0x2e4: {  	[sflag:s30] =	ssyncset.done $0x0  }
0x2e5: {  	s1 =	simm.s32 $0x8;
	[sflag:s30] =	ssyncadd.s32 $0xFFFFCE00  }
0x2e6: {  	_ =	swait.ge [sflag:s1], $0x3200  }
0x2e7: {  	s5 =	rddreg [dreg:$0x8]  }
0x2e8: {  	s31 =	rddreg [dreg:$0x7];
	s5 =	sadd.s32 $0x1, s5  }
0x2e9: {  	p0 =	sne.s32 s5, s31  }
.Ltmp6:
0x2ea: {  	_ = 	snop;
	(pc) =	sbr.rel @p0 .LBB2_1-.Ltmp6, $3  }
0x2eb: {  	_ =	sdelay $0x1  }
0x2ec: {  	[sflag:s1] =	ssyncset.done $0x0  }
0x2ed: {  	[sflag:s1] =	ssyncadd.s32 $0xFFFFCE00  }
0x2ee: {  	_ =	sfence.sel $0x180000  }
0x2ef: {  	[bflag:$0x0] =	sbarrier.arrive $0xFFFF  }
0x2f0: {  	_ =	strace $0x90000047  }
0x2f1: {  	s0 =	stileid.u32;
	[bflag:$0x2] =	sbarrier.arrive $0xFFFF  }
0x2f2: {  	p0 =	sne.s32 s0, $0x0;
	s0 =	rddreg [dreg:$0x3]  }
0x2f3: {  	s0 =	sadd.s32 @!p0 $0x100000, s0  }
0x2f4: {  	[sflag:s0] =	ssyncadd.tile.s32 @!p0 $0x1;
	_ =	shalt  }
.Lfunc_end2:
_tile_overlayer_lowered:
.L_overlay_start_2:
0x2f5: {  	(tag) =	ssettag $0x2  }
0x2f6: {  	s0 =	rddreg [dreg:$0x0];
	s2 =	stileid.u32  }
0x2f7: {  	s1 =	rddreg [dreg:$0x1];
	p0 =	sne.s32 s2, $0x0  }
0x2f8: {  	s3 =	rddreg [dreg:$0x2];
	[bflag:$0x3] =	sbarrier.arrive $0xFFFF;
	s2 =	simm.s32 @!p0 $0x1C09  }
0x2f9: {  	[timem:s3], [sflag:s2] =	dma.local @!p0 [hbm:s0], s1  }
0x2fa: {  	s0 =	simm.s32 @!p0 $0x9  }
0x2fb: {  	_ =	swait.ge @!p0 [sflag:s0], s1  }
0x2fc: {  	s1 =	ssub.s32 @!p0 $0x0, s1;
	[sflag:s0] =	ssyncset.done @!p0 $0x0  }
0x2fd: {  	[sflag:s0] =	ssyncadd.s32 @!p0 s1  }
0x2fe: {  	[bflag:$0x3] =	sbarrier.arrive $0xFFFF  }
0x2ff: {  	_ =	shalt  }

// kernel: sparse-core-data-format-call.cloned.1.call-start
scs
called_computation_lowered:
.L_overlay_start_0:
0x0: {  	s2 =	sld [smem:$0x3FD9]  }
0x1: {  	s3 =	sld [smem:$0x3FFE];
	_ =	sdelay $0x1  }
0x2: {  	s1 =	srdreg.scid  }
0x3: {  	s0 =	sand.u32 $0x1, s1  }
0x4: {  	s18 =	sshll.u32 s0, $0xA;
	s2 =	sadd.s32 s3, s2  }
0x5: {  	s2 =	sadd.s32 s2, s18  }
0x6: {  	[smem:$0x3FC4] =	sst s2  }
0x7: {  	_ = 	snop  }
0x8: {  	s2 =	sld [smem:$0x3FD0];
	(tm) =	ssettm $0x1  }
0x9: {  	s19 =	sld [smem:$0x3FFB];
	_ =	sdelay $0x3  }
0xa: {  	_ =	strace s19  }
0xb: {  	s3 =	sld [smem:$0x3FFC];
	_ =	sdelay $0x3  }
0xc: {  	_ =	strace s3  }
0xd: {  	s3 =	sld [smem:$0x3FFD];
	_ =	sdelay $0x3  }
0xe: {  	_ =	strace s3  }
0xf: {  	_ =	strace $0x8FFFFFFF  }
0x10: {  	s20 =	sld [smem:$0x3FDB];
	_ =	sdelay $0x1  }
0x11: {  	s4 =	simm.s32 $_scs_section_size  }
0x12: {  	s5 =	simm.s32 $_size__tile_overlayer_lowered;
	s6 =	simm.s32 $_tile_overlayer_lowered  }
0x13: {  	s23 =	simm.s32 $0x1BFF;
	s22 =	sshll.u32 s6, $0x1;
	s3 =	sadd.s32 s4, s20  }
0x14: {  	s7 =	simm.s32 $0x0;
	s21 =	sshll.u32 s5, $0x1;
	s5 =	sadd.s32 s22, s3  }
0x15: {  	[timem:s7], [sflag:s23] =	dma.local [hbm:s5], s21  }
0x16: {  	_ =	swait.ge [sflag:s23], s21  }
0x17: {  	s4 =	ssub.s32 $0x0, s21;
	[sflag:s23] =	ssyncset.done $0x0  }
0x18: {  	[sflag:s23] =	ssyncadd.s32 s4;
	_ =	sdelay $0x1  }
0x19: {  	s24 =	simm.s32 $0x1B8B  }
0x1a: {  	_ =	swait.ge [sflag:s24], $0x1  }
0x1b: {  	[sflag:s24] =	ssyncset.done $0x0  }
0x1c: {  	s26 =	simm.s32 $0x1B8E;
	s25 =	sld [smem:$0x3FFE];
	[sflag:s24] =	ssyncadd.s32 $0xFFFFFFFF  }
0x1d: {  	s27 =	simm.s32 $execute0_lowered;
	[smem:$0x3FD2] =	sst s26  }
0x1e: {  	s5 =	sshll.u32 s27, $0x1;
	_ =	strace $0x80000049;
	[dreg:$0x1] =	wrdreg $0xFFFFFFFF  }
0x1f: {  	s28 =	simm.s32 $_size_execute0_lowered;
	s3 =	sadd.s32 s3, s5;
	[dreg:$0x0] =	wrdreg $0x0  }
0x20: {  	s5 =	sshll.u32 s28, $0x1;
	[dreg:$0x2] =	wrdreg s3  }
0x21: {  	[dreg:$0x3] =	wrdreg s5  }
0x22: {  	[dreg:$0x4] =	wrdreg $0xC0  }
0x23: {  	_ =	task [dreg:s7], $0x5FFFF  }
0x24: {  	[dreg:$0x1] =	wrdreg $0xFFFFFFFF  }
0x25: {  	[dreg:$0x0] =	wrdreg $0x60  }
0x26: {  	[dreg:$0x2] =	wrdreg s25  }
0x27: {  	[dreg:$0x3] =	wrdreg s2  }
0x28: {  	[dreg:$0x4] =	wrdreg $0x9  }
0x29: {  	_ =	task.clear_ibuf [dreg:s7], $0x5FFFF;
	_ =	strace $0x90000049  }
0x2a: {  	s29 =	simm.s32 $0x9;
	_ =	strace $0x8000004B  }
0x2b: {  	_ =	swait.ge [sflag:s29], $0x1  }
0x2c: {  	[sflag:s29] =	ssyncadd.s32 $0xFFFFFFFF  }
0x2d: {  	_ =	strace $0x9000004B  }
0x2e: {  	_ =	sfence  }
0x2f: {  	s30 =	sld [smem:$0x0];
	_ =	sdelay $0x2  }
0x30: {  	s31 =	sshll.u32 s1, $0xD;
	s1 =	sshrl.u32 s1, $0x2  }
0x31: {  	s3 =	sand.u32 $0x4000, s31;
	s1 =	sadd.s32 s1, s30  }
0x32: {  	s0 =	sor.u32 s3, s0;
	s1 =	sshll.u32 s1, $0x11  }
0x33: {  	s0 =	sor.u32 s1, s0  }
0x34: {  	s0 =	sadd.s32 $0x8F2B, s0  }
0x35: {  	[sflag:s0] =	ssyncadd.remote.s32 $0x1  }
0x36: {  	_ =	sfence.sel $0xFFFF  }
0x37: {  	[dreg:$0x0] =	wrdreg $0xFFFFFFFF;
	(pc) =	sbr.abs _section_cstart, $3  }
0x38: {  	[dreg:$0x1] =	wrdreg $0xFFFFFFFF  }
0x39: {  	_ =	task.clear_ibuf [dreg:s7], $0x2FFFF;
	_ =	strace $0x9FFFFFFF  }
0x3a: {  	(tm) =	ssettm $0x7FFFFFFF  }
0x3b: {  	_ =	shalt  }
tec
execute0_lowered:
.L_overlay_start_1:
0x0: {  	(tag) =	ssettag $0x1  }
0x1: {  	s0 =	srdreg.scid  }
0x2: {  	s1 =	sshll.u32 s0, $0x4  }
0x3: {  	s0 =	stileid.u32;
	s1 =	sand.u32 $0x10, s1  }
0x4: {  	s1 =	sor.u32 s0, s1  }
0x5: {  	s6 =	rddreg [dreg:$0x0];
	s4 =	simm.s32 $0x1;
	s2 =	sshll.u32 s1, $0x7  }
0x6: {  	s7 =	simm.s32 $0x2;
	s12 =	simm.s32 $0x0;
	s1 =	ssub.s32 $0x1000, s2  }
0x7: {  	s8 =	simm.s32 $0x8000;
	s13 =	simm.s32 $0x0;
	s3 =	sand.u32 $0xF80, s1  }
0x8: {  	s9 =	simm.s32 $0x0;
	s5 =	sshrl.u32 s1, $0xC;
	p0 =	sne.s32 s3, $0x0  }
.Ltmp0:
0x9: {  	s1 =	rddreg [dreg:$0x2];
	s4 =	simm.s32 @!p0 $0x0;
	(pc) =	sbr.rel .LBB1_1-.Ltmp0, $4  }
0xa: {  	s11 =	simm.s32 $0x0;
	s3 =	rddreg [dreg:$0x1];
	s5 =	sadd.s32 s4, s5  }
0xb: {  	_ =	strace $0x8000004A;
	s4 =	simm.s32 $0x1;
	s5 =	smul.u32 $0xC8, s5  }
0xc: {  	s6 =	sadd.s32 $0xC00, s6;
	s10 =	smov.u32 s2;
	[sflag:s4] =	ssyncpa.u1 $0x0  }
0xd: {  	p0 =	por $0x0, $0x0;
	[sflag:s7] =	ssyncpa.u1 $0x0;
	s7 =	sor.u32 $0x1, s5  }
.LBB1_4:
0xe: {  	s16 =	sshll.u32 s13, $0x3;
	s17 =	sand.u32 $0x78, s13  }
0xf: {  	s30 =	sand.u32 $0x7E00, s13;
	s12 =	sshll.u32 s12, $0xF;
	s16 =	sand.u32 $0xC00, s16  }
0x10: {  	[tilespmem:s15+$0x810 ss:$0x81] =	vst.msk $0xffff, v2;
	s31 =	sand.u32 $0x7, s13;
	s16 =	sor.u32 s17, s16;
	s17 =	sadd.s32 s3, s30  }
0x11: {  	[tilespmem:s15+$0x1020 ss:$0x81] =	vst.msk $0xffff, v0;
	s13 =	sshll.u32 s31, $0x12;
	s12 =	sadd.s32 s12, s17;
	s16 =	sshrl.u32 s16, $0x3  }
0x12: {  	[tilespmem:s15+$0x0 ss:$0x81] =	vst.msk $0xffff, v1;
	s13 =	sor.u32 $0x400, s13;
	s12 =	sadd.s32 s16, s12  }
0x13: {  	[hbm4b:s12+s13] =	stream.strided.scatter [tilespmem:s14], [sflag:$0x2], $0x2000, s8, s13, $0x20;
	[tilespmem:$0x8080] =	vst v63  }
.LBB1_5:
0x14: {  	s14 =	sadd.s32 $0x1, s9  }
0x15: {  	s12 =	sadd.s32 $0x1000, s10;
	s16 =	smov.u32 s10;
	p2 =	sgt.s32 s14, $0xC7  }
0x16: {  	s16 =	smov.u32 @p2 s12  }
0x17: {  	s14 =	simm.s32 @p2 $0x0;
	p2 =	sgt.s32 s16, $0xFFF  }
0x18: {  	s16 =	smov.u32 @p2 s2;
	p2 =	sne.s32 s11, s7  }
.Ltmp1:
0x19: {  	p1 =	slt.u32 s11, $0x2;
	(pc) =	sbr.rel @!p2 .LBB1_6-.Ltmp1, $4  }
0x1a: {  	s15 =	simm.s32 @!p1 $0x2  }
0x1b: {  	s13 =	smov.u32 s10;
	p0 =	por !p0, !p0;
	_ =	swait.ge @!p1 [sflag:s15], $0x2000  }
0x1c: {  	s12 =	smov.u32 s9;
	[sflag:s15] =	ssyncset.done @!p1 $0x0;
	s9 =	smov.u32 s14  }
0x1d: {  	s11 =	sadd.s32 $0x1, s11;
	[sflag:s15] =	ssyncadd.s32 @!p1 $0xFFFFE000;
	s10 =	smov.u32 s16  }
.LBB1_1:
0x1e: {  	p1 =	sge.u32 s11, s5  }
0x1f: {  	s14 =	sand.u32 @!p1 $0x1FFFFFF, s9  }
0x20: {  	s15 =	smulhi.u32 @!p1 $0x147AE15, s14;
	_ =	sdelay $0x1  }
0x21: {  	s15 =	smul.u32 @!p1 $0xC8, s15  }
0x22: {  	s16 =	sxor.u32 @!p1 $0xFFFFFFFF, s11;
	s17 =	smul.u32 @!p1 $0xC80, s10  }
0x23: {  	s31 =	sadd.s32 $0xFFFFFFFF, s11;
	s16 =	sshll.u32 @!p1 s16, $0xD;
	s14 =	ssub.s32 @!p1 s14, s15  }
0x24: {  	s15 =	sand.u32 @!p1 $0x2000, s16;
	s16 =	sadd.s32 @!p1 s6, s17;
	s14 =	sshll.u32 @!p1 s14, $0x4  }
0x25: {  	s17 =	simm.s32 @!p1 $0x6400;
	s14 =	sadd.s32 @!p1 s14, s16;
	s16 =	simm.s32 @!p1 $0x40  }
0x26: {  	[tilespmem:s15], [sflag:$0x1] =	stream.strided.gather @!p1 [hbm4b:s14+s16], $0x2000, s17, s16, $0x38;
	[tilespmem:$0x8080] =	vst v63  }
0x27: {  	p1 =	sge.u32 s31, s5  }
.Ltmp2:
0x28: {  	_ = 	snop;
	(pc) =	sbr.rel @p1 .LBB1_5-.Ltmp2, $1  }
0x29: {  	_ =	sdelay $0x3  }
0x2a: {  	s14 =	simm.s32 $0x1  }
0x2b: {  	_ =	swait.ge [sflag:s4], $0x2000;
	s14 =	simm.s32 @!p0 $0x0  }
0x2c: {  	[sflag:s4] =	ssyncset.done $0x0;
	s15 =	sshll.u32 s14, $0xD  }
0x2d: {  	[sflag:s4] =	ssyncadd.s32 $0xFFFFE000;
	s18 =	sor.u32 $0x20, s15  }
0x2e: {  	s14 =	smul.u32 $0x8100, s14;
	v3 =	vld [tilespmem:s18+$0x10]  }
0x2f: {  	s30 =	sand.u32 $0x1, s11;
	v2 =	vld [tilespmem:s18+$0xFFFFFFF0]  }
0x30: {  	s15 =	smul.u32 $0x8100, s30;
	s14 =	sshrl.u32 s14, $0x2;
	v0 =	vld [tilespmem:s18+$0x0]  }
0x31: {  	v1 =	vld [tilespmem:s18+$0xFFFFFFE0];
	s16 =	sor.u32 $0x4000, s14  }
0x32: {  	s31 =	sshrl.u32 s15, $0x2;
	s15 =	sadd.s32 $0x0, s16  }
0x33: {  	s17 =	simm.s32 $0x4;
	s18 =	sadd.s32 $0x40, s18;
	s14 =	sor.u32 $0x4000, s31;
	[tilespmem:s15+$0x1830 ss:$0x81] =	vst.msk $0xffff, v3  }
.LBB1_3:
0x34: {  	v3 =	vld [tilespmem:s18+$0x10];
	p1 =	sne.s32 s17, $0x1FC;
	[tilespmem:s15+$0x810 ss:$0x81] =	vst.msk $0xffff, v2;
	s19 =	smov.u32 s17;
	s17 =	sadd.s32 $0x4, s17  }
.Ltmp3:
0x35: {  	v2 =	vld [tilespmem:s18+$0xFFFFFFF0];
	[tilespmem:s15+$0x1020 ss:$0x81] =	vst.msk $0xffff, v0;
	(pc) =	sbr.rel @p1 .LBB1_3-.Ltmp3, $4  }
0x36: {  	v0 =	vld [tilespmem:s18+$0x0];
	[tilespmem:s15+$0x0 ss:$0x81] =	vst.msk $0xffff, v1  }
0x37: {  	s15 =	sshra.s32 s19, $0x2;
	v1 =	vld [tilespmem:s18+$0xFFFFFFE0]  }
0x38: {  	s15 =	sadd.s32 s15, s16  }
0x39: {  	s18 =	sadd.s32 $0x40, s18;
	[tilespmem:s15+$0x1830 ss:$0x81] =	vst.msk $0xffff, v3  }
.Ltmp4:
0x3a: {  	_ = 	snop;
	(pc) =	sbr.rel .LBB1_4-.Ltmp4, $1  }
0x3b: {  	_ =	sdelay $0x3  }
.LBB1_6:
0x3c: {  	_ =	sfence.sel $0x180000  }
0x3d: {  	s2 =	simm.s32 $0x1;
	[bflag:$0x0] =	sbarrier.arrive $0xFFFF  }
0x3e: {  	s31 =	simm.s32 $0x2;
	[sflag:s2] =	ssyncpa.u1 $0x1  }
0x3f: {  	[sflag:s31] =	ssyncpa.u1 $0x1  }
0x40: {  	p0 =	sne.s32 s0, $0x0;
	_ =	strace $0x9000004A  }
0x41: {  	s0 =	sadd.s32 @!p0 $0x100000, s1;
	[bflag:$0x2] =	sbarrier.arrive $0xFFFF  }
0x42: {  	[sflag:s0] =	ssyncadd.tile.s32 @!p0 $0x1;
	_ =	shalt  }
.Lfunc_end1:
_tile_overlayer_lowered:
.L_overlay_start_2:
0x43: {  	(tag) =	ssettag $0x2  }
0x44: {  	s0 =	rddreg [dreg:$0x0];
	s2 =	stileid.u32  }
0x45: {  	s1 =	rddreg [dreg:$0x1];
	p0 =	sne.s32 s2, $0x0  }
0x46: {  	s3 =	rddreg [dreg:$0x2];
	[bflag:$0x3] =	sbarrier.arrive $0xFFFF;
	s2 =	simm.s32 @!p0 $0x1C01  }
0x47: {  	[timem:s3], [sflag:s2] =	dma.local @!p0 [hbm:s0], s1  }
0x48: {  	s0 =	simm.s32 @!p0 $0x1  }
0x49: {  	_ =	swait.ge @!p0 [sflag:s0], s1  }
0x4a: {  	s1 =	ssub.s32 @!p0 $0x0, s1;
	[sflag:s0] =	ssyncset.done @!p0 $0x0  }
0x4b: {  	[sflag:s0] =	ssyncadd.s32 @!p0 s1  }
0x4c: {  	[bflag:$0x3] =	sbarrier.arrive $0xFFFF  }
0x4d: {  	_ =	shalt  }

</sc_bundles>
